<compile_context>
chip_gen: v7x
topology: tpu7x:2x2x1
jax: 0.10.2.dev20260603
libtpu: 0.0.44.dev20260713+nightly
codegen_flags: <defaults>
</compile_context>

<pallas_src>
import functools
import jax
import jax.numpy as jnp
from jax import lax
from jax.experimental import pallas as pl
from jax.experimental.pallas import tpu as pltpu
from jax.experimental.pallas import tpu_sc as plsc

N = 10000
E = 320000
NC = 2
NS = 16
K = 80

_MESH = dict(
    mesh=plsc.VectorSubcoreMesh(
        core_axis_name="c", subcore_axis_name="s", num_cores=NC, num_subcores=NS
    )
)


@functools.partial(
    pl.kernel,
    out_type=jax.ShapeDtypeStruct((2, 1, N), jnp.float32),
    scratch_types=[
        pltpu.VMEM((250, K), jnp.int32),
        pltpu.VMEM((K,), jnp.float32),
        pltpu.VMEM((2000,), jnp.float32),
        pltpu.VMEM_SHARED((N,), jnp.float32),
        pltpu.SemaphoreType.DMA,
    ],
    **_MESH,
)
def _sc_degrees(eidx, out, idx_all, ones_v, zbuf, acc, sem):
    cid = lax.axis_index("c")
    sid = lax.axis_index("s")

    for j in range(K // 16):
        ones_v[pl.ds(j * 16, 16)] = jnp.ones((16,), jnp.float32)

    @pl.when(sid == 0)
    def _zero():
        def zrow(i, _):
            zbuf[pl.ds(i * 16, 16)] = jnp.zeros((16,), jnp.float32)
            return 0
        lax.fori_loop(0, 2000 // 16, zrow, 0)
        for j in range(N // 2000):
            pltpu.sync_copy(zbuf, acc.at[pl.ds(j * 2000, 2000)])

    pltpu.sync_copy(eidx.at[cid, sid], idx_all)

    plsc.subcore_barrier()

    def outer(o, _):
        ds = []
        for b in range(10):
            g = o * 10 + b
            ds.append(pltpu.async_copy(ones_v, acc.at[idx_all.at[g]], sem, add=True))
        for d in ds:
            d.wait()
        return 0

    lax.fori_loop(0, 25, outer, 0)

    plsc.subcore_barrier()

    @pl.when(sid == 0)
    def _writeout():
        pltpu.sync_copy(acc, out.at[cid, 0])


_NB = 3
_NCHUNK = E // (NC * NS) // K
_PER_W = E // (NC * NS)


@functools.partial(
    pl.kernel,
    out_type=jax.ShapeDtypeStruct((NC, N, 128), jnp.float32),
    scratch_types=[
        pltpu.VMEM((_PER_W,), jnp.int32),
        pltpu.VMEM((_PER_W,), jnp.int32),
        pltpu.VMEM((_NB, K, 128), jnp.float32),
        pltpu.VMEM_SHARED((N, 128), jnp.float32),
        pltpu.SemaphoreType.DMA((_NB,)),
        pltpu.SemaphoreType.DMA((_NB,)),
    ],
    **_MESH,
)
def _sc_agg(table, sidx, didx, out, idx_s, idx_d, rows, acc, sem_g, sem_s):
    cid = lax.axis_index("c")
    sid = lax.axis_index("s")
    w = cid * NS + sid

    def zrow(i, _):
        for j in range(8):
            rows[0, i, pl.ds(j * 16, 16)] = jnp.zeros((16,), jnp.float32)
        return 0
    lax.fori_loop(0, 40, zrow, 0)

    @pl.when(sid < 10)
    def _zero():
        def zblk(j, _):
            pltpu.sync_copy(rows.at[0, pl.ds(0, 40)],
                            acc.at[pl.ds(sid * 1000 + j * 40, 40)])
            return 0
        lax.fori_loop(0, 25, zblk, 0)

    pltpu.sync_copy(sidx.at[w], idx_s)
    pltpu.sync_copy(didx.at[w], idx_d)

    plsc.subcore_barrier()

    def gather_start(g, b):
        pltpu.async_copy(table.at[idx_s.at[pl.ds(g * K, K)]], rows.at[b],
                         sem_g.at[b])

    def gather_wait(g, b):
        pltpu.make_async_copy(table.at[idx_s.at[pl.ds(g * K, K)]], rows.at[b],
                              sem_g.at[b]).wait()

    def scatter_start(g, b):
        pltpu.async_copy(rows.at[b], acc.at[idx_d.at[pl.ds(g * K, K)]],
                         sem_s.at[b], add=True)

    def scatter_wait(g, b):
        pltpu.make_async_copy(rows.at[b], acc.at[idx_d.at[pl.ds(g * K, K)]],
                              sem_s.at[b]).wait()

    def step(g, b):
        gather_wait(g, b)
        scatter_start(g, b)

        @pl.when(g >= 1)
        def _ret():
            scatter_wait(g - 1, (b - 1) % _NB)

        @pl.when(g + 2 < _NCHUNK)
        def _pref():
            gather_start(g + 2, (b + 2) % _NB)

    gather_start(0, 0)
    gather_start(1, 1)

    def outer(o, _):
        for b in range(_NB):
            step(o * _NB + b, b)
        return 0

    lax.fori_loop(0, (_NCHUNK - 2) // _NB, outer, 0)
    for g in range(((_NCHUNK - 2) // _NB) * _NB, _NCHUNK):
        step(g, g % _NB)
    scatter_wait(_NCHUNK - 1, (_NCHUNK - 1) % _NB)

    plsc.subcore_barrier()

    @pl.when(sid < 10)
    def _writeout():
        pltpu.sync_copy(
            acc.at[pl.ds(sid * 1000, 1000)],
            out.at[cid, pl.ds(sid * 1000, 1000)],
        )


_BR = 2000


def _prep_body(x_ref, ds_ref, h0_ref):
    ns = lax.rsqrt(jnp.maximum(ds_ref[...], 1.0))
    h0_ref[...] = x_ref[...] * ns


def _prep(x, ds_col):
    return pl.pallas_call(
        _prep_body,
        grid=(N // _BR,),
        in_specs=[
            pl.BlockSpec((_BR, 128), lambda i: (i, 0)),
            pl.BlockSpec((_BR, 1), lambda i: (i, 0)),
        ],
        out_specs=pl.BlockSpec((_BR, 128), lambda i: (i, 0)),
        out_shape=jax.ShapeDtypeStruct((N, 128), jnp.float32),
    )(x, ds_col)


def _mid_body(p0_ref, p1_ref, dd_ref, ds_ref, w1_ref, b1_ref, w2_ref, o_ref):
    nd = lax.rsqrt(jnp.maximum(dd_ref[...], 1.0))
    ns = lax.rsqrt(jnp.maximum(ds_ref[...], 1.0))
    agg = (p0_ref[...] + p1_ref[...]) * nd
    h = jnp.dot(agg, w1_ref[...], preferred_element_type=jnp.float32)
    h = jnp.maximum(h + b1_ref[...], 0.0)
    h2 = jnp.dot(h, w2_ref[...], preferred_element_type=jnp.float32)
    o_ref[...] = h2 * ns


def _mid(p0, p1, dd_col, ds_col, W1, b1r, W2):
    return pl.pallas_call(
        _mid_body,
        grid=(N // _BR,),
        in_specs=[
            pl.BlockSpec((_BR, 128), lambda i: (i, 0)),
            pl.BlockSpec((_BR, 128), lambda i: (i, 0)),
            pl.BlockSpec((_BR, 1), lambda i: (i, 0)),
            pl.BlockSpec((_BR, 1), lambda i: (i, 0)),
            pl.BlockSpec((128, 256), lambda i: (0, 0)),
            pl.BlockSpec((1, 256), lambda i: (0, 0)),
            pl.BlockSpec((256, 128), lambda i: (0, 0)),
        ],
        out_specs=pl.BlockSpec((_BR, 128), lambda i: (i, 0)),
        out_shape=jax.ShapeDtypeStruct((N, 128), jnp.float32),
    )(p0, p1, dd_col, ds_col, W1, b1r, W2)


def _post_body(p0_ref, p1_ref, dd_ref, b2_ref, o_ref):
    nd = lax.rsqrt(jnp.maximum(dd_ref[...], 1.0))
    agg = (p0_ref[...] + p1_ref[...]) * nd
    o_ref[...] = jnp.maximum(agg + b2_ref[...], 0.0)


def _post(p0, p1, dd_col, b2r):
    return pl.pallas_call(
        _post_body,
        grid=(N // _BR,),
        in_specs=[
            pl.BlockSpec((_BR, 128), lambda i: (i, 0)),
            pl.BlockSpec((_BR, 128), lambda i: (i, 0)),
            pl.BlockSpec((_BR, 1), lambda i: (i, 0)),
            pl.BlockSpec((1, 128), lambda i: (0, 0)),
        ],
        out_specs=pl.BlockSpec((_BR, 128), lambda i: (i, 0)),
        out_shape=jax.ShapeDtypeStruct((N, 128), jnp.float32),
    )(p0, p1, dd_col, b2r)


def kernel(x, edge_index, W1, b1, W2, b2):
    eidx = edge_index.astype(jnp.int32)
    src2 = eidx[0].reshape(NC * NS, _PER_W)
    dst3 = eidx[1].reshape(NC * NS, _PER_W)

    deg = _sc_degrees(eidx.reshape(2, NS, E // NS // K, K))
    ds_col = deg[0, 0].reshape(N, 1)
    dd_col = deg[1, 0].reshape(N, 1)

    h0 = _prep(x, ds_col)

    p = _sc_agg(h0, src2, dst3)
    h1s = _mid(p[0], p[1], dd_col, ds_col, W1, b1.reshape(1, -1), W2)

    q = _sc_agg(h1s, src2, dst3)
    return _post(q[0], q[1], dd_col, b2.reshape(1, -1))

# --- scband reference (transcript-rebuilt; emitter-appended) ---
"""Pipeline reference for scband-stochastic-two-layer-rgcn-33122787786911 (READ-ONLY COPY).

The authoritative reference and input builder live on the scoring server;
editing this copy changes nothing except your own understanding.
"""

import jax, jax.numpy as jnp
import numpy as np

N_NODES = 10000
N_EDGES = 320000
IN_FEAT = 128
HID_FEAT = 256
OUT_FEAT = 128


def setup_inputs(seed: int = 0) -> dict:
    key = jax.random.key(seed)
    k_x, k_e, k_w1, k_b1, k_w2, k_b2 = jax.random.split(key, 6)
    x = jax.random.normal(k_x, (N_NODES, IN_FEAT), dtype=jnp.float32)
    edge_index = jax.random.randint(k_e, (2, N_EDGES), 0, N_NODES, dtype=jnp.int64)
    # Glorot-ish init for layer weights, matching dgl GraphConv learnable params
    W1 = jax.random.normal(k_w1, (IN_FEAT, HID_FEAT), dtype=jnp.float32) * (1.0 / np.sqrt(IN_FEAT))
    b1 = jnp.zeros((HID_FEAT,), dtype=jnp.float32)
    W2 = jax.random.normal(k_w2, (HID_FEAT, OUT_FEAT), dtype=jnp.float32) * (1.0 / np.sqrt(HID_FEAT))
    b2 = jnp.zeros((OUT_FEAT,), dtype=jnp.float32)
    return {"x": x, "edge_index": edge_index, "W1": W1, "b1": b1, "W2": W2, "b2": b2}


def _graph_conv(x, src, dst, W, b, n_nodes):
    # dgl GraphConv with norm='both':
    #   h = D_dst^{-1/2} A D_src^{-1/2} X W + b, then activation (ReLU)
    ones = jnp.ones((src.shape[0],), dtype=x.dtype)
    out_deg = jax.ops.segment_sum(ones, src, num_segments=n_nodes)
    in_deg = jax.ops.segment_sum(ones, dst, num_segments=n_nodes)
    norm_src = jax.lax.rsqrt(jnp.clip(out_deg, 1.0, None))
    norm_dst = jax.lax.rsqrt(jnp.clip(in_deg, 1.0, None))
    # mult W first if it reduces feature dim (dgl optimization); math is identical
    if W.shape[0] > W.shape[1]:
        h = x @ W
    else:
        h = x
    h = h * norm_src[:, None]
    msgs = jnp.take(h, src, axis=0)
    agg = jax.ops.segment_sum(msgs, dst, num_segments=n_nodes)
    agg = agg * norm_dst[:, None]
    if W.shape[0] <= W.shape[1]:
        agg = agg @ W
    out = agg + b[None, :]
    return jax.nn.relu(out)


def reference(x, edge_index, W1, b1, W2, b2):
    src = edge_index[0]
    dst = edge_index[1]
    h = _graph_conv(x, src, dst, W1, b1, N_NODES)
    h = _graph_conv(h, src, dst, W2, b2, N_NODES)
    return h

if __name__ == "__main__":
    import jax
    _d = setup_inputs()
    print(jax.jit(kernel)(*tuple(_d.values())))

</pallas_src>

<mosaic_0001>
#map = affine_map<(d0, d1) -> (0, 0)>
#map1 = affine_map<(d0, d1) -> (0, 0, 0)>
module attributes {stable_mosaic.version = 14 : i64} {
  func.func @_sc_agg(%arg0: i32, %arg1: i32, %arg2: memref<10000x128xf32, #tpu.memory_space<hbm>>, %arg3: memref<32x10000xi32, #tpu.memory_space<hbm>>, %arg4: memref<32x10000xi32, #tpu.memory_space<hbm>>, %arg5: memref<2x10000x128xf32, #tpu.memory_space<hbm>>, %arg6: memref<10000xi32, #tpu.memory_space<vmem>>, %arg7: memref<10000xi32, #tpu.memory_space<vmem>>, %arg8: memref<3x80x128xf32, #tpu.memory_space<vmem>>, %arg9: memref<10000x128xf32, #tpu.memory_space<vmem_shared>>, %arg10: memref<3x!tpu.dma_semaphore, #tpu.memory_space<semaphore_mem>>, %arg11: memref<3x!tpu.dma_semaphore, #tpu.memory_space<semaphore_mem>>) attributes {dimension_semantics = [#tpu.dimension_semantics<core_parallel>, #tpu.dimension_semantics<subcore_parallel>], iteration_bounds = array<i64: 2, 16>, scalar_prefetch = 0 : i64, scratch_operands = 6 : i64, tpu.core_type = #tpu.core_type<sc_vector_subcore>, window_params = [{transform_indices = #map}, {transform_indices = #map}, {transform_indices = #map}, {transform_indices = #map1}]} {
    %mul3A = arith.constant 16 : i32
    %mul3A_0 = arith.muli %arg0, %mul3A : i32
    %add3A = arith.addi %mul3A_0, %arg1 : i32
    %scan3A = arith.constant 0 : i32
    %scan3A_1 = arith.constant 0 : i32
    %scan3A_2 = arith.constant 40 : i32
    %scan3A_3 = arith.addi %scan3A_1, %scan3A_2 : i32
    %scan3A_4 = arith.constant 1 : i32
    %scan3A_5 = scf.for %scan3A_137 = %scan3A_1 to %scan3A_3 step %scan3A_4 iter_args(%scan3A_138 = %scan3A) -> (i32)  : i32 {
      %broadcast_in_dim3A = arith.constant 0.000000e+00 : f32
      %broadcast_in_dim3A_139 = vector.broadcast %broadcast_in_dim3A : f32 to vector<16xf32>
      %swap3A = arith.constant 0 : i32
      %swap3A_140 = arith.index_cast %swap3A : i32 to index
      %swap3A_141 = arith.index_cast %scan3A_137 : i32 to index
      %swap3A_142 = arith.constant 0 : index
      %swap3A_143 = tpu.vector_load %arg8[%swap3A_140, %swap3A_141, %swap3A_142] {strides = array<i32>} : memref<3x80x128xf32, #tpu.memory_space<vmem>>, vector<1x1x16xf32>,
      %swap3A_144 = vector.shape_cast %swap3A_143 : vector<1x1x16xf32> to vector<16xf32>
      %swap3A_145 = vector.shape_cast %broadcast_in_dim3A_139 : vector<16xf32> to vector<1x1x16xf32>
      tpu.vector_store %arg8[%swap3A_140, %swap3A_141, %swap3A_142], %swap3A_145 {strides = array<i32>} : memref<3x80x128xf32, #tpu.memory_space<vmem>>, vector<1x1x16xf32>,
      %broadcast_in_dim3A_146 = arith.constant 0.000000e+00 : f32
      %broadcast_in_dim3A_147 = vector.broadcast %broadcast_in_dim3A_146 : f32 to vector<16xf32>
      %swap3A_148 = arith.constant 0 : i32
      %swap3A_149 = arith.index_cast %swap3A_148 : i32 to index
      %swap3A_150 = arith.index_cast %scan3A_137 : i32 to index
      %swap3A_151 = arith.constant 16 : index
      %swap3A_152 = tpu.vector_load %arg8[%swap3A_149, %swap3A_150, %swap3A_151] {strides = array<i32>} : memref<3x80x128xf32, #tpu.memory_space<vmem>>, vector<1x1x16xf32>,
      %swap3A_153 = vector.shape_cast %swap3A_152 : vector<1x1x16xf32> to vector<16xf32>
      %swap3A_154 = vector.shape_cast %broadcast_in_dim3A_147 : vector<16xf32> to vector<1x1x16xf32>
      tpu.vector_store %arg8[%swap3A_149, %swap3A_150, %swap3A_151], %swap3A_154 {strides = array<i32>} : memref<3x80x128xf32, #tpu.memory_space<vmem>>, vector<1x1x16xf32>,
      %broadcast_in_dim3A_155 = arith.constant 0.000000e+00 : f32
      %broadcast_in_dim3A_156 = vector.broadcast %broadcast_in_dim3A_155 : f32 to vector<16xf32>
      %swap3A_157 = arith.constant 0 : i32
      %swap3A_158 = arith.index_cast %swap3A_157 : i32 to index
      %swap3A_159 = arith.index_cast %scan3A_137 : i32 to index
      %swap3A_160 = arith.constant 32 : index
      %swap3A_161 = tpu.vector_load %arg8[%swap3A_158, %swap3A_159, %swap3A_160] {strides = array<i32>} : memref<3x80x128xf32, #tpu.memory_space<vmem>>, vector<1x1x16xf32>,
      %swap3A_162 = vector.shape_cast %swap3A_161 : vector<1x1x16xf32> to vector<16xf32>
      %swap3A_163 = vector.shape_cast %broadcast_in_dim3A_156 : vector<16xf32> to vector<1x1x16xf32>
      tpu.vector_store %arg8[%swap3A_158, %swap3A_159, %swap3A_160], %swap3A_163 {strides = array<i32>} : memref<3x80x128xf32, #tpu.memory_space<vmem>>, vector<1x1x16xf32>,
      %broadcast_in_dim3A_164 = arith.constant 0.000000e+00 : f32
      %broadcast_in_dim3A_165 = vector.broadcast %broadcast_in_dim3A_164 : f32 to vector<16xf32>
      %swap3A_166 = arith.constant 0 : i32
      %swap3A_167 = arith.index_cast %swap3A_166 : i32 to index
      %swap3A_168 = arith.index_cast %scan3A_137 : i32 to index
      %swap3A_169 = arith.constant 48 : index
      %swap3A_170 = tpu.vector_load %arg8[%swap3A_167, %swap3A_168, %swap3A_169] {strides = array<i32>} : memref<3x80x128xf32, #tpu.memory_space<vmem>>, vector<1x1x16xf32>,
      %swap3A_171 = vector.shape_cast %swap3A_170 : vector<1x1x16xf32> to vector<16xf32>
      %swap3A_172 = vector.shape_cast %broadcast_in_dim3A_165 : vector<16xf32> to vector<1x1x16xf32>
      tpu.vector_store %arg8[%swap3A_167, %swap3A_168, %swap3A_169], %swap3A_172 {strides = array<i32>} : memref<3x80x128xf32, #tpu.memory_space<vmem>>, vector<1x1x16xf32>,
      %broadcast_in_dim3A_173 = arith.constant 0.000000e+00 : f32
      %broadcast_in_dim3A_174 = vector.broadcast %broadcast_in_dim3A_173 : f32 to vector<16xf32>
      %swap3A_175 = arith.constant 0 : i32
      %swap3A_176 = arith.index_cast %swap3A_175 : i32 to index
      %swap3A_177 = arith.index_cast %scan3A_137 : i32 to index
      %swap3A_178 = arith.constant 64 : index
      %swap3A_179 = tpu.vector_load %arg8[%swap3A_176, %swap3A_177, %swap3A_178] {strides = array<i32>} : memref<3x80x128xf32, #tpu.memory_space<vmem>>, vector<1x1x16xf32>,
      %swap3A_180 = vector.shape_cast %swap3A_179 : vector<1x1x16xf32> to vector<16xf32>
      %swap3A_181 = vector.shape_cast %broadcast_in_dim3A_174 : vector<16xf32> to vector<1x1x16xf32>
      tpu.vector_store %arg8[%swap3A_176, %swap3A_177, %swap3A_178], %swap3A_181 {strides = array<i32>} : memref<3x80x128xf32, #tpu.memory_space<vmem>>, vector<1x1x16xf32>,
      %broadcast_in_dim3A_182 = arith.constant 0.000000e+00 : f32
      %broadcast_in_dim3A_183 = vector.broadcast %broadcast_in_dim3A_182 : f32 to vector<16xf32>
      %swap3A_184 = arith.constant 0 : i32
      %swap3A_185 = arith.index_cast %swap3A_184 : i32 to index
      %swap3A_186 = arith.index_cast %scan3A_137 : i32 to index
      %swap3A_187 = arith.constant 80 : index
      %swap3A_188 = tpu.vector_load %arg8[%swap3A_185, %swap3A_186, %swap3A_187] {strides = array<i32>} : memref<3x80x128xf32, #tpu.memory_space<vmem>>, vector<1x1x16xf32>,
      %swap3A_189 = vector.shape_cast %swap3A_188 : vector<1x1x16xf32> to vector<16xf32>
      %swap3A_190 = vector.shape_cast %broadcast_in_dim3A_183 : vector<16xf32> to vector<1x1x16xf32>
      tpu.vector_store %arg8[%swap3A_185, %swap3A_186, %swap3A_187], %swap3A_190 {strides = array<i32>} : memref<3x80x128xf32, #tpu.memory_space<vmem>>, vector<1x1x16xf32>,
      %broadcast_in_dim3A_191 = arith.constant 0.000000e+00 : f32
      %broadcast_in_dim3A_192 = vector.broadcast %broadcast_in_dim3A_191 : f32 to vector<16xf32>
      %swap3A_193 = arith.constant 0 : i32
      %swap3A_194 = arith.index_cast %swap3A_193 : i32 to index
      %swap3A_195 = arith.index_cast %scan3A_137 : i32 to index
      %swap3A_196 = arith.constant 96 : index
      %swap3A_197 = tpu.vector_load %arg8[%swap3A_194, %swap3A_195, %swap3A_196] {strides = array<i32>} : memref<3x80x128xf32, #tpu.memory_space<vmem>>, vector<1x1x16xf32>,
      %swap3A_198 = vector.shape_cast %swap3A_197 : vector<1x1x16xf32> to vector<16xf32>
      %swap3A_199 = vector.shape_cast %broadcast_in_dim3A_192 : vector<16xf32> to vector<1x1x16xf32>
      tpu.vector_store %arg8[%swap3A_194, %swap3A_195, %swap3A_196], %swap3A_199 {strides = array<i32>} : memref<3x80x128xf32, #tpu.memory_space<vmem>>, vector<1x1x16xf32>,
      %broadcast_in_dim3A_200 = arith.constant 0.000000e+00 : f32
      %broadcast_in_dim3A_201 = vector.broadcast %broadcast_in_dim3A_200 : f32 to vector<16xf32>
      %swap3A_202 = arith.constant 0 : i32
      %swap3A_203 = arith.index_cast %swap3A_202 : i32 to index
      %swap3A_204 = arith.index_cast %scan3A_137 : i32 to index
      %swap3A_205 = arith.constant 112 : index
      %swap3A_206 = tpu.vector_load %arg8[%swap3A_203, %swap3A_204, %swap3A_205] {strides = array<i32>} : memref<3x80x128xf32, #tpu.memory_space<vmem>>, vector<1x1x16xf32>,
      %swap3A_207 = vector.shape_cast %swap3A_206 : vector<1x1x16xf32> to vector<16xf32>
      %swap3A_208 = vector.shape_cast %broadcast_in_dim3A_201 : vector<16xf32> to vector<1x1x16xf32>
      tpu.vector_store %arg8[%swap3A_203, %swap3A_204, %swap3A_205], %swap3A_208 {strides = array<i32>} : memref<3x80x128xf32, #tpu.memory_space<vmem>>, vector<1x1x16xf32>,
      %scan3A_209 = arith.constant 0 : i32
      scf.yield %scan3A_209 : i32
    }
    %scan3A_6 = arith.constant 40 : i32
    %lt3A = arith.constant 10 : i32
    %lt3A_7 = arith.cmpi slt, %arg1, %lt3A : i32
    %convert_element_type3A = arith.extui %lt3A_7 : i1 to i32
    %cond3A = arith.constant 0 : i32
    %cond3A_8 = arith.cmpi ne, %convert_element_type3A, %cond3A : i32
    scf.if %cond3A_8 {
      %scan3A_137 = arith.constant 0 : i32
      %scan3A_138 = arith.constant 0 : i32
      %scan3A_139 = arith.constant 25 : i32
      %scan3A_140 = arith.addi %scan3A_138, %scan3A_139 : i32
      %scan3A_141 = arith.constant 1 : i32
      %scan3A_142 = scf.for %scan3A_144 = %scan3A_138 to %scan3A_140 step %scan3A_141 iter_args(%scan3A_145 = %scan3A_137) -> (i32)  : i32 {
        %mul3A_146 = arith.constant 1000 : i32
        %mul3A_147 = arith.muli %arg1, %mul3A_146 : i32
        %mul3A_148 = arith.constant 40 : i32
        %mul3A_149 = arith.muli %scan3A_144, %mul3A_148 : i32
        %add3A_150 = arith.addi %mul3A_147, %mul3A_149 : i32
        %run_scoped3A = arith.constant 0 : i32
        "tpu.region"() ({
          %run_scoped3A_152 = tpu.sem_alloc : memref<!tpu.dma_semaphore, #tpu.memory_space<semaphore_mem>>
          %dma_start3A_153 = arith.constant 0 : i32
          %dma_start3A_154 = arith.constant 0 : i32
          %dma_start3A_155 = tpu.memref_slice %arg8[%run_scoped3A, %dma_start3A_153, %dma_start3A_154] : memref<3x80x128xf32, #tpu.memory_space<vmem>> -> memref<1x40x128xf32, #tpu.memory_space<vmem>>
          %dma_start3A_156 = tpu.memref_squeeze %dma_start3A_155 : memref<1x40x128xf32, #tpu.memory_space<vmem>> -> memref<40x128xf32, #tpu.memory_space<vmem>>
          %dma_start3A_157 = arith.constant 0 : i32
          %dma_start3A_158 = tpu.memref_slice %arg9[%add3A_150, %dma_start3A_157] : memref<10000x128xf32, #tpu.memory_space<vmem_shared>> -> memref<40x128xf32, #tpu.memory_space<vmem_shared>>
          %dma_start3A_159 = arith.constant 0 : i32
          %dma_start3A_160 = tpu.memref_slice %arg9[%add3A_150, %dma_start3A_159] : memref<10000x128xf32, #tpu.memory_space<vmem_shared>> -> memref<40x128xf32, #tpu.memory_space<vmem_shared>>
          %dma_start3A_161 = arith.constant 0 : i32
          %dma_start3A_162 = arith.constant 0 : i32
          %dma_start3A_163 = tpu.memref_slice %arg8[%run_scoped3A, %dma_start3A_161, %dma_start3A_162] : memref<3x80x128xf32, #tpu.memory_space<vmem>> -> memref<1x40x128xf32, #tpu.memory_space<vmem>>
          %dma_start3A_164 = tpu.memref_squeeze %dma_start3A_163 : memref<1x40x128xf32, #tpu.memory_space<vmem>> -> memref<40x128xf32, #tpu.memory_space<vmem>>
          tpu.enqueue_dma source(%dma_start3A_164 : memref<40x128xf32, #tpu.memory_space<vmem>>) target(%dma_start3A_160 : memref<40x128xf32, #tpu.memory_space<vmem_shared>>) target_semaphore(%run_scoped3A_152 : memref<!tpu.dma_semaphore, #tpu.memory_space<semaphore_mem>>)
          %dma_wait3A_165 = arith.constant 0 : i32
          %dma_wait3A_166 = arith.constant 0 : i32
          %dma_wait3A_167 = tpu.memref_slice %arg8[%run_scoped3A, %dma_wait3A_165, %dma_wait3A_166] : memref<3x80x128xf32, #tpu.memory_space<vmem>> -> memref<1x40x128xf32, #tpu.memory_space<vmem>>
          %dma_wait3A_168 = tpu.memref_squeeze %dma_wait3A_167 : memref<1x40x128xf32, #tpu.memory_space<vmem>> -> memref<40x128xf32, #tpu.memory_space<vmem>>
          %dma_wait3A_169 = arith.constant 0 : i32
          %dma_wait3A_170 = tpu.memref_slice %arg9[%add3A_150, %dma_wait3A_169] : memref<10000x128xf32, #tpu.memory_space<vmem_shared>> -> memref<40x128xf32, #tpu.memory_space<vmem_shared>>
          %dma_wait3A_171 = arith.constant 0 : i32
          %dma_wait3A_172 = tpu.memref_slice %arg9[%add3A_150, %dma_wait3A_171] : memref<10000x128xf32, #tpu.memory_space<vmem_shared>> -> memref<40x128xf32, #tpu.memory_space<vmem_shared>>
          %dma_wait3A_173 = arith.constant 0 : i32
          %dma_wait3A_174 = arith.constant 0 : i32
          %dma_wait3A_175 = tpu.memref_slice %arg8[%run_scoped3A, %dma_wait3A_173, %dma_wait3A_174] : memref<3x80x128xf32, #tpu.memory_space<vmem>> -> memref<1x40x128xf32, #tpu.memory_space<vmem>>
          %dma_wait3A_176 = tpu.memref_squeeze %dma_wait3A_175 : memref<1x40x128xf32, #tpu.memory_space<vmem>> -> memref<40x128xf32, #tpu.memory_space<vmem>>
          tpu.wait_dma2 semaphore(%run_scoped3A_152 : memref<!tpu.dma_semaphore, #tpu.memory_space<semaphore_mem>>) src(%dma_wait3A_176 : memref<40x128xf32, #tpu.memory_space<vmem>>) dst(%dma_wait3A_172 : memref<40x128xf32, #tpu.memory_space<vmem_shared>>)
          tpu.yield
        }) : () -> ()
        %scan3A_151 = arith.constant 0 : i32
        scf.yield %scan3A_151 : i32
      }
      %scan3A_143 = arith.constant 25 : i32
    } else {
    }
    "tpu.region"() ({
      %run_scoped3A = tpu.sem_alloc : memref<!tpu.dma_semaphore, #tpu.memory_space<semaphore_mem>>
      %dma_start3A_137 = arith.constant 0 : i32
      %dma_start3A_138 = tpu.memref_slice %arg3[%add3A, %dma_start3A_137] : memref<32x10000xi32, #tpu.memory_space<hbm>> -> memref<1x10000xi32, #tpu.memory_space<hbm>>
      %dma_start3A_139 = tpu.memref_squeeze %dma_start3A_138 : memref<1x10000xi32, #tpu.memory_space<hbm>> -> memref<10000xi32, #tpu.memory_space<hbm>>
      %dma_start3A_140 = arith.constant 0 : i32
      %dma_start3A_141 = tpu.memref_slice %arg3[%add3A, %dma_start3A_140] : memref<32x10000xi32, #tpu.memory_space<hbm>> -> memref<1x10000xi32, #tpu.memory_space<hbm>>
      %dma_start3A_142 = tpu.memref_squeeze %dma_start3A_141 : memref<1x10000xi32, #tpu.memory_space<hbm>> -> memref<10000xi32, #tpu.memory_space<hbm>>
      tpu.enqueue_dma source(%dma_start3A_142 : memref<10000xi32, #tpu.memory_space<hbm>>) target(%arg6 : memref<10000xi32, #tpu.memory_space<vmem>>) target_semaphore(%run_scoped3A : memref<!tpu.dma_semaphore, #tpu.memory_space<semaphore_mem>>)
      %dma_wait3A_143 = arith.constant 0 : i32
      %dma_wait3A_144 = tpu.memref_slice %arg3[%add3A, %dma_wait3A_143] : memref<32x10000xi32, #tpu.memory_space<hbm>> -> memref<1x10000xi32, #tpu.memory_space<hbm>>
      %dma_wait3A_145 = tpu.memref_squeeze %dma_wait3A_144 : memref<1x10000xi32, #tpu.memory_space<hbm>> -> memref<10000xi32, #tpu.memory_space<hbm>>
      %dma_wait3A_146 = arith.constant 0 : i32
      %dma_wait3A_147 = tpu.memref_slice %arg3[%add3A, %dma_wait3A_146] : memref<32x10000xi32, #tpu.memory_space<hbm>> -> memref<1x10000xi32, #tpu.memory_space<hbm>>
      %dma_wait3A_148 = tpu.memref_squeeze %dma_wait3A_147 : memref<1x10000xi32, #tpu.memory_space<hbm>> -> memref<10000xi32, #tpu.memory_space<hbm>>
      tpu.wait_dma2 semaphore(%run_scoped3A : memref<!tpu.dma_semaphore, #tpu.memory_space<semaphore_mem>>) src(%dma_wait3A_148 : memref<10000xi32, #tpu.memory_space<hbm>>) dst(%arg6 : memref<10000xi32, #tpu.memory_space<vmem>>)
      tpu.yield
    }) : () -> ()
    "tpu.region"() ({
      %run_scoped3A = tpu.sem_alloc : memref<!tpu.dma_semaphore, #tpu.memory_space<semaphore_mem>>
      %dma_start3A_137 = arith.constant 0 : i32
      %dma_start3A_138 = tpu.memref_slice %arg4[%add3A, %dma_start3A_137] : memref<32x10000xi32, #tpu.memory_space<hbm>> -> memref<1x10000xi32, #tpu.memory_space<hbm>>
      %dma_start3A_139 = tpu.memref_squeeze %dma_start3A_138 : memref<1x10000xi32, #tpu.memory_space<hbm>> -> memref<10000xi32, #tpu.memory_space<hbm>>
      %dma_start3A_140 = arith.constant 0 : i32
      %dma_start3A_141 = tpu.memref_slice %arg4[%add3A, %dma_start3A_140] : memref<32x10000xi32, #tpu.memory_space<hbm>> -> memref<1x10000xi32, #tpu.memory_space<hbm>>
      %dma_start3A_142 = tpu.memref_squeeze %dma_start3A_141 : memref<1x10000xi32, #tpu.memory_space<hbm>> -> memref<10000xi32, #tpu.memory_space<hbm>>
      tpu.enqueue_dma source(%dma_start3A_142 : memref<10000xi32, #tpu.memory_space<hbm>>) target(%arg7 : memref<10000xi32, #tpu.memory_space<vmem>>) target_semaphore(%run_scoped3A : memref<!tpu.dma_semaphore, #tpu.memory_space<semaphore_mem>>)
      %dma_wait3A_143 = arith.constant 0 : i32
      %dma_wait3A_144 = tpu.memref_slice %arg4[%add3A, %dma_wait3A_143] : memref<32x10000xi32, #tpu.memory_space<hbm>> -> memref<1x10000xi32, #tpu.memory_space<hbm>>
      %dma_wait3A_145 = tpu.memref_squeeze %dma_wait3A_144 : memref<1x10000xi32, #tpu.memory_space<hbm>> -> memref<10000xi32, #tpu.memory_space<hbm>>
      %dma_wait3A_146 = arith.constant 0 : i32
      %dma_wait3A_147 = tpu.memref_slice %arg4[%add3A, %dma_wait3A_146] : memref<32x10000xi32, #tpu.memory_space<hbm>> -> memref<1x10000xi32, #tpu.memory_space<hbm>>
      %dma_wait3A_148 = tpu.memref_squeeze %dma_wait3A_147 : memref<1x10000xi32, #tpu.memory_space<hbm>> -> memref<10000xi32, #tpu.memory_space<hbm>>
      tpu.wait_dma2 semaphore(%run_scoped3A : memref<!tpu.dma_semaphore, #tpu.memory_space<semaphore_mem>>) src(%dma_wait3A_148 : memref<10000xi32, #tpu.memory_space<hbm>>) dst(%arg7 : memref<10000xi32, #tpu.memory_space<vmem>>)
      tpu.yield
    }) : () -> ()
    %barrier3A = arith.constant 0 : index
    tpu.barrier barrier_id(%barrier3A)
    %dma_start3A = arith.constant 0 : i32
    %dma_start3A_9 = arith.constant 0 : i32
    %dma_start3A_10 = arith.constant 0 : i32
    %dma_start3A_11 = arith.constant 0 : i32
    %dma_start3A_12 = tpu.memref_slice %arg8[%dma_start3A, %dma_start3A_10, %dma_start3A_11] : memref<3x80x128xf32, #tpu.memory_space<vmem>> -> memref<1x80x128xf32, #tpu.memory_space<vmem>>
    %dma_start3A_13 = tpu.memref_squeeze %dma_start3A_12 : memref<1x80x128xf32, #tpu.memory_space<vmem>> -> memref<80x128xf32, #tpu.memory_space<vmem>>
    %dma_start3A_14 = arith.constant 0 : i32
    %dma_start3A_15 = tpu.memref_slice %arg6[%dma_start3A_14] : memref<10000xi32, #tpu.memory_space<vmem>> -> memref<80xi32, #tpu.memory_space<vmem>>
    %dma_start3A_16 = arith.constant 0 : i32
    %dma_start3A_17 = arith.constant 0 : i32
    %dma_start3A_18 = tpu.memref_slice %arg2[%dma_start3A_16, %dma_start3A_17] : memref<10000x128xf32, #tpu.memory_space<hbm>> -> memref<10000x128xf32, #tpu.memory_space<hbm>>
    %dma_start3A_19 = tpu.memref_slice %arg10[%dma_start3A_9] : memref<3x!tpu.dma_semaphore, #tpu.memory_space<semaphore_mem>> -> memref<1x!tpu.dma_semaphore, #tpu.memory_space<semaphore_mem>>
    %dma_start3A_20 = tpu.memref_squeeze %dma_start3A_19 : memref<1x!tpu.dma_semaphore, #tpu.memory_space<semaphore_mem>> -> memref<!tpu.dma_semaphore, #tpu.memory_space<semaphore_mem>>
    tpu.enqueue_indirect_dma source(%dma_start3A_18 : memref<10000x128xf32, #tpu.memory_space<hbm>>) target(%dma_start3A_13 : memref<80x128xf32, #tpu.memory_space<vmem>>) offsets(%dma_start3A_15 : memref<80xi32, #tpu.memory_space<vmem>>) semaphore(%dma_start3A_20 : memref<!tpu.dma_semaphore, #tpu.memory_space<semaphore_mem>>)
    %dma_start3A_21 = arith.constant 1 : i32
    %dma_start3A_22 = arith.constant 1 : i32
    %dma_start3A_23 = arith.constant 0 : i32
    %dma_start3A_24 = arith.constant 0 : i32
    %dma_start3A_25 = tpu.memref_slice %arg8[%dma_start3A_21, %dma_start3A_23, %dma_start3A_24] : memref<3x80x128xf32, #tpu.memory_space<vmem>> -> memref<1x80x128xf32, #tpu.memory_space<vmem>>
    %dma_start3A_26 = tpu.memref_squeeze %dma_start3A_25 : memref<1x80x128xf32, #tpu.memory_space<vmem>> -> memref<80x128xf32, #tpu.memory_space<vmem>>
    %dma_start3A_27 = arith.constant 80 : i32
    %dma_start3A_28 = tpu.memref_slice %arg6[%dma_start3A_27] : memref<10000xi32, #tpu.memory_space<vmem>> -> memref<80xi32, #tpu.memory_space<vmem>>
    %dma_start3A_29 = arith.constant 0 : i32
    %dma_start3A_30 = arith.constant 0 : i32
    %dma_start3A_31 = tpu.memref_slice %arg2[%dma_start3A_29, %dma_start3A_30] : memref<10000x128xf32, #tpu.memory_space<hbm>> -> memref<10000x128xf32, #tpu.memory_space<hbm>>
    %dma_start3A_32 = tpu.memref_slice %arg10[%dma_start3A_22] : memref<3x!tpu.dma_semaphore, #tpu.memory_space<semaphore_mem>> -> memref<1x!tpu.dma_semaphore, #tpu.memory_space<semaphore_mem>>
    %dma_start3A_33 = tpu.memref_squeeze %dma_start3A_32 : memref<1x!tpu.dma_semaphore, #tpu.memory_space<semaphore_mem>> -> memref<!tpu.dma_semaphore, #tpu.memory_space<semaphore_mem>>
    tpu.enqueue_indirect_dma source(%dma_start3A_31 : memref<10000x128xf32, #tpu.memory_space<hbm>>) target(%dma_start3A_26 : memref<80x128xf32, #tpu.memory_space<vmem>>) offsets(%dma_start3A_28 : memref<80xi32, #tpu.memory_space<vmem>>) semaphore(%dma_start3A_33 : memref<!tpu.dma_semaphore, #tpu.memory_space<semaphore_mem>>)
    %scan3A_34 = arith.constant 0 : i32
    %scan3A_35 = arith.constant 0 : i32
    %scan3A_36 = arith.constant 41 : i32
    %scan3A_37 = arith.addi %scan3A_35, %scan3A_36 : i32
    %scan3A_38 = arith.constant 1 : i32
    %scan3A_39 = scf.for %scan3A_137 = %scan3A_35 to %scan3A_37 step %scan3A_38 iter_args(%scan3A_138 = %scan3A_34) -> (i32)  : i32 {
      %mul3A_139 = arith.constant 3 : i32
      %mul3A_140 = arith.muli %scan3A_137, %mul3A_139 : i32
      %add3A_141 = arith.constant 0 : i32
      %add3A_142 = arith.addi %mul3A_140, %add3A_141 : i32
      %mul3A_143 = arith.constant 80 : i32
      %mul3A_144 = arith.muli %add3A_142, %mul3A_143 : i32
      %dma_wait3A_145 = arith.constant 0 : i32
      %dma_wait3A_146 = arith.constant 0 : i32
      %dma_wait3A_147 = arith.constant 0 : i32
      %dma_wait3A_148 = arith.constant 0 : i32
      %dma_wait3A_149 = tpu.memref_slice %arg8[%dma_wait3A_145, %dma_wait3A_147, %dma_wait3A_148] : memref<3x80x128xf32, #tpu.memory_space<vmem>> -> memref<1x80x128xf32, #tpu.memory_space<vmem>>
      %dma_wait3A_150 = tpu.memref_squeeze %dma_wait3A_149 : memref<1x80x128xf32, #tpu.memory_space<vmem>> -> memref<80x128xf32, #tpu.memory_space<vmem>>
      %dma_wait3A_151 = tpu.memref_slice %arg6[%mul3A_144] : memref<10000xi32, #tpu.memory_space<vmem>> -> memref<80xi32, #tpu.memory_space<vmem>>
      %dma_wait3A_152 = arith.constant 0 : i32
      %dma_wait3A_153 = arith.constant 0 : i32
      %dma_wait3A_154 = tpu.memref_slice %arg2[%dma_wait3A_152, %dma_wait3A_153] : memref<10000x128xf32, #tpu.memory_space<hbm>> -> memref<10000x128xf32, #tpu.memory_space<hbm>>
      %dma_wait3A_155 = tpu.memref_slice %arg10[%dma_wait3A_146] : memref<3x!tpu.dma_semaphore, #tpu.memory_space<semaphore_mem>> -> memref<1x!tpu.dma_semaphore, #tpu.memory_space<semaphore_mem>>
      %dma_wait3A_156 = tpu.memref_squeeze %dma_wait3A_155 : memref<1x!tpu.dma_semaphore, #tpu.memory_space<semaphore_mem>> -> memref<!tpu.dma_semaphore, #tpu.memory_space<semaphore_mem>>
      tpu.wait_indirect_dma semaphore(%dma_wait3A_156 : memref<!tpu.dma_semaphore, #tpu.memory_space<semaphore_mem>>) src(%dma_wait3A_154 : memref<10000x128xf32, #tpu.memory_space<hbm>>) dst(%dma_wait3A_150 : memref<80x128xf32, #tpu.memory_space<vmem>>)
      %mul3A_157 = arith.constant 80 : i32
      %mul3A_158 = arith.muli %add3A_142, %mul3A_157 : i32
      %dma_start3A_159 = arith.constant 0 : i32
      %dma_start3A_160 = arith.constant 0 : i32
      %dma_start3A_161 = arith.constant 0 : i32
      %dma_start3A_162 = arith.constant 0 : i32
      %dma_start3A_163 = tpu.memref_slice %arg8[%dma_start3A_159, %dma_start3A_161, %dma_start3A_162] : memref<3x80x128xf32, #tpu.memory_space<vmem>> -> memref<1x80x128xf32, #tpu.memory_space<vmem>>
      %dma_start3A_164 = tpu.memref_squeeze %dma_start3A_163 : memref<1x80x128xf32, #tpu.memory_space<vmem>> -> memref<80x128xf32, #tpu.memory_space<vmem>>
      %dma_start3A_165 = tpu.memref_slice %arg7[%mul3A_158] : memref<10000xi32, #tpu.memory_space<vmem>> -> memref<80xi32, #tpu.memory_space<vmem>>
      %dma_start3A_166 = arith.constant 0 : i32
      %dma_start3A_167 = arith.constant 0 : i32
      %dma_start3A_168 = tpu.memref_slice %arg9[%dma_start3A_166, %dma_start3A_167] : memref<10000x128xf32, #tpu.memory_space<vmem_shared>> -> memref<10000x128xf32, #tpu.memory_space<vmem_shared>>
      %dma_start3A_169 = tpu.memref_slice %arg11[%dma_start3A_160] : memref<3x!tpu.dma_semaphore, #tpu.memory_space<semaphore_mem>> -> memref<1x!tpu.dma_semaphore, #tpu.memory_space<semaphore_mem>>
      %dma_start3A_170 = tpu.memref_squeeze %dma_start3A_169 : memref<1x!tpu.dma_semaphore, #tpu.memory_space<semaphore_mem>> -> memref<!tpu.dma_semaphore, #tpu.memory_space<semaphore_mem>>
      tpu.enqueue_indirect_dma source(%dma_start3A_164 : memref<80x128xf32, #tpu.memory_space<vmem>>) target(%dma_start3A_168 : memref<10000x128xf32, #tpu.memory_space<vmem_shared>>) offsets(%dma_start3A_165 : memref<80xi32, #tpu.memory_space<vmem>>) semaphore(%dma_start3A_170 : memref<!tpu.dma_semaphore, #tpu.memory_space<semaphore_mem>>) {add = true}
      %ge3A = arith.constant 1 : i32
      %ge3A_171 = arith.cmpi sge, %add3A_142, %ge3A : i32
      %convert_element_type3A_172 = arith.extui %ge3A_171 : i1 to i32
      %cond3A_173 = arith.constant 0 : i32
      %cond3A_174 = arith.cmpi ne, %convert_element_type3A_172, %cond3A_173 : i32
      scf.if %cond3A_174 {
        %sub3A = arith.constant 1 : i32
        %sub3A_271 = arith.subi %add3A_142, %sub3A : i32
        %mul3A_272 = arith.constant 80 : i32
        %mul3A_273 = arith.muli %sub3A_271, %mul3A_272 : i32
        %dma_wait3A_274 = arith.constant 2 : i32
        %dma_wait3A_275 = arith.constant 2 : i32
        %dma_wait3A_276 = arith.constant 0 : i32
        %dma_wait3A_277 = arith.constant 0 : i32
        %dma_wait3A_278 = tpu.memref_slice %arg8[%dma_wait3A_274, %dma_wait3A_276, %dma_wait3A_277] : memref<3x80x128xf32, #tpu.memory_space<vmem>> -> memref<1x80x128xf32, #tpu.memory_space<vmem>>
        %dma_wait3A_279 = tpu.memref_squeeze %dma_wait3A_278 : memref<1x80x128xf32, #tpu.memory_space<vmem>> -> memref<80x128xf32, #tpu.memory_space<vmem>>
        %dma_wait3A_280 = tpu.memref_slice %arg7[%mul3A_273] : memref<10000xi32, #tpu.memory_space<vmem>> -> memref<80xi32, #tpu.memory_space<vmem>>
        %dma_wait3A_281 = arith.constant 0 : i32
        %dma_wait3A_282 = arith.constant 0 : i32
        %dma_wait3A_283 = tpu.memref_slice %arg9[%dma_wait3A_281, %dma_wait3A_282] : memref<10000x128xf32, #tpu.memory_space<vmem_shared>> -> memref<10000x128xf32, #tpu.memory_space<vmem_shared>>
        %dma_wait3A_284 = tpu.memref_slice %arg11[%dma_wait3A_275] : memref<3x!tpu.dma_semaphore, #tpu.memory_space<semaphore_mem>> -> memref<1x!tpu.dma_semaphore, #tpu.memory_space<semaphore_mem>>
        %dma_wait3A_285 = tpu.memref_squeeze %dma_wait3A_284 : memref<1x!tpu.dma_semaphore, #tpu.memory_space<semaphore_mem>> -> memref<!tpu.dma_semaphore, #tpu.memory_space<semaphore_mem>>
        tpu.wait_indirect_dma semaphore(%dma_wait3A_285 : memref<!tpu.dma_semaphore, #tpu.memory_space<semaphore_mem>>) src(%dma_wait3A_279 : memref<80x128xf32, #tpu.memory_space<vmem>>) dst(%dma_wait3A_283 : memref<10000x128xf32, #tpu.memory_space<vmem_shared>>)
      } else {
      }
      %add3A_175 = arith.constant 2 : i32
      %add3A_176 = arith.addi %add3A_142, %add3A_175 : i32
      %lt3A_177 = arith.constant 125 : i32
      %lt3A_178 = arith.cmpi slt, %add3A_176, %lt3A_177 : i32
      %convert_element_type3A_179 = arith.extui %lt3A_178 : i1 to i32
      %cond3A_180 = arith.constant 0 : i32
      %cond3A_181 = arith.cmpi ne, %convert_element_type3A_179, %cond3A_180 : i32
      scf.if %cond3A_181 {
        %add3A_271 = arith.constant 2 : i32
        %add3A_272 = arith.addi %add3A_142, %add3A_271 : i32
        %mul3A_273 = arith.constant 80 : i32
        %mul3A_274 = arith.muli %add3A_272, %mul3A_273 : i32
        %dma_start3A_275 = arith.constant 2 : i32
        %dma_start3A_276 = arith.constant 2 : i32
        %dma_start3A_277 = arith.constant 0 : i32
        %dma_start3A_278 = arith.constant 0 : i32
        %dma_start3A_279 = tpu.memref_slice %arg8[%dma_start3A_275, %dma_start3A_277, %dma_start3A_278] : memref<3x80x128xf32, #tpu.memory_space<vmem>> -> memref<1x80x128xf32, #tpu.memory_space<vmem>>
        %dma_start3A_280 = tpu.memref_squeeze %dma_start3A_279 : memref<1x80x128xf32, #tpu.memory_space<vmem>> -> memref<80x128xf32, #tpu.memory_space<vmem>>
        %dma_start3A_281 = tpu.memref_slice %arg6[%mul3A_274] : memref<10000xi32, #tpu.memory_space<vmem>> -> memref<80xi32, #tpu.memory_space<vmem>>
        %dma_start3A_282 = arith.constant 0 : i32
        %dma_start3A_283 = arith.constant 0 : i32
        %dma_start3A_284 = tpu.memref_slice %arg2[%dma_start3A_282, %dma_start3A_283] : memref<10000x128xf32, #tpu.memory_space<hbm>> -> memref<10000x128xf32, #tpu.memory_space<hbm>>
        %dma_start3A_285 = tpu.memref_slice %arg10[%dma_start3A_276] : memref<3x!tpu.dma_semaphore, #tpu.memory_space<semaphore_mem>> -> memref<1x!tpu.dma_semaphore, #tpu.memory_space<semaphore_mem>>
        %dma_start3A_286 = tpu.memref_squeeze %dma_start3A_285 : memref<1x!tpu.dma_semaphore, #tpu.memory_space<semaphore_mem>> -> memref<!tpu.dma_semaphore, #tpu.memory_space<semaphore_mem>>
        tpu.enqueue_indirect_dma source(%dma_start3A_284 : memref<10000x128xf32, #tpu.memory_space<hbm>>) target(%dma_start3A_280 : memref<80x128xf32, #tpu.memory_space<vmem>>) offsets(%dma_start3A_281 : memref<80xi32, #tpu.memory_space<vmem>>) semaphore(%dma_start3A_286 : memref<!tpu.dma_semaphore, #tpu.memory_space<semaphore_mem>>)
      } else {
      }
      %mul3A_182 = arith.constant 3 : i32
      %mul3A_183 = arith.muli %scan3A_137, %mul3A_182 : i32
      %add3A_184 = arith.constant 1 : i32
      %add3A_185 = arith.addi %mul3A_183, %add3A_184 : i32
      %mul3A_186 = arith.constant 80 : i32
      %mul3A_187 = arith.muli %add3A_185, %mul3A_186 : i32
      %dma_wait3A_188 = arith.constant 1 : i32
      %dma_wait3A_189 = arith.constant 1 : i32
      %dma_wait3A_190 = arith.constant 0 : i32
      %dma_wait3A_191 = arith.constant 0 : i32
      %dma_wait3A_192 = tpu.memref_slice %arg8[%dma_wait3A_188, %dma_wait3A_190, %dma_wait3A_191] : memref<3x80x128xf32, #tpu.memory_space<vmem>> -> memref<1x80x128xf32, #tpu.memory_space<vmem>>
      %dma_wait3A_193 = tpu.memref_squeeze %dma_wait3A_192 : memref<1x80x128xf32, #tpu.memory_space<vmem>> -> memref<80x128xf32, #tpu.memory_space<vmem>>
      %dma_wait3A_194 = tpu.memref_slice %arg6[%mul3A_187] : memref<10000xi32, #tpu.memory_space<vmem>> -> memref<80xi32, #tpu.memory_space<vmem>>
      %dma_wait3A_195 = arith.constant 0 : i32
      %dma_wait3A_196 = arith.constant 0 : i32
      %dma_wait3A_197 = tpu.memref_slice %arg2[%dma_wait3A_195, %dma_wait3A_196] : memref<10000x128xf32, #tpu.memory_space<hbm>> -> memref<10000x128xf32, #tpu.memory_space<hbm>>
      %dma_wait3A_198 = tpu.memref_slice %arg10[%dma_wait3A_189] : memref<3x!tpu.dma_semaphore, #tpu.memory_space<semaphore_mem>> -> memref<1x!tpu.dma_semaphore, #tpu.memory_space<semaphore_mem>>
      %dma_wait3A_199 = tpu.memref_squeeze %dma_wait3A_198 : memref<1x!tpu.dma_semaphore, #tpu.memory_space<semaphore_mem>> -> memref<!tpu.dma_semaphore, #tpu.memory_space<semaphore_mem>>
      tpu.wait_indirect_dma semaphore(%dma_wait3A_199 : memref<!tpu.dma_semaphore, #tpu.memory_space<semaphore_mem>>) src(%dma_wait3A_197 : memref<10000x128xf32, #tpu.memory_space<hbm>>) dst(%dma_wait3A_193 : memref<80x128xf32, #tpu.memory_space<vmem>>)
      %mul3A_200 = arith.constant 80 : i32
      %mul3A_201 = arith.muli %add3A_185, %mul3A_200 : i32
      %dma_start3A_202 = arith.constant 1 : i32
      %dma_start3A_203 = arith.constant 1 : i32
      %dma_start3A_204 = arith.constant 0 : i32
      %dma_start3A_205 = arith.constant 0 : i32
      %dma_start3A_206 = tpu.memref_slice %arg8[%dma_start3A_202, %dma_start3A_204, %dma_start3A_205] : memref<3x80x128xf32, #tpu.memory_space<vmem>> -> memref<1x80x128xf32, #tpu.memory_space<vmem>>
      %dma_start3A_207 = tpu.memref_squeeze %dma_start3A_206 : memref<1x80x128xf32, #tpu.memory_space<vmem>> -> memref<80x128xf32, #tpu.memory_space<vmem>>
      %dma_start3A_208 = tpu.memref_slice %arg7[%mul3A_201] : memref<10000xi32, #tpu.memory_space<vmem>> -> memref<80xi32, #tpu.memory_space<vmem>>
      %dma_start3A_209 = arith.constant 0 : i32
      %dma_start3A_210 = arith.constant 0 : i32
      %dma_start3A_211 = tpu.memref_slice %arg9[%dma_start3A_209, %dma_start3A_210] : memref<10000x128xf32, #tpu.memory_space<vmem_shared>> -> memref<10000x128xf32, #tpu.memory_space<vmem_shared>>
      %dma_start3A_212 = tpu.memref_slice %arg11[%dma_start3A_203] : memref<3x!tpu.dma_semaphore, #tpu.memory_space<semaphore_mem>> -> memref<1x!tpu.dma_semaphore, #tpu.memory_space<semaphore_mem>>
      %dma_start3A_213 = tpu.memref_squeeze %dma_start3A_212 : memref<1x!tpu.dma_semaphore, #tpu.memory_space<semaphore_mem>> -> memref<!tpu.dma_semaphore, #tpu.memory_space<semaphore_mem>>
      tpu.enqueue_indirect_dma source(%dma_start3A_207 : memref<80x128xf32, #tpu.memory_space<vmem>>) target(%dma_start3A_211 : memref<10000x128xf32, #tpu.memory_space<vmem_shared>>) offsets(%dma_start3A_208 : memref<80xi32, #tpu.memory_space<vmem>>) semaphore(%dma_start3A_213 : memref<!tpu.dma_semaphore, #tpu.memory_space<semaphore_mem>>) {add = true}
      %ge3A_214 = arith.constant 1 : i32
      %ge3A_215 = arith.cmpi sge, %add3A_185, %ge3A_214 : i32
      %convert_element_type3A_216 = arith.extui %ge3A_215 : i1 to i32
      %cond3A_217 = arith.constant 0 : i32
      %cond3A_218 = arith.cmpi ne, %convert_element_type3A_216, %cond3A_217 : i32
      scf.if %cond3A_218 {
        %sub3A = arith.constant 1 : i32
        %sub3A_271 = arith.subi %add3A_185, %sub3A : i32
        %mul3A_272 = arith.constant 80 : i32
        %mul3A_273 = arith.muli %sub3A_271, %mul3A_272 : i32
        %dma_wait3A_274 = arith.constant 0 : i32
        %dma_wait3A_275 = arith.constant 0 : i32
        %dma_wait3A_276 = arith.constant 0 : i32
        %dma_wait3A_277 = arith.constant 0 : i32
        %dma_wait3A_278 = tpu.memref_slice %arg8[%dma_wait3A_274, %dma_wait3A_276, %dma_wait3A_277] : memref<3x80x128xf32, #tpu.memory_space<vmem>> -> memref<1x80x128xf32, #tpu.memory_space<vmem>>
        %dma_wait3A_279 = tpu.memref_squeeze %dma_wait3A_278 : memref<1x80x128xf32, #tpu.memory_space<vmem>> -> memref<80x128xf32, #tpu.memory_space<vmem>>
        %dma_wait3A_280 = tpu.memref_slice %arg7[%mul3A_273] : memref<10000xi32, #tpu.memory_space<vmem>> -> memref<80xi32, #tpu.memory_space<vmem>>
        %dma_wait3A_281 = arith.constant 0 : i32
        %dma_wait3A_282 = arith.constant 0 : i32
        %dma_wait3A_283 = tpu.memref_slice %arg9[%dma_wait3A_281, %dma_wait3A_282] : memref<10000x128xf32, #tpu.memory_space<vmem_shared>> -> memref<10000x128xf32, #tpu.memory_space<vmem_shared>>
        %dma_wait3A_284 = tpu.memref_slice %arg11[%dma_wait3A_275] : memref<3x!tpu.dma_semaphore, #tpu.memory_space<semaphore_mem>> -> memref<1x!tpu.dma_semaphore, #tpu.memory_space<semaphore_mem>>
        %dma_wait3A_285 = tpu.memref_squeeze %dma_wait3A_284 : memref<1x!tpu.dma_semaphore, #tpu.memory_space<semaphore_mem>> -> memref<!tpu.dma_semaphore, #tpu.memory_space<semaphore_mem>>
        tpu.wait_indirect_dma semaphore(%dma_wait3A_285 : memref<!tpu.dma_semaphore, #tpu.memory_space<semaphore_mem>>) src(%dma_wait3A_279 : memref<80x128xf32, #tpu.memory_space<vmem>>) dst(%dma_wait3A_283 : memref<10000x128xf32, #tpu.memory_space<vmem_shared>>)
      } else {
      }
      %add3A_219 = arith.constant 2 : i32
      %add3A_220 = arith.addi %add3A_185, %add3A_219 : i32
      %lt3A_221 = arith.constant 125 : i32
      %lt3A_222 = arith.cmpi slt, %add3A_220, %lt3A_221 : i32
      %convert_element_type3A_223 = arith.extui %lt3A_222 : i1 to i32
      %cond3A_224 = arith.constant 0 : i32
      %cond3A_225 = arith.cmpi ne, %convert_element_type3A_223, %cond3A_224 : i32
      scf.if %cond3A_225 {
        %add3A_271 = arith.constant 2 : i32
        %add3A_272 = arith.addi %add3A_185, %add3A_271 : i32
        %mul3A_273 = arith.constant 80 : i32
        %mul3A_274 = arith.muli %add3A_272, %mul3A_273 : i32
        %dma_start3A_275 = arith.constant 0 : i32
        %dma_start3A_276 = arith.constant 0 : i32
        %dma_start3A_277 = arith.constant 0 : i32
        %dma_start3A_278 = arith.constant 0 : i32
        %dma_start3A_279 = tpu.memref_slice %arg8[%dma_start3A_275, %dma_start3A_277, %dma_start3A_278] : memref<3x80x128xf32, #tpu.memory_space<vmem>> -> memref<1x80x128xf32, #tpu.memory_space<vmem>>
        %dma_start3A_280 = tpu.memref_squeeze %dma_start3A_279 : memref<1x80x128xf32, #tpu.memory_space<vmem>> -> memref<80x128xf32, #tpu.memory_space<vmem>>
        %dma_start3A_281 = tpu.memref_slice %arg6[%mul3A_274] : memref<10000xi32, #tpu.memory_space<vmem>> -> memref<80xi32, #tpu.memory_space<vmem>>
        %dma_start3A_282 = arith.constant 0 : i32
        %dma_start3A_283 = arith.constant 0 : i32
        %dma_start3A_284 = tpu.memref_slice %arg2[%dma_start3A_282, %dma_start3A_283] : memref<10000x128xf32, #tpu.memory_space<hbm>> -> memref<10000x128xf32, #tpu.memory_space<hbm>>
        %dma_start3A_285 = tpu.memref_slice %arg10[%dma_start3A_276] : memref<3x!tpu.dma_semaphore, #tpu.memory_space<semaphore_mem>> -> memref<1x!tpu.dma_semaphore, #tpu.memory_space<semaphore_mem>>
        %dma_start3A_286 = tpu.memref_squeeze %dma_start3A_285 : memref<1x!tpu.dma_semaphore, #tpu.memory_space<semaphore_mem>> -> memref<!tpu.dma_semaphore, #tpu.memory_space<semaphore_mem>>
        tpu.enqueue_indirect_dma source(%dma_start3A_284 : memref<10000x128xf32, #tpu.memory_space<hbm>>) target(%dma_start3A_280 : memref<80x128xf32, #tpu.memory_space<vmem>>) offsets(%dma_start3A_281 : memref<80xi32, #tpu.memory_space<vmem>>) semaphore(%dma_start3A_286 : memref<!tpu.dma_semaphore, #tpu.memory_space<semaphore_mem>>)
      } else {
      }
      %mul3A_226 = arith.constant 3 : i32
      %mul3A_227 = arith.muli %scan3A_137, %mul3A_226 : i32
      %add3A_228 = arith.constant 2 : i32
      %add3A_229 = arith.addi %mul3A_227, %add3A_228 : i32
      %mul3A_230 = arith.constant 80 : i32
      %mul3A_231 = arith.muli %add3A_229, %mul3A_230 : i32
      %dma_wait3A_232 = arith.constant 2 : i32
      %dma_wait3A_233 = arith.constant 2 : i32
      %dma_wait3A_234 = arith.constant 0 : i32
      %dma_wait3A_235 = arith.constant 0 : i32
      %dma_wait3A_236 = tpu.memref_slice %arg8[%dma_wait3A_232, %dma_wait3A_234, %dma_wait3A_235] : memref<3x80x128xf32, #tpu.memory_space<vmem>> -> memref<1x80x128xf32, #tpu.memory_space<vmem>>
      %dma_wait3A_237 = tpu.memref_squeeze %dma_wait3A_236 : memref<1x80x128xf32, #tpu.memory_space<vmem>> -> memref<80x128xf32, #tpu.memory_space<vmem>>
      %dma_wait3A_238 = tpu.memref_slice %arg6[%mul3A_231] : memref<10000xi32, #tpu.memory_space<vmem>> -> memref<80xi32, #tpu.memory_space<vmem>>
      %dma_wait3A_239 = arith.constant 0 : i32
      %dma_wait3A_240 = arith.constant 0 : i32
      %dma_wait3A_241 = tpu.memref_slice %arg2[%dma_wait3A_239, %dma_wait3A_240] : memref<10000x128xf32, #tpu.memory_space<hbm>> -> memref<10000x128xf32, #tpu.memory_space<hbm>>
      %dma_wait3A_242 = tpu.memref_slice %arg10[%dma_wait3A_233] : memref<3x!tpu.dma_semaphore, #tpu.memory_space<semaphore_mem>> -> memref<1x!tpu.dma_semaphore, #tpu.memory_space<semaphore_mem>>
      %dma_wait3A_243 = tpu.memref_squeeze %dma_wait3A_242 : memref<1x!tpu.dma_semaphore, #tpu.memory_space<semaphore_mem>> -> memref<!tpu.dma_semaphore, #tpu.memory_space<semaphore_mem>>
      tpu.wait_indirect_dma semaphore(%dma_wait3A_243 : memref<!tpu.dma_semaphore, #tpu.memory_space<semaphore_mem>>) src(%dma_wait3A_241 : memref<10000x128xf32, #tpu.memory_space<hbm>>) dst(%dma_wait3A_237 : memref<80x128xf32, #tpu.memory_space<vmem>>)
      %mul3A_244 = arith.constant 80 : i32
      %mul3A_245 = arith.muli %add3A_229, %mul3A_244 : i32
      %dma_start3A_246 = arith.constant 2 : i32
      %dma_start3A_247 = arith.constant 2 : i32
      %dma_start3A_248 = arith.constant 0 : i32
      %dma_start3A_249 = arith.constant 0 : i32
      %dma_start3A_250 = tpu.memref_slice %arg8[%dma_start3A_246, %dma_start3A_248, %dma_start3A_249] : memref<3x80x128xf32, #tpu.memory_space<vmem>> -> memref<1x80x128xf32, #tpu.memory_space<vmem>>
      %dma_start3A_251 = tpu.memref_squeeze %dma_start3A_250 : memref<1x80x128xf32, #tpu.memory_space<vmem>> -> memref<80x128xf32, #tpu.memory_space<vmem>>
      %dma_start3A_252 = tpu.memref_slice %arg7[%mul3A_245] : memref<10000xi32, #tpu.memory_space<vmem>> -> memref<80xi32, #tpu.memory_space<vmem>>
      %dma_start3A_253 = arith.constant 0 : i32
      %dma_start3A_254 = arith.constant 0 : i32
      %dma_start3A_255 = tpu.memref_slice %arg9[%dma_start3A_253, %dma_start3A_254] : memref<10000x128xf32, #tpu.memory_space<vmem_shared>> -> memref<10000x128xf32, #tpu.memory_space<vmem_shared>>
      %dma_start3A_256 = tpu.memref_slice %arg11[%dma_start3A_247] : memref<3x!tpu.dma_semaphore, #tpu.memory_space<semaphore_mem>> -> memref<1x!tpu.dma_semaphore, #tpu.memory_space<semaphore_mem>>
      %dma_start3A_257 = tpu.memref_squeeze %dma_start3A_256 : memref<1x!tpu.dma_semaphore, #tpu.memory_space<semaphore_mem>> -> memref<!tpu.dma_semaphore, #tpu.memory_space<semaphore_mem>>
      tpu.enqueue_indirect_dma source(%dma_start3A_251 : memref<80x128xf32, #tpu.memory_space<vmem>>) target(%dma_start3A_255 : memref<10000x128xf32, #tpu.memory_space<vmem_shared>>) offsets(%dma_start3A_252 : memref<80xi32, #tpu.memory_space<vmem>>) semaphore(%dma_start3A_257 : memref<!tpu.dma_semaphore, #tpu.memory_space<semaphore_mem>>) {add = true}
      %ge3A_258 = arith.constant 1 : i32
      %ge3A_259 = arith.cmpi sge, %add3A_229, %ge3A_258 : i32
      %convert_element_type3A_260 = arith.extui %ge3A_259 : i1 to i32
      %cond3A_261 = arith.constant 0 : i32
      %cond3A_262 = arith.cmpi ne, %convert_element_type3A_260, %cond3A_261 : i32
      scf.if %cond3A_262 {
        %sub3A = arith.constant 1 : i32
        %sub3A_271 = arith.subi %add3A_229, %sub3A : i32
        %mul3A_272 = arith.constant 80 : i32
        %mul3A_273 = arith.muli %sub3A_271, %mul3A_272 : i32
        %dma_wait3A_274 = arith.constant 1 : i32
        %dma_wait3A_275 = arith.constant 1 : i32
        %dma_wait3A_276 = arith.constant 0 : i32
        %dma_wait3A_277 = arith.constant 0 : i32
        %dma_wait3A_278 = tpu.memref_slice %arg8[%dma_wait3A_274, %dma_wait3A_276, %dma_wait3A_277] : memref<3x80x128xf32, #tpu.memory_space<vmem>> -> memref<1x80x128xf32, #tpu.memory_space<vmem>>
        %dma_wait3A_279 = tpu.memref_squeeze %dma_wait3A_278 : memref<1x80x128xf32, #tpu.memory_space<vmem>> -> memref<80x128xf32, #tpu.memory_space<vmem>>
        %dma_wait3A_280 = tpu.memref_slice %arg7[%mul3A_273] : memref<10000xi32, #tpu.memory_space<vmem>> -> memref<80xi32, #tpu.memory_space<vmem>>
        %dma_wait3A_281 = arith.constant 0 : i32
        %dma_wait3A_282 = arith.constant 0 : i32
        %dma_wait3A_283 = tpu.memref_slice %arg9[%dma_wait3A_281, %dma_wait3A_282] : memref<10000x128xf32, #tpu.memory_space<vmem_shared>> -> memref<10000x128xf32, #tpu.memory_space<vmem_shared>>
        %dma_wait3A_284 = tpu.memref_slice %arg11[%dma_wait3A_275] : memref<3x!tpu.dma_semaphore, #tpu.memory_space<semaphore_mem>> -> memref<1x!tpu.dma_semaphore, #tpu.memory_space<semaphore_mem>>
        %dma_wait3A_285 = tpu.memref_squeeze %dma_wait3A_284 : memref<1x!tpu.dma_semaphore, #tpu.memory_space<semaphore_mem>> -> memref<!tpu.dma_semaphore, #tpu.memory_space<semaphore_mem>>
        tpu.wait_indirect_dma semaphore(%dma_wait3A_285 : memref<!tpu.dma_semaphore, #tpu.memory_space<semaphore_mem>>) src(%dma_wait3A_279 : memref<80x128xf32, #tpu.memory_space<vmem>>) dst(%dma_wait3A_283 : memref<10000x128xf32, #tpu.memory_space<vmem_shared>>)
      } else {
      }
      %add3A_263 = arith.constant 2 : i32
      %add3A_264 = arith.addi %add3A_229, %add3A_263 : i32
      %lt3A_265 = arith.constant 125 : i32
      %lt3A_266 = arith.cmpi slt, %add3A_264, %lt3A_265 : i32
      %convert_element_type3A_267 = arith.extui %lt3A_266 : i1 to i32
      %cond3A_268 = arith.constant 0 : i32
      %cond3A_269 = arith.cmpi ne, %convert_element_type3A_267, %cond3A_268 : i32
      scf.if %cond3A_269 {
        %add3A_271 = arith.constant 2 : i32
        %add3A_272 = arith.addi %add3A_229, %add3A_271 : i32
        %mul3A_273 = arith.constant 80 : i32
        %mul3A_274 = arith.muli %add3A_272, %mul3A_273 : i32
        %dma_start3A_275 = arith.constant 1 : i32
        %dma_start3A_276 = arith.constant 1 : i32
        %dma_start3A_277 = arith.constant 0 : i32
        %dma_start3A_278 = arith.constant 0 : i32
        %dma_start3A_279 = tpu.memref_slice %arg8[%dma_start3A_275, %dma_start3A_277, %dma_start3A_278] : memref<3x80x128xf32, #tpu.memory_space<vmem>> -> memref<1x80x128xf32, #tpu.memory_space<vmem>>
        %dma_start3A_280 = tpu.memref_squeeze %dma_start3A_279 : memref<1x80x128xf32, #tpu.memory_space<vmem>> -> memref<80x128xf32, #tpu.memory_space<vmem>>
        %dma_start3A_281 = tpu.memref_slice %arg6[%mul3A_274] : memref<10000xi32, #tpu.memory_space<vmem>> -> memref<80xi32, #tpu.memory_space<vmem>>
        %dma_start3A_282 = arith.constant 0 : i32
        %dma_start3A_283 = arith.constant 0 : i32
        %dma_start3A_284 = tpu.memref_slice %arg2[%dma_start3A_282, %dma_start3A_283] : memref<10000x128xf32, #tpu.memory_space<hbm>> -> memref<10000x128xf32, #tpu.memory_space<hbm>>
        %dma_start3A_285 = tpu.memref_slice %arg10[%dma_start3A_276] : memref<3x!tpu.dma_semaphore, #tpu.memory_space<semaphore_mem>> -> memref<1x!tpu.dma_semaphore, #tpu.memory_space<semaphore_mem>>
        %dma_start3A_286 = tpu.memref_squeeze %dma_start3A_285 : memref<1x!tpu.dma_semaphore, #tpu.memory_space<semaphore_mem>> -> memref<!tpu.dma_semaphore, #tpu.memory_space<semaphore_mem>>
        tpu.enqueue_indirect_dma source(%dma_start3A_284 : memref<10000x128xf32, #tpu.memory_space<hbm>>) target(%dma_start3A_280 : memref<80x128xf32, #tpu.memory_space<vmem>>) offsets(%dma_start3A_281 : memref<80xi32, #tpu.memory_space<vmem>>) semaphore(%dma_start3A_286 : memref<!tpu.dma_semaphore, #tpu.memory_space<semaphore_mem>>)
      } else {
      }
      %scan3A_270 = arith.constant 0 : i32
      scf.yield %scan3A_270 : i32
    }
    %scan3A_40 = arith.constant 41 : i32
    %dma_wait3A = arith.constant 0 : i32
    %dma_wait3A_41 = arith.constant 0 : i32
    %dma_wait3A_42 = arith.constant 0 : i32
    %dma_wait3A_43 = arith.constant 0 : i32
    %dma_wait3A_44 = tpu.memref_slice %arg8[%dma_wait3A, %dma_wait3A_42, %dma_wait3A_43] : memref<3x80x128xf32, #tpu.memory_space<vmem>> -> memref<1x80x128xf32, #tpu.memory_space<vmem>>
    %dma_wait3A_45 = tpu.memref_squeeze %dma_wait3A_44 : memref<1x80x128xf32, #tpu.memory_space<vmem>> -> memref<80x128xf32, #tpu.memory_space<vmem>>
    %dma_wait3A_46 = arith.constant 9840 : i32
    %dma_wait3A_47 = tpu.memref_slice %arg6[%dma_wait3A_46] : memref<10000xi32, #tpu.memory_space<vmem>> -> memref<80xi32, #tpu.memory_space<vmem>>
    %dma_wait3A_48 = arith.constant 0 : i32
    %dma_wait3A_49 = arith.constant 0 : i32
    %dma_wait3A_50 = tpu.memref_slice %arg2[%dma_wait3A_48, %dma_wait3A_49] : memref<10000x128xf32, #tpu.memory_space<hbm>> -> memref<10000x128xf32, #tpu.memory_space<hbm>>
    %dma_wait3A_51 = tpu.memref_slice %arg10[%dma_wait3A_41] : memref<3x!tpu.dma_semaphore, #tpu.memory_space<semaphore_mem>> -> memref<1x!tpu.dma_semaphore, #tpu.memory_space<semaphore_mem>>
    %dma_wait3A_52 = tpu.memref_squeeze %dma_wait3A_51 : memref<1x!tpu.dma_semaphore, #tpu.memory_space<semaphore_mem>> -> memref<!tpu.dma_semaphore, #tpu.memory_space<semaphore_mem>>
    tpu.wait_indirect_dma semaphore(%dma_wait3A_52 : memref<!tpu.dma_semaphore, #tpu.memory_space<semaphore_mem>>) src(%dma_wait3A_50 : memref<10000x128xf32, #tpu.memory_space<hbm>>) dst(%dma_wait3A_45 : memref<80x128xf32, #tpu.memory_space<vmem>>)
    %dma_start3A_53 = arith.constant 0 : i32
    %dma_start3A_54 = arith.constant 0 : i32
    %dma_start3A_55 = arith.constant 0 : i32
    %dma_start3A_56 = arith.constant 0 : i32
    %dma_start3A_57 = tpu.memref_slice %arg8[%dma_start3A_53, %dma_start3A_55, %dma_start3A_56] : memref<3x80x128xf32, #tpu.memory_space<vmem>> -> memref<1x80x128xf32, #tpu.memory_space<vmem>>
    %dma_start3A_58 = tpu.memref_squeeze %dma_start3A_57 : memref<1x80x128xf32, #tpu.memory_space<vmem>> -> memref<80x128xf32, #tpu.memory_space<vmem>>
    %dma_start3A_59 = arith.constant 9840 : i32
    %dma_start3A_60 = tpu.memref_slice %arg7[%dma_start3A_59] : memref<10000xi32, #tpu.memory_space<vmem>> -> memref<80xi32, #tpu.memory_space<vmem>>
    %dma_start3A_61 = arith.constant 0 : i32
    %dma_start3A_62 = arith.constant 0 : i32
    %dma_start3A_63 = tpu.memref_slice %arg9[%dma_start3A_61, %dma_start3A_62] : memref<10000x128xf32, #tpu.memory_space<vmem_shared>> -> memref<10000x128xf32, #tpu.memory_space<vmem_shared>>
    %dma_start3A_64 = tpu.memref_slice %arg11[%dma_start3A_54] : memref<3x!tpu.dma_semaphore, #tpu.memory_space<semaphore_mem>> -> memref<1x!tpu.dma_semaphore, #tpu.memory_space<semaphore_mem>>
    %dma_start3A_65 = tpu.memref_squeeze %dma_start3A_64 : memref<1x!tpu.dma_semaphore, #tpu.memory_space<semaphore_mem>> -> memref<!tpu.dma_semaphore, #tpu.memory_space<semaphore_mem>>
    tpu.enqueue_indirect_dma source(%dma_start3A_58 : memref<80x128xf32, #tpu.memory_space<vmem>>) target(%dma_start3A_63 : memref<10000x128xf32, #tpu.memory_space<vmem_shared>>) offsets(%dma_start3A_60 : memref<80xi32, #tpu.memory_space<vmem>>) semaphore(%dma_start3A_65 : memref<!tpu.dma_semaphore, #tpu.memory_space<semaphore_mem>>) {add = true}
    %dma_wait3A_66 = arith.constant 2 : i32
    %dma_wait3A_67 = arith.constant 2 : i32
    %dma_wait3A_68 = arith.constant 0 : i32
    %dma_wait3A_69 = arith.constant 0 : i32
    %dma_wait3A_70 = tpu.memref_slice %arg8[%dma_wait3A_66, %dma_wait3A_68, %dma_wait3A_69] : memref<3x80x128xf32, #tpu.memory_space<vmem>> -> memref<1x80x128xf32, #tpu.memory_space<vmem>>
    %dma_wait3A_71 = tpu.memref_squeeze %dma_wait3A_70 : memref<1x80x128xf32, #tpu.memory_space<vmem>> -> memref<80x128xf32, #tpu.memory_space<vmem>>
    %dma_wait3A_72 = arith.constant 9760 : i32
    %dma_wait3A_73 = tpu.memref_slice %arg7[%dma_wait3A_72] : memref<10000xi32, #tpu.memory_space<vmem>> -> memref<80xi32, #tpu.memory_space<vmem>>
    %dma_wait3A_74 = arith.constant 0 : i32
    %dma_wait3A_75 = arith.constant 0 : i32
    %dma_wait3A_76 = tpu.memref_slice %arg9[%dma_wait3A_74, %dma_wait3A_75] : memref<10000x128xf32, #tpu.memory_space<vmem_shared>> -> memref<10000x128xf32, #tpu.memory_space<vmem_shared>>
    %dma_wait3A_77 = tpu.memref_slice %arg11[%dma_wait3A_67] : memref<3x!tpu.dma_semaphore, #tpu.memory_space<semaphore_mem>> -> memref<1x!tpu.dma_semaphore, #tpu.memory_space<semaphore_mem>>
    %dma_wait3A_78 = tpu.memref_squeeze %dma_wait3A_77 : memref<1x!tpu.dma_semaphore, #tpu.memory_space<semaphore_mem>> -> memref<!tpu.dma_semaphore, #tpu.memory_space<semaphore_mem>>
    tpu.wait_indirect_dma semaphore(%dma_wait3A_78 : memref<!tpu.dma_semaphore, #tpu.memory_space<semaphore_mem>>) src(%dma_wait3A_71 : memref<80x128xf32, #tpu.memory_space<vmem>>) dst(%dma_wait3A_76 : memref<10000x128xf32, #tpu.memory_space<vmem_shared>>)
    %dma_wait3A_79 = arith.constant 1 : i32
    %dma_wait3A_80 = arith.constant 1 : i32
    %dma_wait3A_81 = arith.constant 0 : i32
    %dma_wait3A_82 = arith.constant 0 : i32
    %dma_wait3A_83 = tpu.memref_slice %arg8[%dma_wait3A_79, %dma_wait3A_81, %dma_wait3A_82] : memref<3x80x128xf32, #tpu.memory_space<vmem>> -> memref<1x80x128xf32, #tpu.memory_space<vmem>>
    %dma_wait3A_84 = tpu.memref_squeeze %dma_wait3A_83 : memref<1x80x128xf32, #tpu.memory_space<vmem>> -> memref<80x128xf32, #tpu.memory_space<vmem>>
    %dma_wait3A_85 = arith.constant 9920 : i32
    %dma_wait3A_86 = tpu.memref_slice %arg6[%dma_wait3A_85] : memref<10000xi32, #tpu.memory_space<vmem>> -> memref<80xi32, #tpu.memory_space<vmem>>
    %dma_wait3A_87 = arith.constant 0 : i32
    %dma_wait3A_88 = arith.constant 0 : i32
    %dma_wait3A_89 = tpu.memref_slice %arg2[%dma_wait3A_87, %dma_wait3A_88] : memref<10000x128xf32, #tpu.memory_space<hbm>> -> memref<10000x128xf32, #tpu.memory_space<hbm>>
    %dma_wait3A_90 = tpu.memref_slice %arg10[%dma_wait3A_80] : memref<3x!tpu.dma_semaphore, #tpu.memory_space<semaphore_mem>> -> memref<1x!tpu.dma_semaphore, #tpu.memory_space<semaphore_mem>>
    %dma_wait3A_91 = tpu.memref_squeeze %dma_wait3A_90 : memref<1x!tpu.dma_semaphore, #tpu.memory_space<semaphore_mem>> -> memref<!tpu.dma_semaphore, #tpu.memory_space<semaphore_mem>>
    tpu.wait_indirect_dma semaphore(%dma_wait3A_91 : memref<!tpu.dma_semaphore, #tpu.memory_space<semaphore_mem>>) src(%dma_wait3A_89 : memref<10000x128xf32, #tpu.memory_space<hbm>>) dst(%dma_wait3A_84 : memref<80x128xf32, #tpu.memory_space<vmem>>)
    %dma_start3A_92 = arith.constant 1 : i32
    %dma_start3A_93 = arith.constant 1 : i32
    %dma_start3A_94 = arith.constant 0 : i32
    %dma_start3A_95 = arith.constant 0 : i32
    %dma_start3A_96 = tpu.memref_slice %arg8[%dma_start3A_92, %dma_start3A_94, %dma_start3A_95] : memref<3x80x128xf32, #tpu.memory_space<vmem>> -> memref<1x80x128xf32, #tpu.memory_space<vmem>>
    %dma_start3A_97 = tpu.memref_squeeze %dma_start3A_96 : memref<1x80x128xf32, #tpu.memory_space<vmem>> -> memref<80x128xf32, #tpu.memory_space<vmem>>
    %dma_start3A_98 = arith.constant 9920 : i32
    %dma_start3A_99 = tpu.memref_slice %arg7[%dma_start3A_98] : memref<10000xi32, #tpu.memory_space<vmem>> -> memref<80xi32, #tpu.memory_space<vmem>>
    %dma_start3A_100 = arith.constant 0 : i32
    %dma_start3A_101 = arith.constant 0 : i32
    %dma_start3A_102 = tpu.memref_slice %arg9[%dma_start3A_100, %dma_start3A_101] : memref<10000x128xf32, #tpu.memory_space<vmem_shared>> -> memref<10000x128xf32, #tpu.memory_space<vmem_shared>>
    %dma_start3A_103 = tpu.memref_slice %arg11[%dma_start3A_93] : memref<3x!tpu.dma_semaphore, #tpu.memory_space<semaphore_mem>> -> memref<1x!tpu.dma_semaphore, #tpu.memory_space<semaphore_mem>>
    %dma_start3A_104 = tpu.memref_squeeze %dma_start3A_103 : memref<1x!tpu.dma_semaphore, #tpu.memory_space<semaphore_mem>> -> memref<!tpu.dma_semaphore, #tpu.memory_space<semaphore_mem>>
    tpu.enqueue_indirect_dma source(%dma_start3A_97 : memref<80x128xf32, #tpu.memory_space<vmem>>) target(%dma_start3A_102 : memref<10000x128xf32, #tpu.memory_space<vmem_shared>>) offsets(%dma_start3A_99 : memref<80xi32, #tpu.memory_space<vmem>>) semaphore(%dma_start3A_104 : memref<!tpu.dma_semaphore, #tpu.memory_space<semaphore_mem>>) {add = true}
    %dma_wait3A_105 = arith.constant 0 : i32
    %dma_wait3A_106 = arith.constant 0 : i32
    %dma_wait3A_107 = arith.constant 0 : i32
    %dma_wait3A_108 = arith.constant 0 : i32
    %dma_wait3A_109 = tpu.memref_slice %arg8[%dma_wait3A_105, %dma_wait3A_107, %dma_wait3A_108] : memref<3x80x128xf32, #tpu.memory_space<vmem>> -> memref<1x80x128xf32, #tpu.memory_space<vmem>>
    %dma_wait3A_110 = tpu.memref_squeeze %dma_wait3A_109 : memref<1x80x128xf32, #tpu.memory_space<vmem>> -> memref<80x128xf32, #tpu.memory_space<vmem>>
    %dma_wait3A_111 = arith.constant 9840 : i32
    %dma_wait3A_112 = tpu.memref_slice %arg7[%dma_wait3A_111] : memref<10000xi32, #tpu.memory_space<vmem>> -> memref<80xi32, #tpu.memory_space<vmem>>
    %dma_wait3A_113 = arith.constant 0 : i32
    %dma_wait3A_114 = arith.constant 0 : i32
    %dma_wait3A_115 = tpu.memref_slice %arg9[%dma_wait3A_113, %dma_wait3A_114] : memref<10000x128xf32, #tpu.memory_space<vmem_shared>> -> memref<10000x128xf32, #tpu.memory_space<vmem_shared>>
    %dma_wait3A_116 = tpu.memref_slice %arg11[%dma_wait3A_106] : memref<3x!tpu.dma_semaphore, #tpu.memory_space<semaphore_mem>> -> memref<1x!tpu.dma_semaphore, #tpu.memory_space<semaphore_mem>>
    %dma_wait3A_117 = tpu.memref_squeeze %dma_wait3A_116 : memref<1x!tpu.dma_semaphore, #tpu.memory_space<semaphore_mem>> -> memref<!tpu.dma_semaphore, #tpu.memory_space<semaphore_mem>>
    tpu.wait_indirect_dma semaphore(%dma_wait3A_117 : memref<!tpu.dma_semaphore, #tpu.memory_space<semaphore_mem>>) src(%dma_wait3A_110 : memref<80x128xf32, #tpu.memory_space<vmem>>) dst(%dma_wait3A_115 : memref<10000x128xf32, #tpu.memory_space<vmem_shared>>)
    %dma_wait3A_118 = arith.constant 1 : i32
    %dma_wait3A_119 = arith.constant 1 : i32
    %dma_wait3A_120 = arith.constant 0 : i32
    %dma_wait3A_121 = arith.constant 0 : i32
    %dma_wait3A_122 = tpu.memref_slice %arg8[%dma_wait3A_118, %dma_wait3A_120, %dma_wait3A_121] : memref<3x80x128xf32, #tpu.memory_space<vmem>> -> memref<1x80x128xf32, #tpu.memory_space<vmem>>
    %dma_wait3A_123 = tpu.memref_squeeze %dma_wait3A_122 : memref<1x80x128xf32, #tpu.memory_space<vmem>> -> memref<80x128xf32, #tpu.memory_space<vmem>>
    %dma_wait3A_124 = arith.constant 9920 : i32
    %dma_wait3A_125 = tpu.memref_slice %arg7[%dma_wait3A_124] : memref<10000xi32, #tpu.memory_space<vmem>> -> memref<80xi32, #tpu.memory_space<vmem>>
    %dma_wait3A_126 = arith.constant 0 : i32
    %dma_wait3A_127 = arith.constant 0 : i32
    %dma_wait3A_128 = tpu.memref_slice %arg9[%dma_wait3A_126, %dma_wait3A_127] : memref<10000x128xf32, #tpu.memory_space<vmem_shared>> -> memref<10000x128xf32, #tpu.memory_space<vmem_shared>>
    %dma_wait3A_129 = tpu.memref_slice %arg11[%dma_wait3A_119] : memref<3x!tpu.dma_semaphore, #tpu.memory_space<semaphore_mem>> -> memref<1x!tpu.dma_semaphore, #tpu.memory_space<semaphore_mem>>
    %dma_wait3A_130 = tpu.memref_squeeze %dma_wait3A_129 : memref<1x!tpu.dma_semaphore, #tpu.memory_space<semaphore_mem>> -> memref<!tpu.dma_semaphore, #tpu.memory_space<semaphore_mem>>
    tpu.wait_indirect_dma semaphore(%dma_wait3A_130 : memref<!tpu.dma_semaphore, #tpu.memory_space<semaphore_mem>>) src(%dma_wait3A_123 : memref<80x128xf32, #tpu.memory_space<vmem>>) dst(%dma_wait3A_128 : memref<10000x128xf32, #tpu.memory_space<vmem_shared>>)
    %barrier3A_131 = arith.constant 0 : index
    tpu.barrier barrier_id(%barrier3A_131)
    %lt3A_132 = arith.constant 10 : i32
    %lt3A_133 = arith.cmpi slt, %arg1, %lt3A_132 : i32
    %convert_element_type3A_134 = arith.extui %lt3A_133 : i1 to i32
    %cond3A_135 = arith.constant 0 : i32
    %cond3A_136 = arith.cmpi ne, %convert_element_type3A_134, %cond3A_135 : i32
    scf.if %cond3A_136 {
      %mul3A_137 = arith.constant 1000 : i32
      %mul3A_138 = arith.muli %arg1, %mul3A_137 : i32
      %mul3A_139 = arith.constant 1000 : i32
      %mul3A_140 = arith.muli %arg1, %mul3A_139 : i32
      "tpu.region"() ({
        %run_scoped3A = tpu.sem_alloc : memref<!tpu.dma_semaphore, #tpu.memory_space<semaphore_mem>>
        %dma_start3A_141 = arith.constant 0 : i32
        %dma_start3A_142 = tpu.memref_slice %arg5[%arg0, %mul3A_140, %dma_start3A_141] : memref<2x10000x128xf32, #tpu.memory_space<hbm>> -> memref<1x1000x128xf32, #tpu.memory_space<hbm>>
        %dma_start3A_143 = tpu.memref_squeeze %dma_start3A_142 : memref<1x1000x128xf32, #tpu.memory_space<hbm>> -> memref<1000x128xf32, #tpu.memory_space<hbm>>
        %dma_start3A_144 = arith.constant 0 : i32
        %dma_start3A_145 = tpu.memref_slice %arg9[%mul3A_138, %dma_start3A_144] : memref<10000x128xf32, #tpu.memory_space<vmem_shared>> -> memref<1000x128xf32, #tpu.memory_space<vmem_shared>>
        tpu.enqueue_dma source(%dma_start3A_145 : memref<1000x128xf32, #tpu.memory_space<vmem_shared>>) target(%dma_start3A_143 : memref<1000x128xf32, #tpu.memory_space<hbm>>) target_semaphore(%run_scoped3A : memref<!tpu.dma_semaphore, #tpu.memory_space<semaphore_mem>>)
        %dma_wait3A_146 = arith.constant 0 : i32
        %dma_wait3A_147 = tpu.memref_slice %arg5[%arg0, %mul3A_140, %dma_wait3A_146] : memref<2x10000x128xf32, #tpu.memory_space<hbm>> -> memref<1x1000x128xf32, #tpu.memory_space<hbm>>
        %dma_wait3A_148 = tpu.memref_squeeze %dma_wait3A_147 : memref<1x1000x128xf32, #tpu.memory_space<hbm>> -> memref<1000x128xf32, #tpu.memory_space<hbm>>
        %dma_wait3A_149 = arith.constant 0 : i32
        %dma_wait3A_150 = tpu.memref_slice %arg9[%mul3A_138, %dma_wait3A_149] : memref<10000x128xf32, #tpu.memory_space<vmem_shared>> -> memref<1000x128xf32, #tpu.memory_space<vmem_shared>>
        tpu.wait_dma2 semaphore(%run_scoped3A : memref<!tpu.dma_semaphore, #tpu.memory_space<semaphore_mem>>) src(%dma_wait3A_150 : memref<1000x128xf32, #tpu.memory_space<vmem_shared>>) dst(%dma_wait3A_148 : memref<1000x128xf32, #tpu.memory_space<hbm>>)
        tpu.yield
      }) : () -> ()
    } else {
    }
    return
  }
}

#map = affine_map<(d0, d1) -> (0, 0, 0, 0)>
#map1 = affine_map<(d0, d1) -> (0, 0, 0)>
module attributes {stable_mosaic.version = 14 : i64} {
  func.func @_sc_degrees(%arg0: i32, %arg1: i32, %arg2: memref<2x16x250x80xi32, #tpu.memory_space<hbm>>, %arg3: memref<2x1x10000xf32, #tpu.memory_space<hbm>>, %arg4: memref<250x80xi32, #tpu.memory_space<vmem>>, %arg5: memref<80xf32, #tpu.memory_space<vmem>>, %arg6: memref<2000xf32, #tpu.memory_space<vmem>>, %arg7: memref<10000xf32, #tpu.memory_space<vmem_shared>>, %arg8: memref<!tpu.dma_semaphore, #tpu.memory_space<semaphore_mem>>) attributes {dimension_semantics = [#tpu.dimension_semantics<core_parallel>, #tpu.dimension_semantics<subcore_parallel>], iteration_bounds = array<i64: 2, 16>, scalar_prefetch = 0 : i64, scratch_operands = 5 : i64, tpu.core_type = #tpu.core_type<sc_vector_subcore>, window_params = [{transform_indices = #map}, {transform_indices = #map1}]} {
    %broadcast_in_dim3A = arith.constant 1.000000e+00 : f32
    %broadcast_in_dim3A_0 = vector.broadcast %broadcast_in_dim3A : f32 to vector<16xf32>
    %swap3A = arith.constant 0 : index
    %swap3A_1 = tpu.vector_load %arg5[%swap3A] {strides = array<i32>} : memref<80xf32, #tpu.memory_space<vmem>>, vector<16xf32>,
    %swap3A_2 = vector.shape_cast %swap3A_1 : vector<16xf32> to vector<16xf32>
    %swap3A_3 = vector.shape_cast %broadcast_in_dim3A_0 : vector<16xf32> to vector<16xf32>
    tpu.vector_store %arg5[%swap3A], %swap3A_3 {strides = array<i32>} : memref<80xf32, #tpu.memory_space<vmem>>, vector<16xf32>,
    %broadcast_in_dim3A_4 = arith.constant 1.000000e+00 : f32
    %broadcast_in_dim3A_5 = vector.broadcast %broadcast_in_dim3A_4 : f32 to vector<16xf32>
    %swap3A_6 = arith.constant 16 : index
    %swap3A_7 = tpu.vector_load %arg5[%swap3A_6] {strides = array<i32>} : memref<80xf32, #tpu.memory_space<vmem>>, vector<16xf32>,
    %swap3A_8 = vector.shape_cast %swap3A_7 : vector<16xf32> to vector<16xf32>
    %swap3A_9 = vector.shape_cast %broadcast_in_dim3A_5 : vector<16xf32> to vector<16xf32>
    tpu.vector_store %arg5[%swap3A_6], %swap3A_9 {strides = array<i32>} : memref<80xf32, #tpu.memory_space<vmem>>, vector<16xf32>,
    %broadcast_in_dim3A_10 = arith.constant 1.000000e+00 : f32
    %broadcast_in_dim3A_11 = vector.broadcast %broadcast_in_dim3A_10 : f32 to vector<16xf32>
    %swap3A_12 = arith.constant 32 : index
    %swap3A_13 = tpu.vector_load %arg5[%swap3A_12] {strides = array<i32>} : memref<80xf32, #tpu.memory_space<vmem>>, vector<16xf32>,
    %swap3A_14 = vector.shape_cast %swap3A_13 : vector<16xf32> to vector<16xf32>
    %swap3A_15 = vector.shape_cast %broadcast_in_dim3A_11 : vector<16xf32> to vector<16xf32>
    tpu.vector_store %arg5[%swap3A_12], %swap3A_15 {strides = array<i32>} : memref<80xf32, #tpu.memory_space<vmem>>, vector<16xf32>,
    %broadcast_in_dim3A_16 = arith.constant 1.000000e+00 : f32
    %broadcast_in_dim3A_17 = vector.broadcast %broadcast_in_dim3A_16 : f32 to vector<16xf32>
    %swap3A_18 = arith.constant 48 : index
    %swap3A_19 = tpu.vector_load %arg5[%swap3A_18] {strides = array<i32>} : memref<80xf32, #tpu.memory_space<vmem>>, vector<16xf32>,
    %swap3A_20 = vector.shape_cast %swap3A_19 : vector<16xf32> to vector<16xf32>
    %swap3A_21 = vector.shape_cast %broadcast_in_dim3A_17 : vector<16xf32> to vector<16xf32>
    tpu.vector_store %arg5[%swap3A_18], %swap3A_21 {strides = array<i32>} : memref<80xf32, #tpu.memory_space<vmem>>, vector<16xf32>,
    %broadcast_in_dim3A_22 = arith.constant 1.000000e+00 : f32
    %broadcast_in_dim3A_23 = vector.broadcast %broadcast_in_dim3A_22 : f32 to vector<16xf32>
    %swap3A_24 = arith.constant 64 : index
    %swap3A_25 = tpu.vector_load %arg5[%swap3A_24] {strides = array<i32>} : memref<80xf32, #tpu.memory_space<vmem>>, vector<16xf32>,
    %swap3A_26 = vector.shape_cast %swap3A_25 : vector<16xf32> to vector<16xf32>
    %swap3A_27 = vector.shape_cast %broadcast_in_dim3A_23 : vector<16xf32> to vector<16xf32>
    tpu.vector_store %arg5[%swap3A_24], %swap3A_27 {strides = array<i32>} : memref<80xf32, #tpu.memory_space<vmem>>, vector<16xf32>,
    %eq3A = arith.constant 0 : i32
    %eq3A_28 = arith.cmpi eq, %arg1, %eq3A : i32
    %convert_element_type3A = arith.extui %eq3A_28 : i1 to i32
    %cond3A = arith.constant 0 : i32
    %cond3A_29 = arith.cmpi ne, %convert_element_type3A, %cond3A : i32
    scf.if %cond3A_29 {
      %scan3A_42 = arith.constant 0 : i32
      %scan3A_43 = arith.constant 0 : i32
      %scan3A_44 = arith.constant 125 : i32
      %scan3A_45 = arith.addi %scan3A_43, %scan3A_44 : i32
      %scan3A_46 = arith.constant 1 : i32
      %scan3A_47 = scf.for %scan3A_49 = %scan3A_43 to %scan3A_45 step %scan3A_46 iter_args(%scan3A_50 = %scan3A_42) -> (i32)  : i32 {
        %broadcast_in_dim3A_51 = arith.constant 0.000000e+00 : f32
        %broadcast_in_dim3A_52 = vector.broadcast %broadcast_in_dim3A_51 : f32 to vector<16xf32>
        %mul3A = arith.constant 16 : i32
        %mul3A_53 = arith.muli %scan3A_49, %mul3A : i32
        %swap3A_54 = arith.index_cast %mul3A_53 : i32 to index
        %swap3A_55 = tpu.vector_load %arg6[%swap3A_54] {strides = array<i32>} : memref<2000xf32, #tpu.memory_space<vmem>>, vector<16xf32>,
        %swap3A_56 = vector.shape_cast %swap3A_55 : vector<16xf32> to vector<16xf32>
        %swap3A_57 = vector.shape_cast %broadcast_in_dim3A_52 : vector<16xf32> to vector<16xf32>
        tpu.vector_store %arg6[%swap3A_54], %swap3A_57 {strides = array<i32>} : memref<2000xf32, #tpu.memory_space<vmem>>, vector<16xf32>,
        %scan3A_58 = arith.constant 0 : i32
        scf.yield %scan3A_58 : i32
      }
      %scan3A_48 = arith.constant 125 : i32
      "tpu.region"() ({
        %run_scoped3A = tpu.sem_alloc : memref<!tpu.dma_semaphore, #tpu.memory_space<semaphore_mem>>
        %dma_start3A = arith.constant 0 : i32
        %dma_start3A_49 = tpu.memref_slice %arg7[%dma_start3A] : memref<10000xf32, #tpu.memory_space<vmem_shared>> -> memref<2000xf32, #tpu.memory_space<vmem_shared>>
        %dma_start3A_50 = arith.constant 0 : i32
        %dma_start3A_51 = tpu.memref_slice %arg7[%dma_start3A_50] : memref<10000xf32, #tpu.memory_space<vmem_shared>> -> memref<2000xf32, #tpu.memory_space<vmem_shared>>
        tpu.enqueue_dma source(%arg6 : memref<2000xf32, #tpu.memory_space<vmem>>) target(%dma_start3A_51 : memref<2000xf32, #tpu.memory_space<vmem_shared>>) target_semaphore(%run_scoped3A : memref<!tpu.dma_semaphore, #tpu.memory_space<semaphore_mem>>)
        %dma_wait3A = arith.constant 0 : i32
        %dma_wait3A_52 = tpu.memref_slice %arg7[%dma_wait3A] : memref<10000xf32, #tpu.memory_space<vmem_shared>> -> memref<2000xf32, #tpu.memory_space<vmem_shared>>
        %dma_wait3A_53 = arith.constant 0 : i32
        %dma_wait3A_54 = tpu.memref_slice %arg7[%dma_wait3A_53] : memref<10000xf32, #tpu.memory_space<vmem_shared>> -> memref<2000xf32, #tpu.memory_space<vmem_shared>>
        tpu.wait_dma2 semaphore(%run_scoped3A : memref<!tpu.dma_semaphore, #tpu.memory_space<semaphore_mem>>) src(%arg6 : memref<2000xf32, #tpu.memory_space<vmem>>) dst(%dma_wait3A_54 : memref<2000xf32, #tpu.memory_space<vmem_shared>>)
        tpu.yield
      }) : () -> ()
      "tpu.region"() ({
        %run_scoped3A = tpu.sem_alloc : memref<!tpu.dma_semaphore, #tpu.memory_space<semaphore_mem>>
        %dma_start3A = arith.constant 2000 : i32
        %dma_start3A_49 = tpu.memref_slice %arg7[%dma_start3A] : memref<10000xf32, #tpu.memory_space<vmem_shared>> -> memref<2000xf32, #tpu.memory_space<vmem_shared>>
        %dma_start3A_50 = arith.constant 2000 : i32
        %dma_start3A_51 = tpu.memref_slice %arg7[%dma_start3A_50] : memref<10000xf32, #tpu.memory_space<vmem_shared>> -> memref<2000xf32, #tpu.memory_space<vmem_shared>>
        tpu.enqueue_dma source(%arg6 : memref<2000xf32, #tpu.memory_space<vmem>>) target(%dma_start3A_51 : memref<2000xf32, #tpu.memory_space<vmem_shared>>) target_semaphore(%run_scoped3A : memref<!tpu.dma_semaphore, #tpu.memory_space<semaphore_mem>>)
        %dma_wait3A = arith.constant 2000 : i32
        %dma_wait3A_52 = tpu.memref_slice %arg7[%dma_wait3A] : memref<10000xf32, #tpu.memory_space<vmem_shared>> -> memref<2000xf32, #tpu.memory_space<vmem_shared>>
        %dma_wait3A_53 = arith.constant 2000 : i32
        %dma_wait3A_54 = tpu.memref_slice %arg7[%dma_wait3A_53] : memref<10000xf32, #tpu.memory_space<vmem_shared>> -> memref<2000xf32, #tpu.memory_space<vmem_shared>>
        tpu.wait_dma2 semaphore(%run_scoped3A : memref<!tpu.dma_semaphore, #tpu.memory_space<semaphore_mem>>) src(%arg6 : memref<2000xf32, #tpu.memory_space<vmem>>) dst(%dma_wait3A_54 : memref<2000xf32, #tpu.memory_space<vmem_shared>>)
        tpu.yield
      }) : () -> ()
      "tpu.region"() ({
        %run_scoped3A = tpu.sem_alloc : memref<!tpu.dma_semaphore, #tpu.memory_space<semaphore_mem>>
        %dma_start3A = arith.constant 4000 : i32
        %dma_start3A_49 = tpu.memref_slice %arg7[%dma_start3A] : memref<10000xf32, #tpu.memory_space<vmem_shared>> -> memref<2000xf32, #tpu.memory_space<vmem_shared>>
        %dma_start3A_50 = arith.constant 4000 : i32
        %dma_start3A_51 = tpu.memref_slice %arg7[%dma_start3A_50] : memref<10000xf32, #tpu.memory_space<vmem_shared>> -> memref<2000xf32, #tpu.memory_space<vmem_shared>>
        tpu.enqueue_dma source(%arg6 : memref<2000xf32, #tpu.memory_space<vmem>>) target(%dma_start3A_51 : memref<2000xf32, #tpu.memory_space<vmem_shared>>) target_semaphore(%run_scoped3A : memref<!tpu.dma_semaphore, #tpu.memory_space<semaphore_mem>>)
        %dma_wait3A = arith.constant 4000 : i32
        %dma_wait3A_52 = tpu.memref_slice %arg7[%dma_wait3A] : memref<10000xf32, #tpu.memory_space<vmem_shared>> -> memref<2000xf32, #tpu.memory_space<vmem_shared>>
        %dma_wait3A_53 = arith.constant 4000 : i32
        %dma_wait3A_54 = tpu.memref_slice %arg7[%dma_wait3A_53] : memref<10000xf32, #tpu.memory_space<vmem_shared>> -> memref<2000xf32, #tpu.memory_space<vmem_shared>>
        tpu.wait_dma2 semaphore(%run_scoped3A : memref<!tpu.dma_semaphore, #tpu.memory_space<semaphore_mem>>) src(%arg6 : memref<2000xf32, #tpu.memory_space<vmem>>) dst(%dma_wait3A_54 : memref<2000xf32, #tpu.memory_space<vmem_shared>>)
        tpu.yield
      }) : () -> ()
      "tpu.region"() ({
        %run_scoped3A = tpu.sem_alloc : memref<!tpu.dma_semaphore, #tpu.memory_space<semaphore_mem>>
        %dma_start3A = arith.constant 6000 : i32
        %dma_start3A_49 = tpu.memref_slice %arg7[%dma_start3A] : memref<10000xf32, #tpu.memory_space<vmem_shared>> -> memref<2000xf32, #tpu.memory_space<vmem_shared>>
        %dma_start3A_50 = arith.constant 6000 : i32
        %dma_start3A_51 = tpu.memref_slice %arg7[%dma_start3A_50] : memref<10000xf32, #tpu.memory_space<vmem_shared>> -> memref<2000xf32, #tpu.memory_space<vmem_shared>>
        tpu.enqueue_dma source(%arg6 : memref<2000xf32, #tpu.memory_space<vmem>>) target(%dma_start3A_51 : memref<2000xf32, #tpu.memory_space<vmem_shared>>) target_semaphore(%run_scoped3A : memref<!tpu.dma_semaphore, #tpu.memory_space<semaphore_mem>>)
        %dma_wait3A = arith.constant 6000 : i32
        %dma_wait3A_52 = tpu.memref_slice %arg7[%dma_wait3A] : memref<10000xf32, #tpu.memory_space<vmem_shared>> -> memref<2000xf32, #tpu.memory_space<vmem_shared>>
        %dma_wait3A_53 = arith.constant 6000 : i32
        %dma_wait3A_54 = tpu.memref_slice %arg7[%dma_wait3A_53] : memref<10000xf32, #tpu.memory_space<vmem_shared>> -> memref<2000xf32, #tpu.memory_space<vmem_shared>>
        tpu.wait_dma2 semaphore(%run_scoped3A : memref<!tpu.dma_semaphore, #tpu.memory_space<semaphore_mem>>) src(%arg6 : memref<2000xf32, #tpu.memory_space<vmem>>) dst(%dma_wait3A_54 : memref<2000xf32, #tpu.memory_space<vmem_shared>>)
        tpu.yield
      }) : () -> ()
      "tpu.region"() ({
        %run_scoped3A = tpu.sem_alloc : memref<!tpu.dma_semaphore, #tpu.memory_space<semaphore_mem>>
        %dma_start3A = arith.constant 8000 : i32
        %dma_start3A_49 = tpu.memref_slice %arg7[%dma_start3A] : memref<10000xf32, #tpu.memory_space<vmem_shared>> -> memref<2000xf32, #tpu.memory_space<vmem_shared>>
        %dma_start3A_50 = arith.constant 8000 : i32
        %dma_start3A_51 = tpu.memref_slice %arg7[%dma_start3A_50] : memref<10000xf32, #tpu.memory_space<vmem_shared>> -> memref<2000xf32, #tpu.memory_space<vmem_shared>>
        tpu.enqueue_dma source(%arg6 : memref<2000xf32, #tpu.memory_space<vmem>>) target(%dma_start3A_51 : memref<2000xf32, #tpu.memory_space<vmem_shared>>) target_semaphore(%run_scoped3A : memref<!tpu.dma_semaphore, #tpu.memory_space<semaphore_mem>>)
        %dma_wait3A = arith.constant 8000 : i32
        %dma_wait3A_52 = tpu.memref_slice %arg7[%dma_wait3A] : memref<10000xf32, #tpu.memory_space<vmem_shared>> -> memref<2000xf32, #tpu.memory_space<vmem_shared>>
        %dma_wait3A_53 = arith.constant 8000 : i32
        %dma_wait3A_54 = tpu.memref_slice %arg7[%dma_wait3A_53] : memref<10000xf32, #tpu.memory_space<vmem_shared>> -> memref<2000xf32, #tpu.memory_space<vmem_shared>>
        tpu.wait_dma2 semaphore(%run_scoped3A : memref<!tpu.dma_semaphore, #tpu.memory_space<semaphore_mem>>) src(%arg6 : memref<2000xf32, #tpu.memory_space<vmem>>) dst(%dma_wait3A_54 : memref<2000xf32, #tpu.memory_space<vmem_shared>>)
        tpu.yield
      }) : () -> ()
    } else {
    }
    "tpu.region"() ({
      %run_scoped3A = tpu.sem_alloc : memref<!tpu.dma_semaphore, #tpu.memory_space<semaphore_mem>>
      %dma_start3A = arith.constant 0 : i32
      %dma_start3A_42 = arith.constant 0 : i32
      %dma_start3A_43 = tpu.memref_slice %arg2[%arg0, %arg1, %dma_start3A, %dma_start3A_42] : memref<2x16x250x80xi32, #tpu.memory_space<hbm>> -> memref<1x1x250x80xi32, #tpu.memory_space<hbm>>
      %dma_start3A_44 = tpu.memref_squeeze %dma_start3A_43 : memref<1x1x250x80xi32, #tpu.memory_space<hbm>> -> memref<250x80xi32, #tpu.memory_space<hbm>>
      %dma_start3A_45 = arith.constant 0 : i32
      %dma_start3A_46 = arith.constant 0 : i32
      %dma_start3A_47 = tpu.memref_slice %arg2[%arg0, %arg1, %dma_start3A_45, %dma_start3A_46] : memref<2x16x250x80xi32, #tpu.memory_space<hbm>> -> memref<1x1x250x80xi32, #tpu.memory_space<hbm>>
      %dma_start3A_48 = tpu.memref_squeeze %dma_start3A_47 : memref<1x1x250x80xi32, #tpu.memory_space<hbm>> -> memref<250x80xi32, #tpu.memory_space<hbm>>
      tpu.enqueue_dma source(%dma_start3A_48 : memref<250x80xi32, #tpu.memory_space<hbm>>) target(%arg4 : memref<250x80xi32, #tpu.memory_space<vmem>>) target_semaphore(%run_scoped3A : memref<!tpu.dma_semaphore, #tpu.memory_space<semaphore_mem>>)
      %dma_wait3A = arith.constant 0 : i32
      %dma_wait3A_49 = arith.constant 0 : i32
      %dma_wait3A_50 = tpu.memref_slice %arg2[%arg0, %arg1, %dma_wait3A, %dma_wait3A_49] : memref<2x16x250x80xi32, #tpu.memory_space<hbm>> -> memref<1x1x250x80xi32, #tpu.memory_space<hbm>>
      %dma_wait3A_51 = tpu.memref_squeeze %dma_wait3A_50 : memref<1x1x250x80xi32, #tpu.memory_space<hbm>> -> memref<250x80xi32, #tpu.memory_space<hbm>>
      %dma_wait3A_52 = arith.constant 0 : i32
      %dma_wait3A_53 = arith.constant 0 : i32
      %dma_wait3A_54 = tpu.memref_slice %arg2[%arg0, %arg1, %dma_wait3A_52, %dma_wait3A_53] : memref<2x16x250x80xi32, #tpu.memory_space<hbm>> -> memref<1x1x250x80xi32, #tpu.memory_space<hbm>>
      %dma_wait3A_55 = tpu.memref_squeeze %dma_wait3A_54 : memref<1x1x250x80xi32, #tpu.memory_space<hbm>> -> memref<250x80xi32, #tpu.memory_space<hbm>>
      tpu.wait_dma2 semaphore(%run_scoped3A : memref<!tpu.dma_semaphore, #tpu.memory_space<semaphore_mem>>) src(%dma_wait3A_55 : memref<250x80xi32, #tpu.memory_space<hbm>>) dst(%arg4 : memref<250x80xi32, #tpu.memory_space<vmem>>)
      tpu.yield
    }) : () -> ()
    %barrier3A = arith.constant 0 : index
    tpu.barrier barrier_id(%barrier3A)
    %scan3A = arith.constant 0 : i32
    %scan3A_30 = arith.constant 0 : i32
    %scan3A_31 = arith.constant 25 : i32
    %scan3A_32 = arith.addi %scan3A_30, %scan3A_31 : i32
    %scan3A_33 = arith.constant 1 : i32
    %scan3A_34 = scf.for %scan3A_42 = %scan3A_30 to %scan3A_32 step %scan3A_33 iter_args(%scan3A_43 = %scan3A) -> (i32)  : i32 {
      %mul3A = arith.constant 10 : i32
      %mul3A_44 = arith.muli %scan3A_42, %mul3A : i32
      %add3A = arith.constant 0 : i32
      %add3A_45 = arith.addi %mul3A_44, %add3A : i32
      %dma_start3A = arith.constant 0 : i32
      %dma_start3A_46 = tpu.memref_slice %arg4[%add3A_45, %dma_start3A] : memref<250x80xi32, #tpu.memory_space<vmem>> -> memref<1x80xi32, #tpu.memory_space<vmem>>
      %dma_start3A_47 = tpu.memref_squeeze %dma_start3A_46 : memref<1x80xi32, #tpu.memory_space<vmem>> -> memref<80xi32, #tpu.memory_space<vmem>>
      %dma_start3A_48 = arith.constant 0 : i32
      %dma_start3A_49 = tpu.memref_slice %arg7[%dma_start3A_48] : memref<10000xf32, #tpu.memory_space<vmem_shared>> -> memref<10000xf32, #tpu.memory_space<vmem_shared>>
      tpu.enqueue_indirect_dma source(%arg5 : memref<80xf32, #tpu.memory_space<vmem>>) target(%dma_start3A_49 : memref<10000xf32, #tpu.memory_space<vmem_shared>>) offsets(%dma_start3A_47 : memref<80xi32, #tpu.memory_space<vmem>>) semaphore(%arg8 : memref<!tpu.dma_semaphore, #tpu.memory_space<semaphore_mem>>) {add = true}
      %mul3A_50 = arith.constant 10 : i32
      %mul3A_51 = arith.muli %scan3A_42, %mul3A_50 : i32
      %add3A_52 = arith.constant 1 : i32
      %add3A_53 = arith.addi %mul3A_51, %add3A_52 : i32
      %dma_start3A_54 = arith.constant 0 : i32
      %dma_start3A_55 = tpu.memref_slice %arg4[%add3A_53, %dma_start3A_54] : memref<250x80xi32, #tpu.memory_space<vmem>> -> memref<1x80xi32, #tpu.memory_space<vmem>>
      %dma_start3A_56 = tpu.memref_squeeze %dma_start3A_55 : memref<1x80xi32, #tpu.memory_space<vmem>> -> memref<80xi32, #tpu.memory_space<vmem>>
      %dma_start3A_57 = arith.constant 0 : i32
      %dma_start3A_58 = tpu.memref_slice %arg7[%dma_start3A_57] : memref<10000xf32, #tpu.memory_space<vmem_shared>> -> memref<10000xf32, #tpu.memory_space<vmem_shared>>
      tpu.enqueue_indirect_dma source(%arg5 : memref<80xf32, #tpu.memory_space<vmem>>) target(%dma_start3A_58 : memref<10000xf32, #tpu.memory_space<vmem_shared>>) offsets(%dma_start3A_56 : memref<80xi32, #tpu.memory_space<vmem>>) semaphore(%arg8 : memref<!tpu.dma_semaphore, #tpu.memory_space<semaphore_mem>>) {add = true}
      %mul3A_59 = arith.constant 10 : i32
      %mul3A_60 = arith.muli %scan3A_42, %mul3A_59 : i32
      %add3A_61 = arith.constant 2 : i32
      %add3A_62 = arith.addi %mul3A_60, %add3A_61 : i32
      %dma_start3A_63 = arith.constant 0 : i32
      %dma_start3A_64 = tpu.memref_slice %arg4[%add3A_62, %dma_start3A_63] : memref<250x80xi32, #tpu.memory_space<vmem>> -> memref<1x80xi32, #tpu.memory_space<vmem>>
      %dma_start3A_65 = tpu.memref_squeeze %dma_start3A_64 : memref<1x80xi32, #tpu.memory_space<vmem>> -> memref<80xi32, #tpu.memory_space<vmem>>
      %dma_start3A_66 = arith.constant 0 : i32
      %dma_start3A_67 = tpu.memref_slice %arg7[%dma_start3A_66] : memref<10000xf32, #tpu.memory_space<vmem_shared>> -> memref<10000xf32, #tpu.memory_space<vmem_shared>>
      tpu.enqueue_indirect_dma source(%arg5 : memref<80xf32, #tpu.memory_space<vmem>>) target(%dma_start3A_67 : memref<10000xf32, #tpu.memory_space<vmem_shared>>) offsets(%dma_start3A_65 : memref<80xi32, #tpu.memory_space<vmem>>) semaphore(%arg8 : memref<!tpu.dma_semaphore, #tpu.memory_space<semaphore_mem>>) {add = true}
      %mul3A_68 = arith.constant 10 : i32
      %mul3A_69 = arith.muli %scan3A_42, %mul3A_68 : i32
      %add3A_70 = arith.constant 3 : i32
      %add3A_71 = arith.addi %mul3A_69, %add3A_70 : i32
      %dma_start3A_72 = arith.constant 0 : i32
      %dma_start3A_73 = tpu.memref_slice %arg4[%add3A_71, %dma_start3A_72] : memref<250x80xi32, #tpu.memory_space<vmem>> -> memref<1x80xi32, #tpu.memory_space<vmem>>
      %dma_start3A_74 = tpu.memref_squeeze %dma_start3A_73 : memref<1x80xi32, #tpu.memory_space<vmem>> -> memref<80xi32, #tpu.memory_space<vmem>>
      %dma_start3A_75 = arith.constant 0 : i32
      %dma_start3A_76 = tpu.memref_slice %arg7[%dma_start3A_75] : memref<10000xf32, #tpu.memory_space<vmem_shared>> -> memref<10000xf32, #tpu.memory_space<vmem_shared>>
      tpu.enqueue_indirect_dma source(%arg5 : memref<80xf32, #tpu.memory_space<vmem>>) target(%dma_start3A_76 : memref<10000xf32, #tpu.memory_space<vmem_shared>>) offsets(%dma_start3A_74 : memref<80xi32, #tpu.memory_space<vmem>>) semaphore(%arg8 : memref<!tpu.dma_semaphore, #tpu.memory_space<semaphore_mem>>) {add = true}
      %mul3A_77 = arith.constant 10 : i32
      %mul3A_78 = arith.muli %scan3A_42, %mul3A_77 : i32
      %add3A_79 = arith.constant 4 : i32
      %add3A_80 = arith.addi %mul3A_78, %add3A_79 : i32
      %dma_start3A_81 = arith.constant 0 : i32
      %dma_start3A_82 = tpu.memref_slice %arg4[%add3A_80, %dma_start3A_81] : memref<250x80xi32, #tpu.memory_space<vmem>> -> memref<1x80xi32, #tpu.memory_space<vmem>>
      %dma_start3A_83 = tpu.memref_squeeze %dma_start3A_82 : memref<1x80xi32, #tpu.memory_space<vmem>> -> memref<80xi32, #tpu.memory_space<vmem>>
      %dma_start3A_84 = arith.constant 0 : i32
      %dma_start3A_85 = tpu.memref_slice %arg7[%dma_start3A_84] : memref<10000xf32, #tpu.memory_space<vmem_shared>> -> memref<10000xf32, #tpu.memory_space<vmem_shared>>
      tpu.enqueue_indirect_dma source(%arg5 : memref<80xf32, #tpu.memory_space<vmem>>) target(%dma_start3A_85 : memref<10000xf32, #tpu.memory_space<vmem_shared>>) offsets(%dma_start3A_83 : memref<80xi32, #tpu.memory_space<vmem>>) semaphore(%arg8 : memref<!tpu.dma_semaphore, #tpu.memory_space<semaphore_mem>>) {add = true}
      %mul3A_86 = arith.constant 10 : i32
      %mul3A_87 = arith.muli %scan3A_42, %mul3A_86 : i32
      %add3A_88 = arith.constant 5 : i32
      %add3A_89 = arith.addi %mul3A_87, %add3A_88 : i32
      %dma_start3A_90 = arith.constant 0 : i32
      %dma_start3A_91 = tpu.memref_slice %arg4[%add3A_89, %dma_start3A_90] : memref<250x80xi32, #tpu.memory_space<vmem>> -> memref<1x80xi32, #tpu.memory_space<vmem>>
      %dma_start3A_92 = tpu.memref_squeeze %dma_start3A_91 : memref<1x80xi32, #tpu.memory_space<vmem>> -> memref<80xi32, #tpu.memory_space<vmem>>
      %dma_start3A_93 = arith.constant 0 : i32
      %dma_start3A_94 = tpu.memref_slice %arg7[%dma_start3A_93] : memref<10000xf32, #tpu.memory_space<vmem_shared>> -> memref<10000xf32, #tpu.memory_space<vmem_shared>>
      tpu.enqueue_indirect_dma source(%arg5 : memref<80xf32, #tpu.memory_space<vmem>>) target(%dma_start3A_94 : memref<10000xf32, #tpu.memory_space<vmem_shared>>) offsets(%dma_start3A_92 : memref<80xi32, #tpu.memory_space<vmem>>) semaphore(%arg8 : memref<!tpu.dma_semaphore, #tpu.memory_space<semaphore_mem>>) {add = true}
      %mul3A_95 = arith.constant 10 : i32
      %mul3A_96 = arith.muli %scan3A_42, %mul3A_95 : i32
      %add3A_97 = arith.constant 6 : i32
      %add3A_98 = arith.addi %mul3A_96, %add3A_97 : i32
      %dma_start3A_99 = arith.constant 0 : i32
      %dma_start3A_100 = tpu.memref_slice %arg4[%add3A_98, %dma_start3A_99] : memref<250x80xi32, #tpu.memory_space<vmem>> -> memref<1x80xi32, #tpu.memory_space<vmem>>
      %dma_start3A_101 = tpu.memref_squeeze %dma_start3A_100 : memref<1x80xi32, #tpu.memory_space<vmem>> -> memref<80xi32, #tpu.memory_space<vmem>>
      %dma_start3A_102 = arith.constant 0 : i32
      %dma_start3A_103 = tpu.memref_slice %arg7[%dma_start3A_102] : memref<10000xf32, #tpu.memory_space<vmem_shared>> -> memref<10000xf32, #tpu.memory_space<vmem_shared>>
      tpu.enqueue_indirect_dma source(%arg5 : memref<80xf32, #tpu.memory_space<vmem>>) target(%dma_start3A_103 : memref<10000xf32, #tpu.memory_space<vmem_shared>>) offsets(%dma_start3A_101 : memref<80xi32, #tpu.memory_space<vmem>>) semaphore(%arg8 : memref<!tpu.dma_semaphore, #tpu.memory_space<semaphore_mem>>) {add = true}
      %mul3A_104 = arith.constant 10 : i32
      %mul3A_105 = arith.muli %scan3A_42, %mul3A_104 : i32
      %add3A_106 = arith.constant 7 : i32
      %add3A_107 = arith.addi %mul3A_105, %add3A_106 : i32
      %dma_start3A_108 = arith.constant 0 : i32
      %dma_start3A_109 = tpu.memref_slice %arg4[%add3A_107, %dma_start3A_108] : memref<250x80xi32, #tpu.memory_space<vmem>> -> memref<1x80xi32, #tpu.memory_space<vmem>>
      %dma_start3A_110 = tpu.memref_squeeze %dma_start3A_109 : memref<1x80xi32, #tpu.memory_space<vmem>> -> memref<80xi32, #tpu.memory_space<vmem>>
      %dma_start3A_111 = arith.constant 0 : i32
      %dma_start3A_112 = tpu.memref_slice %arg7[%dma_start3A_111] : memref<10000xf32, #tpu.memory_space<vmem_shared>> -> memref<10000xf32, #tpu.memory_space<vmem_shared>>
      tpu.enqueue_indirect_dma source(%arg5 : memref<80xf32, #tpu.memory_space<vmem>>) target(%dma_start3A_112 : memref<10000xf32, #tpu.memory_space<vmem_shared>>) offsets(%dma_start3A_110 : memref<80xi32, #tpu.memory_space<vmem>>) semaphore(%arg8 : memref<!tpu.dma_semaphore, #tpu.memory_space<semaphore_mem>>) {add = true}
      %mul3A_113 = arith.constant 10 : i32
      %mul3A_114 = arith.muli %scan3A_42, %mul3A_113 : i32
      %add3A_115 = arith.constant 8 : i32
      %add3A_116 = arith.addi %mul3A_114, %add3A_115 : i32
      %dma_start3A_117 = arith.constant 0 : i32
      %dma_start3A_118 = tpu.memref_slice %arg4[%add3A_116, %dma_start3A_117] : memref<250x80xi32, #tpu.memory_space<vmem>> -> memref<1x80xi32, #tpu.memory_space<vmem>>
      %dma_start3A_119 = tpu.memref_squeeze %dma_start3A_118 : memref<1x80xi32, #tpu.memory_space<vmem>> -> memref<80xi32, #tpu.memory_space<vmem>>
      %dma_start3A_120 = arith.constant 0 : i32
      %dma_start3A_121 = tpu.memref_slice %arg7[%dma_start3A_120] : memref<10000xf32, #tpu.memory_space<vmem_shared>> -> memref<10000xf32, #tpu.memory_space<vmem_shared>>
      tpu.enqueue_indirect_dma source(%arg5 : memref<80xf32, #tpu.memory_space<vmem>>) target(%dma_start3A_121 : memref<10000xf32, #tpu.memory_space<vmem_shared>>) offsets(%dma_start3A_119 : memref<80xi32, #tpu.memory_space<vmem>>) semaphore(%arg8 : memref<!tpu.dma_semaphore, #tpu.memory_space<semaphore_mem>>) {add = true}
      %mul3A_122 = arith.constant 10 : i32
      %mul3A_123 = arith.muli %scan3A_42, %mul3A_122 : i32
      %add3A_124 = arith.constant 9 : i32
      %add3A_125 = arith.addi %mul3A_123, %add3A_124 : i32
      %dma_start3A_126 = arith.constant 0 : i32
      %dma_start3A_127 = tpu.memref_slice %arg4[%add3A_125, %dma_start3A_126] : memref<250x80xi32, #tpu.memory_space<vmem>> -> memref<1x80xi32, #tpu.memory_space<vmem>>
      %dma_start3A_128 = tpu.memref_squeeze %dma_start3A_127 : memref<1x80xi32, #tpu.memory_space<vmem>> -> memref<80xi32, #tpu.memory_space<vmem>>
      %dma_start3A_129 = arith.constant 0 : i32
      %dma_start3A_130 = tpu.memref_slice %arg7[%dma_start3A_129] : memref<10000xf32, #tpu.memory_space<vmem_shared>> -> memref<10000xf32, #tpu.memory_space<vmem_shared>>
      tpu.enqueue_indirect_dma source(%arg5 : memref<80xf32, #tpu.memory_space<vmem>>) target(%dma_start3A_130 : memref<10000xf32, #tpu.memory_space<vmem_shared>>) offsets(%dma_start3A_128 : memref<80xi32, #tpu.memory_space<vmem>>) semaphore(%arg8 : memref<!tpu.dma_semaphore, #tpu.memory_space<semaphore_mem>>) {add = true}
      %dma_wait3A = arith.constant 0 : i32
      %dma_wait3A_131 = tpu.memref_slice %arg4[%add3A_45, %dma_wait3A] : memref<250x80xi32, #tpu.memory_space<vmem>> -> memref<1x80xi32, #tpu.memory_space<vmem>>
      %dma_wait3A_132 = tpu.memref_squeeze %dma_wait3A_131 : memref<1x80xi32, #tpu.memory_space<vmem>> -> memref<80xi32, #tpu.memory_space<vmem>>
      %dma_wait3A_133 = arith.constant 0 : i32
      %dma_wait3A_134 = tpu.memref_slice %arg7[%dma_wait3A_133] : memref<10000xf32, #tpu.memory_space<vmem_shared>> -> memref<10000xf32, #tpu.memory_space<vmem_shared>>
      tpu.wait_indirect_dma semaphore(%arg8 : memref<!tpu.dma_semaphore, #tpu.memory_space<semaphore_mem>>) src(%arg5 : memref<80xf32, #tpu.memory_space<vmem>>) dst(%dma_wait3A_134 : memref<10000xf32, #tpu.memory_space<vmem_shared>>)
      %dma_wait3A_135 = arith.constant 0 : i32
      %dma_wait3A_136 = tpu.memref_slice %arg4[%add3A_53, %dma_wait3A_135] : memref<250x80xi32, #tpu.memory_space<vmem>> -> memref<1x80xi32, #tpu.memory_space<vmem>>
      %dma_wait3A_137 = tpu.memref_squeeze %dma_wait3A_136 : memref<1x80xi32, #tpu.memory_space<vmem>> -> memref<80xi32, #tpu.memory_space<vmem>>
      %dma_wait3A_138 = arith.constant 0 : i32
      %dma_wait3A_139 = tpu.memref_slice %arg7[%dma_wait3A_138] : memref<10000xf32, #tpu.memory_space<vmem_shared>> -> memref<10000xf32, #tpu.memory_space<vmem_shared>>
      tpu.wait_indirect_dma semaphore(%arg8 : memref<!tpu.dma_semaphore, #tpu.memory_space<semaphore_mem>>) src(%arg5 : memref<80xf32, #tpu.memory_space<vmem>>) dst(%dma_wait3A_139 : memref<10000xf32, #tpu.memory_space<vmem_shared>>)
      %dma_wait3A_140 = arith.constant 0 : i32
      %dma_wait3A_141 = tpu.memref_slice %arg4[%add3A_62, %dma_wait3A_140] : memref<250x80xi32, #tpu.memory_space<vmem>> -> memref<1x80xi32, #tpu.memory_space<vmem>>
      %dma_wait3A_142 = tpu.memref_squeeze %dma_wait3A_141 : memref<1x80xi32, #tpu.memory_space<vmem>> -> memref<80xi32, #tpu.memory_space<vmem>>
      %dma_wait3A_143 = arith.constant 0 : i32
      %dma_wait3A_144 = tpu.memref_slice %arg7[%dma_wait3A_143] : memref<10000xf32, #tpu.memory_space<vmem_shared>> -> memref<10000xf32, #tpu.memory_space<vmem_shared>>
      tpu.wait_indirect_dma semaphore(%arg8 : memref<!tpu.dma_semaphore, #tpu.memory_space<semaphore_mem>>) src(%arg5 : memref<80xf32, #tpu.memory_space<vmem>>) dst(%dma_wait3A_144 : memref<10000xf32, #tpu.memory_space<vmem_shared>>)
      %dma_wait3A_145 = arith.constant 0 : i32
      %dma_wait3A_146 = tpu.memref_slice %arg4[%add3A_71, %dma_wait3A_145] : memref<250x80xi32, #tpu.memory_space<vmem>> -> memref<1x80xi32, #tpu.memory_space<vmem>>
      %dma_wait3A_147 = tpu.memref_squeeze %dma_wait3A_146 : memref<1x80xi32, #tpu.memory_space<vmem>> -> memref<80xi32, #tpu.memory_space<vmem>>
      %dma_wait3A_148 = arith.constant 0 : i32
      %dma_wait3A_149 = tpu.memref_slice %arg7[%dma_wait3A_148] : memref<10000xf32, #tpu.memory_space<vmem_shared>> -> memref<10000xf32, #tpu.memory_space<vmem_shared>>
      tpu.wait_indirect_dma semaphore(%arg8 : memref<!tpu.dma_semaphore, #tpu.memory_space<semaphore_mem>>) src(%arg5 : memref<80xf32, #tpu.memory_space<vmem>>) dst(%dma_wait3A_149 : memref<10000xf32, #tpu.memory_space<vmem_shared>>)
      %dma_wait3A_150 = arith.constant 0 : i32
      %dma_wait3A_151 = tpu.memref_slice %arg4[%add3A_80, %dma_wait3A_150] : memref<250x80xi32, #tpu.memory_space<vmem>> -> memref<1x80xi32, #tpu.memory_space<vmem>>
      %dma_wait3A_152 = tpu.memref_squeeze %dma_wait3A_151 : memref<1x80xi32, #tpu.memory_space<vmem>> -> memref<80xi32, #tpu.memory_space<vmem>>
      %dma_wait3A_153 = arith.constant 0 : i32
      %dma_wait3A_154 = tpu.memref_slice %arg7[%dma_wait3A_153] : memref<10000xf32, #tpu.memory_space<vmem_shared>> -> memref<10000xf32, #tpu.memory_space<vmem_shared>>
      tpu.wait_indirect_dma semaphore(%arg8 : memref<!tpu.dma_semaphore, #tpu.memory_space<semaphore_mem>>) src(%arg5 : memref<80xf32, #tpu.memory_space<vmem>>) dst(%dma_wait3A_154 : memref<10000xf32, #tpu.memory_space<vmem_shared>>)
      %dma_wait3A_155 = arith.constant 0 : i32
      %dma_wait3A_156 = tpu.memref_slice %arg4[%add3A_89, %dma_wait3A_155] : memref<250x80xi32, #tpu.memory_space<vmem>> -> memref<1x80xi32, #tpu.memory_space<vmem>>
      %dma_wait3A_157 = tpu.memref_squeeze %dma_wait3A_156 : memref<1x80xi32, #tpu.memory_space<vmem>> -> memref<80xi32, #tpu.memory_space<vmem>>
      %dma_wait3A_158 = arith.constant 0 : i32
      %dma_wait3A_159 = tpu.memref_slice %arg7[%dma_wait3A_158] : memref<10000xf32, #tpu.memory_space<vmem_shared>> -> memref<10000xf32, #tpu.memory_space<vmem_shared>>
      tpu.wait_indirect_dma semaphore(%arg8 : memref<!tpu.dma_semaphore, #tpu.memory_space<semaphore_mem>>) src(%arg5 : memref<80xf32, #tpu.memory_space<vmem>>) dst(%dma_wait3A_159 : memref<10000xf32, #tpu.memory_space<vmem_shared>>)
      %dma_wait3A_160 = arith.constant 0 : i32
      %dma_wait3A_161 = tpu.memref_slice %arg4[%add3A_98, %dma_wait3A_160] : memref<250x80xi32, #tpu.memory_space<vmem>> -> memref<1x80xi32, #tpu.memory_space<vmem>>
      %dma_wait3A_162 = tpu.memref_squeeze %dma_wait3A_161 : memref<1x80xi32, #tpu.memory_space<vmem>> -> memref<80xi32, #tpu.memory_space<vmem>>
      %dma_wait3A_163 = arith.constant 0 : i32
      %dma_wait3A_164 = tpu.memref_slice %arg7[%dma_wait3A_163] : memref<10000xf32, #tpu.memory_space<vmem_shared>> -> memref<10000xf32, #tpu.memory_space<vmem_shared>>
      tpu.wait_indirect_dma semaphore(%arg8 : memref<!tpu.dma_semaphore, #tpu.memory_space<semaphore_mem>>) src(%arg5 : memref<80xf32, #tpu.memory_space<vmem>>) dst(%dma_wait3A_164 : memref<10000xf32, #tpu.memory_space<vmem_shared>>)
      %dma_wait3A_165 = arith.constant 0 : i32
      %dma_wait3A_166 = tpu.memref_slice %arg4[%add3A_107, %dma_wait3A_165] : memref<250x80xi32, #tpu.memory_space<vmem>> -> memref<1x80xi32, #tpu.memory_space<vmem>>
      %dma_wait3A_167 = tpu.memref_squeeze %dma_wait3A_166 : memref<1x80xi32, #tpu.memory_space<vmem>> -> memref<80xi32, #tpu.memory_space<vmem>>
      %dma_wait3A_168 = arith.constant 0 : i32
      %dma_wait3A_169 = tpu.memref_slice %arg7[%dma_wait3A_168] : memref<10000xf32, #tpu.memory_space<vmem_shared>> -> memref<10000xf32, #tpu.memory_space<vmem_shared>>
      tpu.wait_indirect_dma semaphore(%arg8 : memref<!tpu.dma_semaphore, #tpu.memory_space<semaphore_mem>>) src(%arg5 : memref<80xf32, #tpu.memory_space<vmem>>) dst(%dma_wait3A_169 : memref<10000xf32, #tpu.memory_space<vmem_shared>>)
      %dma_wait3A_170 = arith.constant 0 : i32
      %dma_wait3A_171 = tpu.memref_slice %arg4[%add3A_116, %dma_wait3A_170] : memref<250x80xi32, #tpu.memory_space<vmem>> -> memref<1x80xi32, #tpu.memory_space<vmem>>
      %dma_wait3A_172 = tpu.memref_squeeze %dma_wait3A_171 : memref<1x80xi32, #tpu.memory_space<vmem>> -> memref<80xi32, #tpu.memory_space<vmem>>
      %dma_wait3A_173 = arith.constant 0 : i32
      %dma_wait3A_174 = tpu.memref_slice %arg7[%dma_wait3A_173] : memref<10000xf32, #tpu.memory_space<vmem_shared>> -> memref<10000xf32, #tpu.memory_space<vmem_shared>>
      tpu.wait_indirect_dma semaphore(%arg8 : memref<!tpu.dma_semaphore, #tpu.memory_space<semaphore_mem>>) src(%arg5 : memref<80xf32, #tpu.memory_space<vmem>>) dst(%dma_wait3A_174 : memref<10000xf32, #tpu.memory_space<vmem_shared>>)
      %dma_wait3A_175 = arith.constant 0 : i32
      %dma_wait3A_176 = tpu.memref_slice %arg4[%add3A_125, %dma_wait3A_175] : memref<250x80xi32, #tpu.memory_space<vmem>> -> memref<1x80xi32, #tpu.memory_space<vmem>>
      %dma_wait3A_177 = tpu.memref_squeeze %dma_wait3A_176 : memref<1x80xi32, #tpu.memory_space<vmem>> -> memref<80xi32, #tpu.memory_space<vmem>>
      %dma_wait3A_178 = arith.constant 0 : i32
      %dma_wait3A_179 = tpu.memref_slice %arg7[%dma_wait3A_178] : memref<10000xf32, #tpu.memory_space<vmem_shared>> -> memref<10000xf32, #tpu.memory_space<vmem_shared>>
      tpu.wait_indirect_dma semaphore(%arg8 : memref<!tpu.dma_semaphore, #tpu.memory_space<semaphore_mem>>) src(%arg5 : memref<80xf32, #tpu.memory_space<vmem>>) dst(%dma_wait3A_179 : memref<10000xf32, #tpu.memory_space<vmem_shared>>)
      %scan3A_180 = arith.constant 0 : i32
      scf.yield %scan3A_180 : i32
    }
    %scan3A_35 = arith.constant 25 : i32
    %barrier3A_36 = arith.constant 0 : index
    tpu.barrier barrier_id(%barrier3A_36)
    %eq3A_37 = arith.constant 0 : i32
    %eq3A_38 = arith.cmpi eq, %arg1, %eq3A_37 : i32
    %convert_element_type3A_39 = arith.extui %eq3A_38 : i1 to i32
    %cond3A_40 = arith.constant 0 : i32
    %cond3A_41 = arith.cmpi ne, %convert_element_type3A_39, %cond3A_40 : i32
    scf.if %cond3A_41 {
      %run_scoped3A = arith.constant 0 : i32
      "tpu.region"() ({
        %run_scoped3A_42 = tpu.sem_alloc : memref<!tpu.dma_semaphore, #tpu.memory_space<semaphore_mem>>
        %dma_start3A = arith.constant 0 : i32
        %dma_start3A_43 = tpu.memref_slice %arg3[%arg0, %run_scoped3A, %dma_start3A] : memref<2x1x10000xf32, #tpu.memory_space<hbm>> -> memref<1x1x10000xf32, #tpu.memory_space<hbm>>
        %dma_start3A_44 = tpu.memref_squeeze %dma_start3A_43 : memref<1x1x10000xf32, #tpu.memory_space<hbm>> -> memref<10000xf32, #tpu.memory_space<hbm>>
        tpu.enqueue_dma source(%arg7 : memref<10000xf32, #tpu.memory_space<vmem_shared>>) target(%dma_start3A_44 : memref<10000xf32, #tpu.memory_space<hbm>>) target_semaphore(%run_scoped3A_42 : memref<!tpu.dma_semaphore, #tpu.memory_space<semaphore_mem>>)
        %dma_wait3A = arith.constant 0 : i32
        %dma_wait3A_45 = tpu.memref_slice %arg3[%arg0, %run_scoped3A, %dma_wait3A] : memref<2x1x10000xf32, #tpu.memory_space<hbm>> -> memref<1x1x10000xf32, #tpu.memory_space<hbm>>
        %dma_wait3A_46 = tpu.memref_squeeze %dma_wait3A_45 : memref<1x1x10000xf32, #tpu.memory_space<hbm>> -> memref<10000xf32, #tpu.memory_space<hbm>>
        tpu.wait_dma2 semaphore(%run_scoped3A_42 : memref<!tpu.dma_semaphore, #tpu.memory_space<semaphore_mem>>) src(%arg7 : memref<10000xf32, #tpu.memory_space<vmem_shared>>) dst(%dma_wait3A_46 : memref<10000xf32, #tpu.memory_space<hbm>>)
        tpu.yield
      }) : () -> ()
    } else {
    }
    return
  }
}

#map = affine_map<(d0, d1) -> (0, 0)>
#map1 = affine_map<(d0, d1) -> (0, 0, 0)>
module attributes {stable_mosaic.version = 14 : i64} {
  func.func @_sc_agg(%arg0: i32, %arg1: i32, %arg2: memref<10000x128xf32, #tpu.memory_space<hbm>>, %arg3: memref<32x10000xi32, #tpu.memory_space<hbm>>, %arg4: memref<32x10000xi32, #tpu.memory_space<hbm>>, %arg5: memref<2x10000x128xf32, #tpu.memory_space<hbm>>, %arg6: memref<10000xi32, #tpu.memory_space<vmem>>, %arg7: memref<10000xi32, #tpu.memory_space<vmem>>, %arg8: memref<3x80x128xf32, #tpu.memory_space<vmem>>, %arg9: memref<10000x128xf32, #tpu.memory_space<vmem_shared>>, %arg10: memref<3x!tpu.dma_semaphore, #tpu.memory_space<semaphore_mem>>, %arg11: memref<3x!tpu.dma_semaphore, #tpu.memory_space<semaphore_mem>>) attributes {dimension_semantics = [#tpu.dimension_semantics<core_parallel>, #tpu.dimension_semantics<subcore_parallel>], iteration_bounds = array<i64: 2, 16>, scalar_prefetch = 0 : i64, scratch_operands = 6 : i64, tpu.core_type = #tpu.core_type<sc_vector_subcore>, window_params = [{transform_indices = #map}, {transform_indices = #map}, {transform_indices = #map}, {transform_indices = #map1}]} {
    %mul3A = arith.constant 16 : i32
    %mul3A_0 = arith.muli %arg0, %mul3A : i32
    %add3A = arith.addi %mul3A_0, %arg1 : i32
    %scan3A = arith.constant 0 : i32
    %scan3A_1 = arith.constant 0 : i32
    %scan3A_2 = arith.constant 40 : i32
    %scan3A_3 = arith.addi %scan3A_1, %scan3A_2 : i32
    %scan3A_4 = arith.constant 1 : i32
    %scan3A_5 = scf.for %scan3A_137 = %scan3A_1 to %scan3A_3 step %scan3A_4 iter_args(%scan3A_138 = %scan3A) -> (i32)  : i32 {
      %broadcast_in_dim3A = arith.constant 0.000000e+00 : f32
      %broadcast_in_dim3A_139 = vector.broadcast %broadcast_in_dim3A : f32 to vector<16xf32>
      %swap3A = arith.constant 0 : i32
      %swap3A_140 = arith.index_cast %swap3A : i32 to index
      %swap3A_141 = arith.index_cast %scan3A_137 : i32 to index
      %swap3A_142 = arith.constant 0 : index
      %swap3A_143 = tpu.vector_load %arg8[%swap3A_140, %swap3A_141, %swap3A_142] {strides = array<i32>} : memref<3x80x128xf32, #tpu.memory_space<vmem>>, vector<1x1x16xf32>,
      %swap3A_144 = vector.shape_cast %swap3A_143 : vector<1x1x16xf32> to vector<16xf32>
      %swap3A_145 = vector.shape_cast %broadcast_in_dim3A_139 : vector<16xf32> to vector<1x1x16xf32>
      tpu.vector_store %arg8[%swap3A_140, %swap3A_141, %swap3A_142], %swap3A_145 {strides = array<i32>} : memref<3x80x128xf32, #tpu.memory_space<vmem>>, vector<1x1x16xf32>,
      %broadcast_in_dim3A_146 = arith.constant 0.000000e+00 : f32
      %broadcast_in_dim3A_147 = vector.broadcast %broadcast_in_dim3A_146 : f32 to vector<16xf32>
      %swap3A_148 = arith.constant 0 : i32
      %swap3A_149 = arith.index_cast %swap3A_148 : i32 to index
      %swap3A_150 = arith.index_cast %scan3A_137 : i32 to index
      %swap3A_151 = arith.constant 16 : index
      %swap3A_152 = tpu.vector_load %arg8[%swap3A_149, %swap3A_150, %swap3A_151] {strides = array<i32>} : memref<3x80x128xf32, #tpu.memory_space<vmem>>, vector<1x1x16xf32>,
      %swap3A_153 = vector.shape_cast %swap3A_152 : vector<1x1x16xf32> to vector<16xf32>
      %swap3A_154 = vector.shape_cast %broadcast_in_dim3A_147 : vector<16xf32> to vector<1x1x16xf32>
      tpu.vector_store %arg8[%swap3A_149, %swap3A_150, %swap3A_151], %swap3A_154 {strides = array<i32>} : memref<3x80x128xf32, #tpu.memory_space<vmem>>, vector<1x1x16xf32>,
      %broadcast_in_dim3A_155 = arith.constant 0.000000e+00 : f32
      %broadcast_in_dim3A_156 = vector.broadcast %broadcast_in_dim3A_155 : f32 to vector<16xf32>
      %swap3A_157 = arith.constant 0 : i32
      %swap3A_158 = arith.index_cast %swap3A_157 : i32 to index
      %swap3A_159 = arith.index_cast %scan3A_137 : i32 to index
      %swap3A_160 = arith.constant 32 : index
      %swap3A_161 = tpu.vector_load %arg8[%swap3A_158, %swap3A_159, %swap3A_160] {strides = array<i32>} : memref<3x80x128xf32, #tpu.memory_space<vmem>>, vector<1x1x16xf32>,
      %swap3A_162 = vector.shape_cast %swap3A_161 : vector<1x1x16xf32> to vector<16xf32>
      %swap3A_163 = vector.shape_cast %broadcast_in_dim3A_156 : vector<16xf32> to vector<1x1x16xf32>
      tpu.vector_store %arg8[%swap3A_158, %swap3A_159, %swap3A_160], %swap3A_163 {strides = array<i32>} : memref<3x80x128xf32, #tpu.memory_space<vmem>>, vector<1x1x16xf32>,
      %broadcast_in_dim3A_164 = arith.constant 0.000000e+00 : f32
      %broadcast_in_dim3A_165 = vector.broadcast %broadcast_in_dim3A_164 : f32 to vector<16xf32>
      %swap3A_166 = arith.constant 0 : i32
      %swap3A_167 = arith.index_cast %swap3A_166 : i32 to index
      %swap3A_168 = arith.index_cast %scan3A_137 : i32 to index
      %swap3A_169 = arith.constant 48 : index
      %swap3A_170 = tpu.vector_load %arg8[%swap3A_167, %swap3A_168, %swap3A_169] {strides = array<i32>} : memref<3x80x128xf32, #tpu.memory_space<vmem>>, vector<1x1x16xf32>,
      %swap3A_171 = vector.shape_cast %swap3A_170 : vector<1x1x16xf32> to vector<16xf32>
      %swap3A_172 = vector.shape_cast %broadcast_in_dim3A_165 : vector<16xf32> to vector<1x1x16xf32>
      tpu.vector_store %arg8[%swap3A_167, %swap3A_168, %swap3A_169], %swap3A_172 {strides = array<i32>} : memref<3x80x128xf32, #tpu.memory_space<vmem>>, vector<1x1x16xf32>,
      %broadcast_in_dim3A_173 = arith.constant 0.000000e+00 : f32
      %broadcast_in_dim3A_174 = vector.broadcast %broadcast_in_dim3A_173 : f32 to vector<16xf32>
      %swap3A_175 = arith.constant 0 : i32
      %swap3A_176 = arith.index_cast %swap3A_175 : i32 to index
      %swap3A_177 = arith.index_cast %scan3A_137 : i32 to index
      %swap3A_178 = arith.constant 64 : index
      %swap3A_179 = tpu.vector_load %arg8[%swap3A_176, %swap3A_177, %swap3A_178] {strides = array<i32>} : memref<3x80x128xf32, #tpu.memory_space<vmem>>, vector<1x1x16xf32>,
      %swap3A_180 = vector.shape_cast %swap3A_179 : vector<1x1x16xf32> to vector<16xf32>
      %swap3A_181 = vector.shape_cast %broadcast_in_dim3A_174 : vector<16xf32> to vector<1x1x16xf32>
      tpu.vector_store %arg8[%swap3A_176, %swap3A_177, %swap3A_178], %swap3A_181 {strides = array<i32>} : memref<3x80x128xf32, #tpu.memory_space<vmem>>, vector<1x1x16xf32>,
      %broadcast_in_dim3A_182 = arith.constant 0.000000e+00 : f32
      %broadcast_in_dim3A_183 = vector.broadcast %broadcast_in_dim3A_182 : f32 to vector<16xf32>
      %swap3A_184 = arith.constant 0 : i32
      %swap3A_185 = arith.index_cast %swap3A_184 : i32 to index
      %swap3A_186 = arith.index_cast %scan3A_137 : i32 to index
      %swap3A_187 = arith.constant 80 : index
      %swap3A_188 = tpu.vector_load %arg8[%swap3A_185, %swap3A_186, %swap3A_187] {strides = array<i32>} : memref<3x80x128xf32, #tpu.memory_space<vmem>>, vector<1x1x16xf32>,
      %swap3A_189 = vector.shape_cast %swap3A_188 : vector<1x1x16xf32> to vector<16xf32>
      %swap3A_190 = vector.shape_cast %broadcast_in_dim3A_183 : vector<16xf32> to vector<1x1x16xf32>
      tpu.vector_store %arg8[%swap3A_185, %swap3A_186, %swap3A_187], %swap3A_190 {strides = array<i32>} : memref<3x80x128xf32, #tpu.memory_space<vmem>>, vector<1x1x16xf32>,
      %broadcast_in_dim3A_191 = arith.constant 0.000000e+00 : f32
      %broadcast_in_dim3A_192 = vector.broadcast %broadcast_in_dim3A_191 : f32 to vector<16xf32>
      %swap3A_193 = arith.constant 0 : i32
      %swap3A_194 = arith.index_cast %swap3A_193 : i32 to index
      %swap3A_195 = arith.index_cast %scan3A_137 : i32 to index
      %swap3A_196 = arith.constant 96 : index
      %swap3A_197 = tpu.vector_load %arg8[%swap3A_194, %swap3A_195, %swap3A_196] {strides = array<i32>} : memref<3x80x128xf32, #tpu.memory_space<vmem>>, vector<1x1x16xf32>,
      %swap3A_198 = vector.shape_cast %swap3A_197 : vector<1x1x16xf32> to vector<16xf32>
      %swap3A_199 = vector.shape_cast %broadcast_in_dim3A_192 : vector<16xf32> to vector<1x1x16xf32>
      tpu.vector_store %arg8[%swap3A_194, %swap3A_195, %swap3A_196], %swap3A_199 {strides = array<i32>} : memref<3x80x128xf32, #tpu.memory_space<vmem>>, vector<1x1x16xf32>,
      %broadcast_in_dim3A_200 = arith.constant 0.000000e+00 : f32
      %broadcast_in_dim3A_201 = vector.broadcast %broadcast_in_dim3A_200 : f32 to vector<16xf32>
      %swap3A_202 = arith.constant 0 : i32
      %swap3A_203 = arith.index_cast %swap3A_202 : i32 to index
      %swap3A_204 = arith.index_cast %scan3A_137 : i32 to index
      %swap3A_205 = arith.constant 112 : index
      %swap3A_206 = tpu.vector_load %arg8[%swap3A_203, %swap3A_204, %swap3A_205] {strides = array<i32>} : memref<3x80x128xf32, #tpu.memory_space<vmem>>, vector<1x1x16xf32>,
      %swap3A_207 = vector.shape_cast %swap3A_206 : vector<1x1x16xf32> to vector<16xf32>
      %swap3A_208 = vector.shape_cast %broadcast_in_dim3A_201 : vector<16xf32> to vector<1x1x16xf32>
      tpu.vector_store %arg8[%swap3A_203, %swap3A_204, %swap3A_205], %swap3A_208 {strides = array<i32>} : memref<3x80x128xf32, #tpu.memory_space<vmem>>, vector<1x1x16xf32>,
      %scan3A_209 = arith.constant 0 : i32
      scf.yield %scan3A_209 : i32
    }
    %scan3A_6 = arith.constant 40 : i32
    %lt3A = arith.constant 10 : i32
    %lt3A_7 = arith.cmpi slt, %arg1, %lt3A : i32
    %convert_element_type3A = arith.extui %lt3A_7 : i1 to i32
    %cond3A = arith.constant 0 : i32
    %cond3A_8 = arith.cmpi ne, %convert_element_type3A, %cond3A : i32
    scf.if %cond3A_8 {
      %scan3A_137 = arith.constant 0 : i32
      %scan3A_138 = arith.constant 0 : i32
      %scan3A_139 = arith.constant 25 : i32
      %scan3A_140 = arith.addi %scan3A_138, %scan3A_139 : i32
      %scan3A_141 = arith.constant 1 : i32
      %scan3A_142 = scf.for %scan3A_144 = %scan3A_138 to %scan3A_140 step %scan3A_141 iter_args(%scan3A_145 = %scan3A_137) -> (i32)  : i32 {
        %mul3A_146 = arith.constant 1000 : i32
        %mul3A_147 = arith.muli %arg1, %mul3A_146 : i32
        %mul3A_148 = arith.constant 40 : i32
        %mul3A_149 = arith.muli %scan3A_144, %mul3A_148 : i32
        %add3A_150 = arith.addi %mul3A_147, %mul3A_149 : i32
        %run_scoped3A = arith.constant 0 : i32
        "tpu.region"() ({
          %run_scoped3A_152 = tpu.sem_alloc : memref<!tpu.dma_semaphore, #tpu.memory_space<semaphore_mem>>
          %dma_start3A_153 = arith.constant 0 : i32
          %dma_start3A_154 = arith.constant 0 : i32
          %dma_start3A_155 = tpu.memref_slice %arg8[%run_scoped3A, %dma_start3A_153, %dma_start3A_154] : memref<3x80x128xf32, #tpu.memory_space<vmem>> -> memref<1x40x128xf32, #tpu.memory_space<vmem>>
          %dma_start3A_156 = tpu.memref_squeeze %dma_start3A_155 : memref<1x40x128xf32, #tpu.memory_space<vmem>> -> memref<40x128xf32, #tpu.memory_space<vmem>>
          %dma_start3A_157 = arith.constant 0 : i32
          %dma_start3A_158 = tpu.memref_slice %arg9[%add3A_150, %dma_start3A_157] : memref<10000x128xf32, #tpu.memory_space<vmem_shared>> -> memref<40x128xf32, #tpu.memory_space<vmem_shared>>
          %dma_start3A_159 = arith.constant 0 : i32
          %dma_start3A_160 = tpu.memref_slice %arg9[%add3A_150, %dma_start3A_159] : memref<10000x128xf32, #tpu.memory_space<vmem_shared>> -> memref<40x128xf32, #tpu.memory_space<vmem_shared>>
          %dma_start3A_161 = arith.constant 0 : i32
          %dma_start3A_162 = arith.constant 0 : i32
          %dma_start3A_163 = tpu.memref_slice %arg8[%run_scoped3A, %dma_start3A_161, %dma_start3A_162] : memref<3x80x128xf32, #tpu.memory_space<vmem>> -> memref<1x40x128xf32, #tpu.memory_space<vmem>>
          %dma_start3A_164 = tpu.memref_squeeze %dma_start3A_163 : memref<1x40x128xf32, #tpu.memory_space<vmem>> -> memref<40x128xf32, #tpu.memory_space<vmem>>
          tpu.enqueue_dma source(%dma_start3A_164 : memref<40x128xf32, #tpu.memory_space<vmem>>) target(%dma_start3A_160 : memref<40x128xf32, #tpu.memory_space<vmem_shared>>) target_semaphore(%run_scoped3A_152 : memref<!tpu.dma_semaphore, #tpu.memory_space<semaphore_mem>>)
          %dma_wait3A_165 = arith.constant 0 : i32
          %dma_wait3A_166 = arith.constant 0 : i32
          %dma_wait3A_167 = tpu.memref_slice %arg8[%run_scoped3A, %dma_wait3A_165, %dma_wait3A_166] : memref<3x80x128xf32, #tpu.memory_space<vmem>> -> memref<1x40x128xf32, #tpu.memory_space<vmem>>
          %dma_wait3A_168 = tpu.memref_squeeze %dma_wait3A_167 : memref<1x40x128xf32, #tpu.memory_space<vmem>> -> memref<40x128xf32, #tpu.memory_space<vmem>>
          %dma_wait3A_169 = arith.constant 0 : i32
          %dma_wait3A_170 = tpu.memref_slice %arg9[%add3A_150, %dma_wait3A_169] : memref<10000x128xf32, #tpu.memory_space<vmem_shared>> -> memref<40x128xf32, #tpu.memory_space<vmem_shared>>
          %dma_wait3A_171 = arith.constant 0 : i32
          %dma_wait3A_172 = tpu.memref_slice %arg9[%add3A_150, %dma_wait3A_171] : memref<10000x128xf32, #tpu.memory_space<vmem_shared>> -> memref<40x128xf32, #tpu.memory_space<vmem_shared>>
          %dma_wait3A_173 = arith.constant 0 : i32
          %dma_wait3A_174 = arith.constant 0 : i32
          %dma_wait3A_175 = tpu.memref_slice %arg8[%run_scoped3A, %dma_wait3A_173, %dma_wait3A_174] : memref<3x80x128xf32, #tpu.memory_space<vmem>> -> memref<1x40x128xf32, #tpu.memory_space<vmem>>
          %dma_wait3A_176 = tpu.memref_squeeze %dma_wait3A_175 : memref<1x40x128xf32, #tpu.memory_space<vmem>> -> memref<40x128xf32, #tpu.memory_space<vmem>>
          tpu.wait_dma2 semaphore(%run_scoped3A_152 : memref<!tpu.dma_semaphore, #tpu.memory_space<semaphore_mem>>) src(%dma_wait3A_176 : memref<40x128xf32, #tpu.memory_space<vmem>>) dst(%dma_wait3A_172 : memref<40x128xf32, #tpu.memory_space<vmem_shared>>)
          tpu.yield
        }) : () -> ()
        %scan3A_151 = arith.constant 0 : i32
        scf.yield %scan3A_151 : i32
      }
      %scan3A_143 = arith.constant 25 : i32
    } else {
    }
    "tpu.region"() ({
      %run_scoped3A = tpu.sem_alloc : memref<!tpu.dma_semaphore, #tpu.memory_space<semaphore_mem>>
      %dma_start3A_137 = arith.constant 0 : i32
      %dma_start3A_138 = tpu.memref_slice %arg3[%add3A, %dma_start3A_137] : memref<32x10000xi32, #tpu.memory_space<hbm>> -> memref<1x10000xi32, #tpu.memory_space<hbm>>
      %dma_start3A_139 = tpu.memref_squeeze %dma_start3A_138 : memref<1x10000xi32, #tpu.memory_space<hbm>> -> memref<10000xi32, #tpu.memory_space<hbm>>
      %dma_start3A_140 = arith.constant 0 : i32
      %dma_start3A_141 = tpu.memref_slice %arg3[%add3A, %dma_start3A_140] : memref<32x10000xi32, #tpu.memory_space<hbm>> -> memref<1x10000xi32, #tpu.memory_space<hbm>>
      %dma_start3A_142 = tpu.memref_squeeze %dma_start3A_141 : memref<1x10000xi32, #tpu.memory_space<hbm>> -> memref<10000xi32, #tpu.memory_space<hbm>>
      tpu.enqueue_dma source(%dma_start3A_142 : memref<10000xi32, #tpu.memory_space<hbm>>) target(%arg6 : memref<10000xi32, #tpu.memory_space<vmem>>) target_semaphore(%run_scoped3A : memref<!tpu.dma_semaphore, #tpu.memory_space<semaphore_mem>>)
      %dma_wait3A_143 = arith.constant 0 : i32
      %dma_wait3A_144 = tpu.memref_slice %arg3[%add3A, %dma_wait3A_143] : memref<32x10000xi32, #tpu.memory_space<hbm>> -> memref<1x10000xi32, #tpu.memory_space<hbm>>
      %dma_wait3A_145 = tpu.memref_squeeze %dma_wait3A_144 : memref<1x10000xi32, #tpu.memory_space<hbm>> -> memref<10000xi32, #tpu.memory_space<hbm>>
      %dma_wait3A_146 = arith.constant 0 : i32
      %dma_wait3A_147 = tpu.memref_slice %arg3[%add3A, %dma_wait3A_146] : memref<32x10000xi32, #tpu.memory_space<hbm>> -> memref<1x10000xi32, #tpu.memory_space<hbm>>
      %dma_wait3A_148 = tpu.memref_squeeze %dma_wait3A_147 : memref<1x10000xi32, #tpu.memory_space<hbm>> -> memref<10000xi32, #tpu.memory_space<hbm>>
      tpu.wait_dma2 semaphore(%run_scoped3A : memref<!tpu.dma_semaphore, #tpu.memory_space<semaphore_mem>>) src(%dma_wait3A_148 : memref<10000xi32, #tpu.memory_space<hbm>>) dst(%arg6 : memref<10000xi32, #tpu.memory_space<vmem>>)
      tpu.yield
    }) : () -> ()
    "tpu.region"() ({
      %run_scoped3A = tpu.sem_alloc : memref<!tpu.dma_semaphore, #tpu.memory_space<semaphore_mem>>
      %dma_start3A_137 = arith.constant 0 : i32
      %dma_start3A_138 = tpu.memref_slice %arg4[%add3A, %dma_start3A_137] : memref<32x10000xi32, #tpu.memory_space<hbm>> -> memref<1x10000xi32, #tpu.memory_space<hbm>>
      %dma_start3A_139 = tpu.memref_squeeze %dma_start3A_138 : memref<1x10000xi32, #tpu.memory_space<hbm>> -> memref<10000xi32, #tpu.memory_space<hbm>>
      %dma_start3A_140 = arith.constant 0 : i32
      %dma_start3A_141 = tpu.memref_slice %arg4[%add3A, %dma_start3A_140] : memref<32x10000xi32, #tpu.memory_space<hbm>> -> memref<1x10000xi32, #tpu.memory_space<hbm>>
      %dma_start3A_142 = tpu.memref_squeeze %dma_start3A_141 : memref<1x10000xi32, #tpu.memory_space<hbm>> -> memref<10000xi32, #tpu.memory_space<hbm>>
      tpu.enqueue_dma source(%dma_start3A_142 : memref<10000xi32, #tpu.memory_space<hbm>>) target(%arg7 : memref<10000xi32, #tpu.memory_space<vmem>>) target_semaphore(%run_scoped3A : memref<!tpu.dma_semaphore, #tpu.memory_space<semaphore_mem>>)
      %dma_wait3A_143 = arith.constant 0 : i32
      %dma_wait3A_144 = tpu.memref_slice %arg4[%add3A, %dma_wait3A_143] : memref<32x10000xi32, #tpu.memory_space<hbm>> -> memref<1x10000xi32, #tpu.memory_space<hbm>>
      %dma_wait3A_145 = tpu.memref_squeeze %dma_wait3A_144 : memref<1x10000xi32, #tpu.memory_space<hbm>> -> memref<10000xi32, #tpu.memory_space<hbm>>
      %dma_wait3A_146 = arith.constant 0 : i32
      %dma_wait3A_147 = tpu.memref_slice %arg4[%add3A, %dma_wait3A_146] : memref<32x10000xi32, #tpu.memory_space<hbm>> -> memref<1x10000xi32, #tpu.memory_space<hbm>>
      %dma_wait3A_148 = tpu.memref_squeeze %dma_wait3A_147 : memref<1x10000xi32, #tpu.memory_space<hbm>> -> memref<10000xi32, #tpu.memory_space<hbm>>
      tpu.wait_dma2 semaphore(%run_scoped3A : memref<!tpu.dma_semaphore, #tpu.memory_space<semaphore_mem>>) src(%dma_wait3A_148 : memref<10000xi32, #tpu.memory_space<hbm>>) dst(%arg7 : memref<10000xi32, #tpu.memory_space<vmem>>)
      tpu.yield
    }) : () -> ()
    %barrier3A = arith.constant 0 : index
    tpu.barrier barrier_id(%barrier3A)
    %dma_start3A = arith.constant 0 : i32
    %dma_start3A_9 = arith.constant 0 : i32
    %dma_start3A_10 = arith.constant 0 : i32
    %dma_start3A_11 = arith.constant 0 : i32
    %dma_start3A_12 = tpu.memref_slice %arg8[%dma_start3A, %dma_start3A_10, %dma_start3A_11] : memref<3x80x128xf32, #tpu.memory_space<vmem>> -> memref<1x80x128xf32, #tpu.memory_space<vmem>>
    %dma_start3A_13 = tpu.memref_squeeze %dma_start3A_12 : memref<1x80x128xf32, #tpu.memory_space<vmem>> -> memref<80x128xf32, #tpu.memory_space<vmem>>
    %dma_start3A_14 = arith.constant 0 : i32
    %dma_start3A_15 = tpu.memref_slice %arg6[%dma_start3A_14] : memref<10000xi32, #tpu.memory_space<vmem>> -> memref<80xi32, #tpu.memory_space<vmem>>
    %dma_start3A_16 = arith.constant 0 : i32
    %dma_start3A_17 = arith.constant 0 : i32
    %dma_start3A_18 = tpu.memref_slice %arg2[%dma_start3A_16, %dma_start3A_17] : memref<10000x128xf32, #tpu.memory_space<hbm>> -> memref<10000x128xf32, #tpu.memory_space<hbm>>
    %dma_start3A_19 = tpu.memref_slice %arg10[%dma_start3A_9] : memref<3x!tpu.dma_semaphore, #tpu.memory_space<semaphore_mem>> -> memref<1x!tpu.dma_semaphore, #tpu.memory_space<semaphore_mem>>
    %dma_start3A_20 = tpu.memref_squeeze %dma_start3A_19 : memref<1x!tpu.dma_semaphore, #tpu.memory_space<semaphore_mem>> -> memref<!tpu.dma_semaphore, #tpu.memory_space<semaphore_mem>>
    tpu.enqueue_indirect_dma source(%dma_start3A_18 : memref<10000x128xf32, #tpu.memory_space<hbm>>) target(%dma_start3A_13 : memref<80x128xf32, #tpu.memory_space<vmem>>) offsets(%dma_start3A_15 : memref<80xi32, #tpu.memory_space<vmem>>) semaphore(%dma_start3A_20 : memref<!tpu.dma_semaphore, #tpu.memory_space<semaphore_mem>>)
    %dma_start3A_21 = arith.constant 1 : i32
    %dma_start3A_22 = arith.constant 1 : i32
    %dma_start3A_23 = arith.constant 0 : i32
    %dma_start3A_24 = arith.constant 0 : i32
    %dma_start3A_25 = tpu.memref_slice %arg8[%dma_start3A_21, %dma_start3A_23, %dma_start3A_24] : memref<3x80x128xf32, #tpu.memory_space<vmem>> -> memref<1x80x128xf32, #tpu.memory_space<vmem>>
    %dma_start3A_26 = tpu.memref_squeeze %dma_start3A_25 : memref<1x80x128xf32, #tpu.memory_space<vmem>> -> memref<80x128xf32, #tpu.memory_space<vmem>>
    %dma_start3A_27 = arith.constant 80 : i32
    %dma_start3A_28 = tpu.memref_slice %arg6[%dma_start3A_27] : memref<10000xi32, #tpu.memory_space<vmem>> -> memref<80xi32, #tpu.memory_space<vmem>>
    %dma_start3A_29 = arith.constant 0 : i32
    %dma_start3A_30 = arith.constant 0 : i32
    %dma_start3A_31 = tpu.memref_slice %arg2[%dma_start3A_29, %dma_start3A_30] : memref<10000x128xf32, #tpu.memory_space<hbm>> -> memref<10000x128xf32, #tpu.memory_space<hbm>>
    %dma_start3A_32 = tpu.memref_slice %arg10[%dma_start3A_22] : memref<3x!tpu.dma_semaphore, #tpu.memory_space<semaphore_mem>> -> memref<1x!tpu.dma_semaphore, #tpu.memory_space<semaphore_mem>>
    %dma_start3A_33 = tpu.memref_squeeze %dma_start3A_32 : memref<1x!tpu.dma_semaphore, #tpu.memory_space<semaphore_mem>> -> memref<!tpu.dma_semaphore, #tpu.memory_space<semaphore_mem>>
    tpu.enqueue_indirect_dma source(%dma_start3A_31 : memref<10000x128xf32, #tpu.memory_space<hbm>>) target(%dma_start3A_26 : memref<80x128xf32, #tpu.memory_space<vmem>>) offsets(%dma_start3A_28 : memref<80xi32, #tpu.memory_space<vmem>>) semaphore(%dma_start3A_33 : memref<!tpu.dma_semaphore, #tpu.memory_space<semaphore_mem>>)
    %scan3A_34 = arith.constant 0 : i32
    %scan3A_35 = arith.constant 0 : i32
    %scan3A_36 = arith.constant 41 : i32
    %scan3A_37 = arith.addi %scan3A_35, %scan3A_36 : i32
    %scan3A_38 = arith.constant 1 : i32
    %scan3A_39 = scf.for %scan3A_137 = %scan3A_35 to %scan3A_37 step %scan3A_38 iter_args(%scan3A_138 = %scan3A_34) -> (i32)  : i32 {
      %mul3A_139 = arith.constant 3 : i32
      %mul3A_140 = arith.muli %scan3A_137, %mul3A_139 : i32
      %add3A_141 = arith.constant 0 : i32
      %add3A_142 = arith.addi %mul3A_140, %add3A_141 : i32
      %mul3A_143 = arith.constant 80 : i32
      %mul3A_144 = arith.muli %add3A_142, %mul3A_143 : i32
      %dma_wait3A_145 = arith.constant 0 : i32
      %dma_wait3A_146 = arith.constant 0 : i32
      %dma_wait3A_147 = arith.constant 0 : i32
      %dma_wait3A_148 = arith.constant 0 : i32
      %dma_wait3A_149 = tpu.memref_slice %arg8[%dma_wait3A_145, %dma_wait3A_147, %dma_wait3A_148] : memref<3x80x128xf32, #tpu.memory_space<vmem>> -> memref<1x80x128xf32, #tpu.memory_space<vmem>>
      %dma_wait3A_150 = tpu.memref_squeeze %dma_wait3A_149 : memref<1x80x128xf32, #tpu.memory_space<vmem>> -> memref<80x128xf32, #tpu.memory_space<vmem>>
      %dma_wait3A_151 = tpu.memref_slice %arg6[%mul3A_144] : memref<10000xi32, #tpu.memory_space<vmem>> -> memref<80xi32, #tpu.memory_space<vmem>>
      %dma_wait3A_152 = arith.constant 0 : i32
      %dma_wait3A_153 = arith.constant 0 : i32
      %dma_wait3A_154 = tpu.memref_slice %arg2[%dma_wait3A_152, %dma_wait3A_153] : memref<10000x128xf32, #tpu.memory_space<hbm>> -> memref<10000x128xf32, #tpu.memory_space<hbm>>
      %dma_wait3A_155 = tpu.memref_slice %arg10[%dma_wait3A_146] : memref<3x!tpu.dma_semaphore, #tpu.memory_space<semaphore_mem>> -> memref<1x!tpu.dma_semaphore, #tpu.memory_space<semaphore_mem>>
      %dma_wait3A_156 = tpu.memref_squeeze %dma_wait3A_155 : memref<1x!tpu.dma_semaphore, #tpu.memory_space<semaphore_mem>> -> memref<!tpu.dma_semaphore, #tpu.memory_space<semaphore_mem>>
      tpu.wait_indirect_dma semaphore(%dma_wait3A_156 : memref<!tpu.dma_semaphore, #tpu.memory_space<semaphore_mem>>) src(%dma_wait3A_154 : memref<10000x128xf32, #tpu.memory_space<hbm>>) dst(%dma_wait3A_150 : memref<80x128xf32, #tpu.memory_space<vmem>>)
      %mul3A_157 = arith.constant 80 : i32
      %mul3A_158 = arith.muli %add3A_142, %mul3A_157 : i32
      %dma_start3A_159 = arith.constant 0 : i32
      %dma_start3A_160 = arith.constant 0 : i32
      %dma_start3A_161 = arith.constant 0 : i32
      %dma_start3A_162 = arith.constant 0 : i32
      %dma_start3A_163 = tpu.memref_slice %arg8[%dma_start3A_159, %dma_start3A_161, %dma_start3A_162] : memref<3x80x128xf32, #tpu.memory_space<vmem>> -> memref<1x80x128xf32, #tpu.memory_space<vmem>>
      %dma_start3A_164 = tpu.memref_squeeze %dma_start3A_163 : memref<1x80x128xf32, #tpu.memory_space<vmem>> -> memref<80x128xf32, #tpu.memory_space<vmem>>
      %dma_start3A_165 = tpu.memref_slice %arg7[%mul3A_158] : memref<10000xi32, #tpu.memory_space<vmem>> -> memref<80xi32, #tpu.memory_space<vmem>>
      %dma_start3A_166 = arith.constant 0 : i32
      %dma_start3A_167 = arith.constant 0 : i32
      %dma_start3A_168 = tpu.memref_slice %arg9[%dma_start3A_166, %dma_start3A_167] : memref<10000x128xf32, #tpu.memory_space<vmem_shared>> -> memref<10000x128xf32, #tpu.memory_space<vmem_shared>>
      %dma_start3A_169 = tpu.memref_slice %arg11[%dma_start3A_160] : memref<3x!tpu.dma_semaphore, #tpu.memory_space<semaphore_mem>> -> memref<1x!tpu.dma_semaphore, #tpu.memory_space<semaphore_mem>>
      %dma_start3A_170 = tpu.memref_squeeze %dma_start3A_169 : memref<1x!tpu.dma_semaphore, #tpu.memory_space<semaphore_mem>> -> memref<!tpu.dma_semaphore, #tpu.memory_space<semaphore_mem>>
      tpu.enqueue_indirect_dma source(%dma_start3A_164 : memref<80x128xf32, #tpu.memory_space<vmem>>) target(%dma_start3A_168 : memref<10000x128xf32, #tpu.memory_space<vmem_shared>>) offsets(%dma_start3A_165 : memref<80xi32, #tpu.memory_space<vmem>>) semaphore(%dma_start3A_170 : memref<!tpu.dma_semaphore, #tpu.memory_space<semaphore_mem>>) {add = true}
      %ge3A = arith.constant 1 : i32
      %ge3A_171 = arith.cmpi sge, %add3A_142, %ge3A : i32
      %convert_element_type3A_172 = arith.extui %ge3A_171 : i1 to i32
      %cond3A_173 = arith.constant 0 : i32
      %cond3A_174 = arith.cmpi ne, %convert_element_type3A_172, %cond3A_173 : i32
      scf.if %cond3A_174 {
        %sub3A = arith.constant 1 : i32
        %sub3A_271 = arith.subi %add3A_142, %sub3A : i32
        %mul3A_272 = arith.constant 80 : i32
        %mul3A_273 = arith.muli %sub3A_271, %mul3A_272 : i32
        %dma_wait3A_274 = arith.constant 2 : i32
        %dma_wait3A_275 = arith.constant 2 : i32
        %dma_wait3A_276 = arith.constant 0 : i32
        %dma_wait3A_277 = arith.constant 0 : i32
        %dma_wait3A_278 = tpu.memref_slice %arg8[%dma_wait3A_274, %dma_wait3A_276, %dma_wait3A_277] : memref<3x80x128xf32, #tpu.memory_space<vmem>> -> memref<1x80x128xf32, #tpu.memory_space<vmem>>
        %dma_wait3A_279 = tpu.memref_squeeze %dma_wait3A_278 : memref<1x80x128xf32, #tpu.memory_space<vmem>> -> memref<80x128xf32, #tpu.memory_space<vmem>>
        %dma_wait3A_280 = tpu.memref_slice %arg7[%mul3A_273] : memref<10000xi32, #tpu.memory_space<vmem>> -> memref<80xi32, #tpu.memory_space<vmem>>
        %dma_wait3A_281 = arith.constant 0 : i32
        %dma_wait3A_282 = arith.constant 0 : i32
        %dma_wait3A_283 = tpu.memref_slice %arg9[%dma_wait3A_281, %dma_wait3A_282] : memref<10000x128xf32, #tpu.memory_space<vmem_shared>> -> memref<10000x128xf32, #tpu.memory_space<vmem_shared>>
        %dma_wait3A_284 = tpu.memref_slice %arg11[%dma_wait3A_275] : memref<3x!tpu.dma_semaphore, #tpu.memory_space<semaphore_mem>> -> memref<1x!tpu.dma_semaphore, #tpu.memory_space<semaphore_mem>>
        %dma_wait3A_285 = tpu.memref_squeeze %dma_wait3A_284 : memref<1x!tpu.dma_semaphore, #tpu.memory_space<semaphore_mem>> -> memref<!tpu.dma_semaphore, #tpu.memory_space<semaphore_mem>>
        tpu.wait_indirect_dma semaphore(%dma_wait3A_285 : memref<!tpu.dma_semaphore, #tpu.memory_space<semaphore_mem>>) src(%dma_wait3A_279 : memref<80x128xf32, #tpu.memory_space<vmem>>) dst(%dma_wait3A_283 : memref<10000x128xf32, #tpu.memory_space<vmem_shared>>)
      } else {
      }
      %add3A_175 = arith.constant 2 : i32
      %add3A_176 = arith.addi %add3A_142, %add3A_175 : i32
      %lt3A_177 = arith.constant 125 : i32
      %lt3A_178 = arith.cmpi slt, %add3A_176, %lt3A_177 : i32
      %convert_element_type3A_179 = arith.extui %lt3A_178 : i1 to i32
      %cond3A_180 = arith.constant 0 : i32
      %cond3A_181 = arith.cmpi ne, %convert_element_type3A_179, %cond3A_180 : i32
      scf.if %cond3A_181 {
        %add3A_271 = arith.constant 2 : i32
        %add3A_272 = arith.addi %add3A_142, %add3A_271 : i32
        %mul3A_273 = arith.constant 80 : i32
        %mul3A_274 = arith.muli %add3A_272, %mul3A_273 : i32
        %dma_start3A_275 = arith.constant 2 : i32
        %dma_start3A_276 = arith.constant 2 : i32
        %dma_start3A_277 = arith.constant 0 : i32
        %dma_start3A_278 = arith.constant 0 : i32
        %dma_start3A_279 = tpu.memref_slice %arg8[%dma_start3A_275, %dma_start3A_277, %dma_start3A_278] : memref<3x80x128xf32, #tpu.memory_space<vmem>> -> memref<1x80x128xf32, #tpu.memory_space<vmem>>
        %dma_start3A_280 = tpu.memref_squeeze %dma_start3A_279 : memref<1x80x128xf32, #tpu.memory_space<vmem>> -> memref<80x128xf32, #tpu.memory_space<vmem>>
        %dma_start3A_281 = tpu.memref_slice %arg6[%mul3A_274] : memref<10000xi32, #tpu.memory_space<vmem>> -> memref<80xi32, #tpu.memory_space<vmem>>
        %dma_start3A_282 = arith.constant 0 : i32
        %dma_start3A_283 = arith.constant 0 : i32
        %dma_start3A_284 = tpu.memref_slice %arg2[%dma_start3A_282, %dma_start3A_283] : memref<10000x128xf32, #tpu.memory_space<hbm>> -> memref<10000x128xf32, #tpu.memory_space<hbm>>
        %dma_start3A_285 = tpu.memref_slice %arg10[%dma_start3A_276] : memref<3x!tpu.dma_semaphore, #tpu.memory_space<semaphore_mem>> -> memref<1x!tpu.dma_semaphore, #tpu.memory_space<semaphore_mem>>
        %dma_start3A_286 = tpu.memref_squeeze %dma_start3A_285 : memref<1x!tpu.dma_semaphore, #tpu.memory_space<semaphore_mem>> -> memref<!tpu.dma_semaphore, #tpu.memory_space<semaphore_mem>>
        tpu.enqueue_indirect_dma source(%dma_start3A_284 : memref<10000x128xf32, #tpu.memory_space<hbm>>) target(%dma_start3A_280 : memref<80x128xf32, #tpu.memory_space<vmem>>) offsets(%dma_start3A_281 : memref<80xi32, #tpu.memory_space<vmem>>) semaphore(%dma_start3A_286 : memref<!tpu.dma_semaphore, #tpu.memory_space<semaphore_mem>>)
      } else {
      }
      %mul3A_182 = arith.constant 3 : i32
      %mul3A_183 = arith.muli %scan3A_137, %mul3A_182 : i32
      %add3A_184 = arith.constant 1 : i32
      %add3A_185 = arith.addi %mul3A_183, %add3A_184 : i32
      %mul3A_186 = arith.constant 80 : i32
      %mul3A_187 = arith.muli %add3A_185, %mul3A_186 : i32
      %dma_wait3A_188 = arith.constant 1 : i32
      %dma_wait3A_189 = arith.constant 1 : i32
      %dma_wait3A_190 = arith.constant 0 : i32
      %dma_wait3A_191 = arith.constant 0 : i32
      %dma_wait3A_192 = tpu.memref_slice %arg8[%dma_wait3A_188, %dma_wait3A_190, %dma_wait3A_191] : memref<3x80x128xf32, #tpu.memory_space<vmem>> -> memref<1x80x128xf32, #tpu.memory_space<vmem>>
      %dma_wait3A_193 = tpu.memref_squeeze %dma_wait3A_192 : memref<1x80x128xf32, #tpu.memory_space<vmem>> -> memref<80x128xf32, #tpu.memory_space<vmem>>
      %dma_wait3A_194 = tpu.memref_slice %arg6[%mul3A_187] : memref<10000xi32, #tpu.memory_space<vmem>> -> memref<80xi32, #tpu.memory_space<vmem>>
      %dma_wait3A_195 = arith.constant 0 : i32
      %dma_wait3A_196 = arith.constant 0 : i32
      %dma_wait3A_197 = tpu.memref_slice %arg2[%dma_wait3A_195, %dma_wait3A_196] : memref<10000x128xf32, #tpu.memory_space<hbm>> -> memref<10000x128xf32, #tpu.memory_space<hbm>>
      %dma_wait3A_198 = tpu.memref_slice %arg10[%dma_wait3A_189] : memref<3x!tpu.dma_semaphore, #tpu.memory_space<semaphore_mem>> -> memref<1x!tpu.dma_semaphore, #tpu.memory_space<semaphore_mem>>
      %dma_wait3A_199 = tpu.memref_squeeze %dma_wait3A_198 : memref<1x!tpu.dma_semaphore, #tpu.memory_space<semaphore_mem>> -> memref<!tpu.dma_semaphore, #tpu.memory_space<semaphore_mem>>
      tpu.wait_indirect_dma semaphore(%dma_wait3A_199 : memref<!tpu.dma_semaphore, #tpu.memory_space<semaphore_mem>>) src(%dma_wait3A_197 : memref<10000x128xf32, #tpu.memory_space<hbm>>) dst(%dma_wait3A_193 : memref<80x128xf32, #tpu.memory_space<vmem>>)
      %mul3A_200 = arith.constant 80 : i32
      %mul3A_201 = arith.muli %add3A_185, %mul3A_200 : i32
      %dma_start3A_202 = arith.constant 1 : i32
      %dma_start3A_203 = arith.constant 1 : i32
      %dma_start3A_204 = arith.constant 0 : i32
      %dma_start3A_205 = arith.constant 0 : i32
      %dma_start3A_206 = tpu.memref_slice %arg8[%dma_start3A_202, %dma_start3A_204, %dma_start3A_205] : memref<3x80x128xf32, #tpu.memory_space<vmem>> -> memref<1x80x128xf32, #tpu.memory_space<vmem>>
      %dma_start3A_207 = tpu.memref_squeeze %dma_start3A_206 : memref<1x80x128xf32, #tpu.memory_space<vmem>> -> memref<80x128xf32, #tpu.memory_space<vmem>>
      %dma_start3A_208 = tpu.memref_slice %arg7[%mul3A_201] : memref<10000xi32, #tpu.memory_space<vmem>> -> memref<80xi32, #tpu.memory_space<vmem>>
      %dma_start3A_209 = arith.constant 0 : i32
      %dma_start3A_210 = arith.constant 0 : i32
      %dma_start3A_211 = tpu.memref_slice %arg9[%dma_start3A_209, %dma_start3A_210] : memref<10000x128xf32, #tpu.memory_space<vmem_shared>> -> memref<10000x128xf32, #tpu.memory_space<vmem_shared>>
      %dma_start3A_212 = tpu.memref_slice %arg11[%dma_start3A_203] : memref<3x!tpu.dma_semaphore, #tpu.memory_space<semaphore_mem>> -> memref<1x!tpu.dma_semaphore, #tpu.memory_space<semaphore_mem>>
      %dma_start3A_213 = tpu.memref_squeeze %dma_start3A_212 : memref<1x!tpu.dma_semaphore, #tpu.memory_space<semaphore_mem>> -> memref<!tpu.dma_semaphore, #tpu.memory_space<semaphore_mem>>
      tpu.enqueue_indirect_dma source(%dma_start3A_207 : memref<80x128xf32, #tpu.memory_space<vmem>>) target(%dma_start3A_211 : memref<10000x128xf32, #tpu.memory_space<vmem_shared>>) offsets(%dma_start3A_208 : memref<80xi32, #tpu.memory_space<vmem>>) semaphore(%dma_start3A_213 : memref<!tpu.dma_semaphore, #tpu.memory_space<semaphore_mem>>) {add = true}
      %ge3A_214 = arith.constant 1 : i32
      %ge3A_215 = arith.cmpi sge, %add3A_185, %ge3A_214 : i32
      %convert_element_type3A_216 = arith.extui %ge3A_215 : i1 to i32
      %cond3A_217 = arith.constant 0 : i32
      %cond3A_218 = arith.cmpi ne, %convert_element_type3A_216, %cond3A_217 : i32
      scf.if %cond3A_218 {
        %sub3A = arith.constant 1 : i32
        %sub3A_271 = arith.subi %add3A_185, %sub3A : i32
        %mul3A_272 = arith.constant 80 : i32
        %mul3A_273 = arith.muli %sub3A_271, %mul3A_272 : i32
        %dma_wait3A_274 = arith.constant 0 : i32
        %dma_wait3A_275 = arith.constant 0 : i32
        %dma_wait3A_276 = arith.constant 0 : i32
        %dma_wait3A_277 = arith.constant 0 : i32
        %dma_wait3A_278 = tpu.memref_slice %arg8[%dma_wait3A_274, %dma_wait3A_276, %dma_wait3A_277] : memref<3x80x128xf32, #tpu.memory_space<vmem>> -> memref<1x80x128xf32, #tpu.memory_space<vmem>>
        %dma_wait3A_279 = tpu.memref_squeeze %dma_wait3A_278 : memref<1x80x128xf32, #tpu.memory_space<vmem>> -> memref<80x128xf32, #tpu.memory_space<vmem>>
        %dma_wait3A_280 = tpu.memref_slice %arg7[%mul3A_273] : memref<10000xi32, #tpu.memory_space<vmem>> -> memref<80xi32, #tpu.memory_space<vmem>>
        %dma_wait3A_281 = arith.constant 0 : i32
        %dma_wait3A_282 = arith.constant 0 : i32
        %dma_wait3A_283 = tpu.memref_slice %arg9[%dma_wait3A_281, %dma_wait3A_282] : memref<10000x128xf32, #tpu.memory_space<vmem_shared>> -> memref<10000x128xf32, #tpu.memory_space<vmem_shared>>
        %dma_wait3A_284 = tpu.memref_slice %arg11[%dma_wait3A_275] : memref<3x!tpu.dma_semaphore, #tpu.memory_space<semaphore_mem>> -> memref<1x!tpu.dma_semaphore, #tpu.memory_space<semaphore_mem>>
        %dma_wait3A_285 = tpu.memref_squeeze %dma_wait3A_284 : memref<1x!tpu.dma_semaphore, #tpu.memory_space<semaphore_mem>> -> memref<!tpu.dma_semaphore, #tpu.memory_space<semaphore_mem>>
        tpu.wait_indirect_dma semaphore(%dma_wait3A_285 : memref<!tpu.dma_semaphore, #tpu.memory_space<semaphore_mem>>) src(%dma_wait3A_279 : memref<80x128xf32, #tpu.memory_space<vmem>>) dst(%dma_wait3A_283 : memref<10000x128xf32, #tpu.memory_space<vmem_shared>>)
      } else {
      }
      %add3A_219 = arith.constant 2 : i32
      %add3A_220 = arith.addi %add3A_185, %add3A_219 : i32
      %lt3A_221 = arith.constant 125 : i32
      %lt3A_222 = arith.cmpi slt, %add3A_220, %lt3A_221 : i32
      %convert_element_type3A_223 = arith.extui %lt3A_222 : i1 to i32
      %cond3A_224 = arith.constant 0 : i32
      %cond3A_225 = arith.cmpi ne, %convert_element_type3A_223, %cond3A_224 : i32
      scf.if %cond3A_225 {
        %add3A_271 = arith.constant 2 : i32
        %add3A_272 = arith.addi %add3A_185, %add3A_271 : i32
        %mul3A_273 = arith.constant 80 : i32
        %mul3A_274 = arith.muli %add3A_272, %mul3A_273 : i32
        %dma_start3A_275 = arith.constant 0 : i32
        %dma_start3A_276 = arith.constant 0 : i32
        %dma_start3A_277 = arith.constant 0 : i32
        %dma_start3A_278 = arith.constant 0 : i32
        %dma_start3A_279 = tpu.memref_slice %arg8[%dma_start3A_275, %dma_start3A_277, %dma_start3A_278] : memref<3x80x128xf32, #tpu.memory_space<vmem>> -> memref<1x80x128xf32, #tpu.memory_space<vmem>>
        %dma_start3A_280 = tpu.memref_squeeze %dma_start3A_279 : memref<1x80x128xf32, #tpu.memory_space<vmem>> -> memref<80x128xf32, #tpu.memory_space<vmem>>
        %dma_start3A_281 = tpu.memref_slice %arg6[%mul3A_274] : memref<10000xi32, #tpu.memory_space<vmem>> -> memref<80xi32, #tpu.memory_space<vmem>>
        %dma_start3A_282 = arith.constant 0 : i32
        %dma_start3A_283 = arith.constant 0 : i32
        %dma_start3A_284 = tpu.memref_slice %arg2[%dma_start3A_282, %dma_start3A_283] : memref<10000x128xf32, #tpu.memory_space<hbm>> -> memref<10000x128xf32, #tpu.memory_space<hbm>>
        %dma_start3A_285 = tpu.memref_slice %arg10[%dma_start3A_276] : memref<3x!tpu.dma_semaphore, #tpu.memory_space<semaphore_mem>> -> memref<1x!tpu.dma_semaphore, #tpu.memory_space<semaphore_mem>>
        %dma_start3A_286 = tpu.memref_squeeze %dma_start3A_285 : memref<1x!tpu.dma_semaphore, #tpu.memory_space<semaphore_mem>> -> memref<!tpu.dma_semaphore, #tpu.memory_space<semaphore_mem>>
        tpu.enqueue_indirect_dma source(%dma_start3A_284 : memref<10000x128xf32, #tpu.memory_space<hbm>>) target(%dma_start3A_280 : memref<80x128xf32, #tpu.memory_space<vmem>>) offsets(%dma_start3A_281 : memref<80xi32, #tpu.memory_space<vmem>>) semaphore(%dma_start3A_286 : memref<!tpu.dma_semaphore, #tpu.memory_space<semaphore_mem>>)
      } else {
      }
      %mul3A_226 = arith.constant 3 : i32
      %mul3A_227 = arith.muli %scan3A_137, %mul3A_226 : i32
      %add3A_228 = arith.constant 2 : i32
      %add3A_229 = arith.addi %mul3A_227, %add3A_228 : i32
      %mul3A_230 = arith.constant 80 : i32
      %mul3A_231 = arith.muli %add3A_229, %mul3A_230 : i32
      %dma_wait3A_232 = arith.constant 2 : i32
      %dma_wait3A_233 = arith.constant 2 : i32
      %dma_wait3A_234 = arith.constant 0 : i32
      %dma_wait3A_235 = arith.constant 0 : i32
      %dma_wait3A_236 = tpu.memref_slice %arg8[%dma_wait3A_232, %dma_wait3A_234, %dma_wait3A_235] : memref<3x80x128xf32, #tpu.memory_space<vmem>> -> memref<1x80x128xf32, #tpu.memory_space<vmem>>
      %dma_wait3A_237 = tpu.memref_squeeze %dma_wait3A_236 : memref<1x80x128xf32, #tpu.memory_space<vmem>> -> memref<80x128xf32, #tpu.memory_space<vmem>>
      %dma_wait3A_238 = tpu.memref_slice %arg6[%mul3A_231] : memref<10000xi32, #tpu.memory_space<vmem>> -> memref<80xi32, #tpu.memory_space<vmem>>
      %dma_wait3A_239 = arith.constant 0 : i32
      %dma_wait3A_240 = arith.constant 0 : i32
      %dma_wait3A_241 = tpu.memref_slice %arg2[%dma_wait3A_239, %dma_wait3A_240] : memref<10000x128xf32, #tpu.memory_space<hbm>> -> memref<10000x128xf32, #tpu.memory_space<hbm>>
      %dma_wait3A_242 = tpu.memref_slice %arg10[%dma_wait3A_233] : memref<3x!tpu.dma_semaphore, #tpu.memory_space<semaphore_mem>> -> memref<1x!tpu.dma_semaphore, #tpu.memory_space<semaphore_mem>>
      %dma_wait3A_243 = tpu.memref_squeeze %dma_wait3A_242 : memref<1x!tpu.dma_semaphore, #tpu.memory_space<semaphore_mem>> -> memref<!tpu.dma_semaphore, #tpu.memory_space<semaphore_mem>>
      tpu.wait_indirect_dma semaphore(%dma_wait3A_243 : memref<!tpu.dma_semaphore, #tpu.memory_space<semaphore_mem>>) src(%dma_wait3A_241 : memref<10000x128xf32, #tpu.memory_space<hbm>>) dst(%dma_wait3A_237 : memref<80x128xf32, #tpu.memory_space<vmem>>)
      %mul3A_244 = arith.constant 80 : i32
      %mul3A_245 = arith.muli %add3A_229, %mul3A_244 : i32
      %dma_start3A_246 = arith.constant 2 : i32
      %dma_start3A_247 = arith.constant 2 : i32
      %dma_start3A_248 = arith.constant 0 : i32
      %dma_start3A_249 = arith.constant 0 : i32
      %dma_start3A_250 = tpu.memref_slice %arg8[%dma_start3A_246, %dma_start3A_248, %dma_start3A_249] : memref<3x80x128xf32, #tpu.memory_space<vmem>> -> memref<1x80x128xf32, #tpu.memory_space<vmem>>
      %dma_start3A_251 = tpu.memref_squeeze %dma_start3A_250 : memref<1x80x128xf32, #tpu.memory_space<vmem>> -> memref<80x128xf32, #tpu.memory_space<vmem>>
      %dma_start3A_252 = tpu.memref_slice %arg7[%mul3A_245] : memref<10000xi32, #tpu.memory_space<vmem>> -> memref<80xi32, #tpu.memory_space<vmem>>
      %dma_start3A_253 = arith.constant 0 : i32
      %dma_start3A_254 = arith.constant 0 : i32
      %dma_start3A_255 = tpu.memref_slice %arg9[%dma_start3A_253, %dma_start3A_254] : memref<10000x128xf32, #tpu.memory_space<vmem_shared>> -> memref<10000x128xf32, #tpu.memory_space<vmem_shared>>
      %dma_start3A_256 = tpu.memref_slice %arg11[%dma_start3A_247] : memref<3x!tpu.dma_semaphore, #tpu.memory_space<semaphore_mem>> -> memref<1x!tpu.dma_semaphore, #tpu.memory_space<semaphore_mem>>
      %dma_start3A_257 = tpu.memref_squeeze %dma_start3A_256 : memref<1x!tpu.dma_semaphore, #tpu.memory_space<semaphore_mem>> -> memref<!tpu.dma_semaphore, #tpu.memory_space<semaphore_mem>>
      tpu.enqueue_indirect_dma source(%dma_start3A_251 : memref<80x128xf32, #tpu.memory_space<vmem>>) target(%dma_start3A_255 : memref<10000x128xf32, #tpu.memory_space<vmem_shared>>) offsets(%dma_start3A_252 : memref<80xi32, #tpu.memory_space<vmem>>) semaphore(%dma_start3A_257 : memref<!tpu.dma_semaphore, #tpu.memory_space<semaphore_mem>>) {add = true}
      %ge3A_258 = arith.constant 1 : i32
      %ge3A_259 = arith.cmpi sge, %add3A_229, %ge3A_258 : i32
      %convert_element_type3A_260 = arith.extui %ge3A_259 : i1 to i32
      %cond3A_261 = arith.constant 0 : i32
      %cond3A_262 = arith.cmpi ne, %convert_element_type3A_260, %cond3A_261 : i32
      scf.if %cond3A_262 {
        %sub3A = arith.constant 1 : i32
        %sub3A_271 = arith.subi %add3A_229, %sub3A : i32
        %mul3A_272 = arith.constant 80 : i32
        %mul3A_273 = arith.muli %sub3A_271, %mul3A_272 : i32
        %dma_wait3A_274 = arith.constant 1 : i32
        %dma_wait3A_275 = arith.constant 1 : i32
        %dma_wait3A_276 = arith.constant 0 : i32
        %dma_wait3A_277 = arith.constant 0 : i32
        %dma_wait3A_278 = tpu.memref_slice %arg8[%dma_wait3A_274, %dma_wait3A_276, %dma_wait3A_277] : memref<3x80x128xf32, #tpu.memory_space<vmem>> -> memref<1x80x128xf32, #tpu.memory_space<vmem>>
        %dma_wait3A_279 = tpu.memref_squeeze %dma_wait3A_278 : memref<1x80x128xf32, #tpu.memory_space<vmem>> -> memref<80x128xf32, #tpu.memory_space<vmem>>
        %dma_wait3A_280 = tpu.memref_slice %arg7[%mul3A_273] : memref<10000xi32, #tpu.memory_space<vmem>> -> memref<80xi32, #tpu.memory_space<vmem>>
        %dma_wait3A_281 = arith.constant 0 : i32
        %dma_wait3A_282 = arith.constant 0 : i32
        %dma_wait3A_283 = tpu.memref_slice %arg9[%dma_wait3A_281, %dma_wait3A_282] : memref<10000x128xf32, #tpu.memory_space<vmem_shared>> -> memref<10000x128xf32, #tpu.memory_space<vmem_shared>>
        %dma_wait3A_284 = tpu.memref_slice %arg11[%dma_wait3A_275] : memref<3x!tpu.dma_semaphore, #tpu.memory_space<semaphore_mem>> -> memref<1x!tpu.dma_semaphore, #tpu.memory_space<semaphore_mem>>
        %dma_wait3A_285 = tpu.memref_squeeze %dma_wait3A_284 : memref<1x!tpu.dma_semaphore, #tpu.memory_space<semaphore_mem>> -> memref<!tpu.dma_semaphore, #tpu.memory_space<semaphore_mem>>
        tpu.wait_indirect_dma semaphore(%dma_wait3A_285 : memref<!tpu.dma_semaphore, #tpu.memory_space<semaphore_mem>>) src(%dma_wait3A_279 : memref<80x128xf32, #tpu.memory_space<vmem>>) dst(%dma_wait3A_283 : memref<10000x128xf32, #tpu.memory_space<vmem_shared>>)
      } else {
      }
      %add3A_263 = arith.constant 2 : i32
      %add3A_264 = arith.addi %add3A_229, %add3A_263 : i32
      %lt3A_265 = arith.constant 125 : i32
      %lt3A_266 = arith.cmpi slt, %add3A_264, %lt3A_265 : i32
      %convert_element_type3A_267 = arith.extui %lt3A_266 : i1 to i32
      %cond3A_268 = arith.constant 0 : i32
      %cond3A_269 = arith.cmpi ne, %convert_element_type3A_267, %cond3A_268 : i32
      scf.if %cond3A_269 {
        %add3A_271 = arith.constant 2 : i32
        %add3A_272 = arith.addi %add3A_229, %add3A_271 : i32
        %mul3A_273 = arith.constant 80 : i32
        %mul3A_274 = arith.muli %add3A_272, %mul3A_273 : i32
        %dma_start3A_275 = arith.constant 1 : i32
        %dma_start3A_276 = arith.constant 1 : i32
        %dma_start3A_277 = arith.constant 0 : i32
        %dma_start3A_278 = arith.constant 0 : i32
        %dma_start3A_279 = tpu.memref_slice %arg8[%dma_start3A_275, %dma_start3A_277, %dma_start3A_278] : memref<3x80x128xf32, #tpu.memory_space<vmem>> -> memref<1x80x128xf32, #tpu.memory_space<vmem>>
        %dma_start3A_280 = tpu.memref_squeeze %dma_start3A_279 : memref<1x80x128xf32, #tpu.memory_space<vmem>> -> memref<80x128xf32, #tpu.memory_space<vmem>>
        %dma_start3A_281 = tpu.memref_slice %arg6[%mul3A_274] : memref<10000xi32, #tpu.memory_space<vmem>> -> memref<80xi32, #tpu.memory_space<vmem>>
        %dma_start3A_282 = arith.constant 0 : i32
        %dma_start3A_283 = arith.constant 0 : i32
        %dma_start3A_284 = tpu.memref_slice %arg2[%dma_start3A_282, %dma_start3A_283] : memref<10000x128xf32, #tpu.memory_space<hbm>> -> memref<10000x128xf32, #tpu.memory_space<hbm>>
        %dma_start3A_285 = tpu.memref_slice %arg10[%dma_start3A_276] : memref<3x!tpu.dma_semaphore, #tpu.memory_space<semaphore_mem>> -> memref<1x!tpu.dma_semaphore, #tpu.memory_space<semaphore_mem>>
        %dma_start3A_286 = tpu.memref_squeeze %dma_start3A_285 : memref<1x!tpu.dma_semaphore, #tpu.memory_space<semaphore_mem>> -> memref<!tpu.dma_semaphore, #tpu.memory_space<semaphore_mem>>
        tpu.enqueue_indirect_dma source(%dma_start3A_284 : memref<10000x128xf32, #tpu.memory_space<hbm>>) target(%dma_start3A_280 : memref<80x128xf32, #tpu.memory_space<vmem>>) offsets(%dma_start3A_281 : memref<80xi32, #tpu.memory_space<vmem>>) semaphore(%dma_start3A_286 : memref<!tpu.dma_semaphore, #tpu.memory_space<semaphore_mem>>)
      } else {
      }
      %scan3A_270 = arith.constant 0 : i32
      scf.yield %scan3A_270 : i32
    }
    %scan3A_40 = arith.constant 41 : i32
    %dma_wait3A = arith.constant 0 : i32
    %dma_wait3A_41 = arith.constant 0 : i32
    %dma_wait3A_42 = arith.constant 0 : i32
    %dma_wait3A_43 = arith.constant 0 : i32
    %dma_wait3A_44 = tpu.memref_slice %arg8[%dma_wait3A, %dma_wait3A_42, %dma_wait3A_43] : memref<3x80x128xf32, #tpu.memory_space<vmem>> -> memref<1x80x128xf32, #tpu.memory_space<vmem>>
    %dma_wait3A_45 = tpu.memref_squeeze %dma_wait3A_44 : memref<1x80x128xf32, #tpu.memory_space<vmem>> -> memref<80x128xf32, #tpu.memory_space<vmem>>
    %dma_wait3A_46 = arith.constant 9840 : i32
    %dma_wait3A_47 = tpu.memref_slice %arg6[%dma_wait3A_46] : memref<10000xi32, #tpu.memory_space<vmem>> -> memref<80xi32, #tpu.memory_space<vmem>>
    %dma_wait3A_48 = arith.constant 0 : i32
    %dma_wait3A_49 = arith.constant 0 : i32
    %dma_wait3A_50 = tpu.memref_slice %arg2[%dma_wait3A_48, %dma_wait3A_49] : memref<10000x128xf32, #tpu.memory_space<hbm>> -> memref<10000x128xf32, #tpu.memory_space<hbm>>
    %dma_wait3A_51 = tpu.memref_slice %arg10[%dma_wait3A_41] : memref<3x!tpu.dma_semaphore, #tpu.memory_space<semaphore_mem>> -> memref<1x!tpu.dma_semaphore, #tpu.memory_space<semaphore_mem>>
    %dma_wait3A_52 = tpu.memref_squeeze %dma_wait3A_51 : memref<1x!tpu.dma_semaphore, #tpu.memory_space<semaphore_mem>> -> memref<!tpu.dma_semaphore, #tpu.memory_space<semaphore_mem>>
    tpu.wait_indirect_dma semaphore(%dma_wait3A_52 : memref<!tpu.dma_semaphore, #tpu.memory_space<semaphore_mem>>) src(%dma_wait3A_50 : memref<10000x128xf32, #tpu.memory_space<hbm>>) dst(%dma_wait3A_45 : memref<80x128xf32, #tpu.memory_space<vmem>>)
    %dma_start3A_53 = arith.constant 0 : i32
    %dma_start3A_54 = arith.constant 0 : i32
    %dma_start3A_55 = arith.constant 0 : i32
    %dma_start3A_56 = arith.constant 0 : i32
    %dma_start3A_57 = tpu.memref_slice %arg8[%dma_start3A_53, %dma_start3A_55, %dma_start3A_56] : memref<3x80x128xf32, #tpu.memory_space<vmem>> -> memref<1x80x128xf32, #tpu.memory_space<vmem>>
    %dma_start3A_58 = tpu.memref_squeeze %dma_start3A_57 : memref<1x80x128xf32, #tpu.memory_space<vmem>> -> memref<80x128xf32, #tpu.memory_space<vmem>>
    %dma_start3A_59 = arith.constant 9840 : i32
    %dma_start3A_60 = tpu.memref_slice %arg7[%dma_start3A_59] : memref<10000xi32, #tpu.memory_space<vmem>> -> memref<80xi32, #tpu.memory_space<vmem>>
    %dma_start3A_61 = arith.constant 0 : i32
    %dma_start3A_62 = arith.constant 0 : i32
    %dma_start3A_63 = tpu.memref_slice %arg9[%dma_start3A_61, %dma_start3A_62] : memref<10000x128xf32, #tpu.memory_space<vmem_shared>> -> memref<10000x128xf32, #tpu.memory_space<vmem_shared>>
    %dma_start3A_64 = tpu.memref_slice %arg11[%dma_start3A_54] : memref<3x!tpu.dma_semaphore, #tpu.memory_space<semaphore_mem>> -> memref<1x!tpu.dma_semaphore, #tpu.memory_space<semaphore_mem>>
    %dma_start3A_65 = tpu.memref_squeeze %dma_start3A_64 : memref<1x!tpu.dma_semaphore, #tpu.memory_space<semaphore_mem>> -> memref<!tpu.dma_semaphore, #tpu.memory_space<semaphore_mem>>
    tpu.enqueue_indirect_dma source(%dma_start3A_58 : memref<80x128xf32, #tpu.memory_space<vmem>>) target(%dma_start3A_63 : memref<10000x128xf32, #tpu.memory_space<vmem_shared>>) offsets(%dma_start3A_60 : memref<80xi32, #tpu.memory_space<vmem>>) semaphore(%dma_start3A_65 : memref<!tpu.dma_semaphore, #tpu.memory_space<semaphore_mem>>) {add = true}
    %dma_wait3A_66 = arith.constant 2 : i32
    %dma_wait3A_67 = arith.constant 2 : i32
    %dma_wait3A_68 = arith.constant 0 : i32
    %dma_wait3A_69 = arith.constant 0 : i32
    %dma_wait3A_70 = tpu.memref_slice %arg8[%dma_wait3A_66, %dma_wait3A_68, %dma_wait3A_69] : memref<3x80x128xf32, #tpu.memory_space<vmem>> -> memref<1x80x128xf32, #tpu.memory_space<vmem>>
    %dma_wait3A_71 = tpu.memref_squeeze %dma_wait3A_70 : memref<1x80x128xf32, #tpu.memory_space<vmem>> -> memref<80x128xf32, #tpu.memory_space<vmem>>
    %dma_wait3A_72 = arith.constant 9760 : i32
    %dma_wait3A_73 = tpu.memref_slice %arg7[%dma_wait3A_72] : memref<10000xi32, #tpu.memory_space<vmem>> -> memref<80xi32, #tpu.memory_space<vmem>>
    %dma_wait3A_74 = arith.constant 0 : i32
    %dma_wait3A_75 = arith.constant 0 : i32
    %dma_wait3A_76 = tpu.memref_slice %arg9[%dma_wait3A_74, %dma_wait3A_75] : memref<10000x128xf32, #tpu.memory_space<vmem_shared>> -> memref<10000x128xf32, #tpu.memory_space<vmem_shared>>
    %dma_wait3A_77 = tpu.memref_slice %arg11[%dma_wait3A_67] : memref<3x!tpu.dma_semaphore, #tpu.memory_space<semaphore_mem>> -> memref<1x!tpu.dma_semaphore, #tpu.memory_space<semaphore_mem>>
    %dma_wait3A_78 = tpu.memref_squeeze %dma_wait3A_77 : memref<1x!tpu.dma_semaphore, #tpu.memory_space<semaphore_mem>> -> memref<!tpu.dma_semaphore, #tpu.memory_space<semaphore_mem>>
    tpu.wait_indirect_dma semaphore(%dma_wait3A_78 : memref<!tpu.dma_semaphore, #tpu.memory_space<semaphore_mem>>) src(%dma_wait3A_71 : memref<80x128xf32, #tpu.memory_space<vmem>>) dst(%dma_wait3A_76 : memref<10000x128xf32, #tpu.memory_space<vmem_shared>>)
    %dma_wait3A_79 = arith.constant 1 : i32
    %dma_wait3A_80 = arith.constant 1 : i32
    %dma_wait3A_81 = arith.constant 0 : i32
    %dma_wait3A_82 = arith.constant 0 : i32
    %dma_wait3A_83 = tpu.memref_slice %arg8[%dma_wait3A_79, %dma_wait3A_81, %dma_wait3A_82] : memref<3x80x128xf32, #tpu.memory_space<vmem>> -> memref<1x80x128xf32, #tpu.memory_space<vmem>>
    %dma_wait3A_84 = tpu.memref_squeeze %dma_wait3A_83 : memref<1x80x128xf32, #tpu.memory_space<vmem>> -> memref<80x128xf32, #tpu.memory_space<vmem>>
    %dma_wait3A_85 = arith.constant 9920 : i32
    %dma_wait3A_86 = tpu.memref_slice %arg6[%dma_wait3A_85] : memref<10000xi32, #tpu.memory_space<vmem>> -> memref<80xi32, #tpu.memory_space<vmem>>
    %dma_wait3A_87 = arith.constant 0 : i32
    %dma_wait3A_88 = arith.constant 0 : i32
    %dma_wait3A_89 = tpu.memref_slice %arg2[%dma_wait3A_87, %dma_wait3A_88] : memref<10000x128xf32, #tpu.memory_space<hbm>> -> memref<10000x128xf32, #tpu.memory_space<hbm>>
    %dma_wait3A_90 = tpu.memref_slice %arg10[%dma_wait3A_80] : memref<3x!tpu.dma_semaphore, #tpu.memory_space<semaphore_mem>> -> memref<1x!tpu.dma_semaphore, #tpu.memory_space<semaphore_mem>>
    %dma_wait3A_91 = tpu.memref_squeeze %dma_wait3A_90 : memref<1x!tpu.dma_semaphore, #tpu.memory_space<semaphore_mem>> -> memref<!tpu.dma_semaphore, #tpu.memory_space<semaphore_mem>>
    tpu.wait_indirect_dma semaphore(%dma_wait3A_91 : memref<!tpu.dma_semaphore, #tpu.memory_space<semaphore_mem>>) src(%dma_wait3A_89 : memref<10000x128xf32, #tpu.memory_space<hbm>>) dst(%dma_wait3A_84 : memref<80x128xf32, #tpu.memory_space<vmem>>)
    %dma_start3A_92 = arith.constant 1 : i32
    %dma_start3A_93 = arith.constant 1 : i32
    %dma_start3A_94 = arith.constant 0 : i32
    %dma_start3A_95 = arith.constant 0 : i32
    %dma_start3A_96 = tpu.memref_slice %arg8[%dma_start3A_92, %dma_start3A_94, %dma_start3A_95] : memref<3x80x128xf32, #tpu.memory_space<vmem>> -> memref<1x80x128xf32, #tpu.memory_space<vmem>>
    %dma_start3A_97 = tpu.memref_squeeze %dma_start3A_96 : memref<1x80x128xf32, #tpu.memory_space<vmem>> -> memref<80x128xf32, #tpu.memory_space<vmem>>
    %dma_start3A_98 = arith.constant 9920 : i32
    %dma_start3A_99 = tpu.memref_slice %arg7[%dma_start3A_98] : memref<10000xi32, #tpu.memory_space<vmem>> -> memref<80xi32, #tpu.memory_space<vmem>>
    %dma_start3A_100 = arith.constant 0 : i32
    %dma_start3A_101 = arith.constant 0 : i32
    %dma_start3A_102 = tpu.memref_slice %arg9[%dma_start3A_100, %dma_start3A_101] : memref<10000x128xf32, #tpu.memory_space<vmem_shared>> -> memref<10000x128xf32, #tpu.memory_space<vmem_shared>>
    %dma_start3A_103 = tpu.memref_slice %arg11[%dma_start3A_93] : memref<3x!tpu.dma_semaphore, #tpu.memory_space<semaphore_mem>> -> memref<1x!tpu.dma_semaphore, #tpu.memory_space<semaphore_mem>>
    %dma_start3A_104 = tpu.memref_squeeze %dma_start3A_103 : memref<1x!tpu.dma_semaphore, #tpu.memory_space<semaphore_mem>> -> memref<!tpu.dma_semaphore, #tpu.memory_space<semaphore_mem>>
    tpu.enqueue_indirect_dma source(%dma_start3A_97 : memref<80x128xf32, #tpu.memory_space<vmem>>) target(%dma_start3A_102 : memref<10000x128xf32, #tpu.memory_space<vmem_shared>>) offsets(%dma_start3A_99 : memref<80xi32, #tpu.memory_space<vmem>>) semaphore(%dma_start3A_104 : memref<!tpu.dma_semaphore, #tpu.memory_space<semaphore_mem>>) {add = true}
    %dma_wait3A_105 = arith.constant 0 : i32
    %dma_wait3A_106 = arith.constant 0 : i32
    %dma_wait3A_107 = arith.constant 0 : i32
    %dma_wait3A_108 = arith.constant 0 : i32
    %dma_wait3A_109 = tpu.memref_slice %arg8[%dma_wait3A_105, %dma_wait3A_107, %dma_wait3A_108] : memref<3x80x128xf32, #tpu.memory_space<vmem>> -> memref<1x80x128xf32, #tpu.memory_space<vmem>>
    %dma_wait3A_110 = tpu.memref_squeeze %dma_wait3A_109 : memref<1x80x128xf32, #tpu.memory_space<vmem>> -> memref<80x128xf32, #tpu.memory_space<vmem>>
    %dma_wait3A_111 = arith.constant 9840 : i32
    %dma_wait3A_112 = tpu.memref_slice %arg7[%dma_wait3A_111] : memref<10000xi32, #tpu.memory_space<vmem>> -> memref<80xi32, #tpu.memory_space<vmem>>
    %dma_wait3A_113 = arith.constant 0 : i32
    %dma_wait3A_114 = arith.constant 0 : i32
    %dma_wait3A_115 = tpu.memref_slice %arg9[%dma_wait3A_113, %dma_wait3A_114] : memref<10000x128xf32, #tpu.memory_space<vmem_shared>> -> memref<10000x128xf32, #tpu.memory_space<vmem_shared>>
    %dma_wait3A_116 = tpu.memref_slice %arg11[%dma_wait3A_106] : memref<3x!tpu.dma_semaphore, #tpu.memory_space<semaphore_mem>> -> memref<1x!tpu.dma_semaphore, #tpu.memory_space<semaphore_mem>>
    %dma_wait3A_117 = tpu.memref_squeeze %dma_wait3A_116 : memref<1x!tpu.dma_semaphore, #tpu.memory_space<semaphore_mem>> -> memref<!tpu.dma_semaphore, #tpu.memory_space<semaphore_mem>>
    tpu.wait_indirect_dma semaphore(%dma_wait3A_117 : memref<!tpu.dma_semaphore, #tpu.memory_space<semaphore_mem>>) src(%dma_wait3A_110 : memref<80x128xf32, #tpu.memory_space<vmem>>) dst(%dma_wait3A_115 : memref<10000x128xf32, #tpu.memory_space<vmem_shared>>)
    %dma_wait3A_118 = arith.constant 1 : i32
    %dma_wait3A_119 = arith.constant 1 : i32
    %dma_wait3A_120 = arith.constant 0 : i32
    %dma_wait3A_121 = arith.constant 0 : i32
    %dma_wait3A_122 = tpu.memref_slice %arg8[%dma_wait3A_118, %dma_wait3A_120, %dma_wait3A_121] : memref<3x80x128xf32, #tpu.memory_space<vmem>> -> memref<1x80x128xf32, #tpu.memory_space<vmem>>
    %dma_wait3A_123 = tpu.memref_squeeze %dma_wait3A_122 : memref<1x80x128xf32, #tpu.memory_space<vmem>> -> memref<80x128xf32, #tpu.memory_space<vmem>>
    %dma_wait3A_124 = arith.constant 9920 : i32
    %dma_wait3A_125 = tpu.memref_slice %arg7[%dma_wait3A_124] : memref<10000xi32, #tpu.memory_space<vmem>> -> memref<80xi32, #tpu.memory_space<vmem>>
    %dma_wait3A_126 = arith.constant 0 : i32
    %dma_wait3A_127 = arith.constant 0 : i32
    %dma_wait3A_128 = tpu.memref_slice %arg9[%dma_wait3A_126, %dma_wait3A_127] : memref<10000x128xf32, #tpu.memory_space<vmem_shared>> -> memref<10000x128xf32, #tpu.memory_space<vmem_shared>>
    %dma_wait3A_129 = tpu.memref_slice %arg11[%dma_wait3A_119] : memref<3x!tpu.dma_semaphore, #tpu.memory_space<semaphore_mem>> -> memref<1x!tpu.dma_semaphore, #tpu.memory_space<semaphore_mem>>
    %dma_wait3A_130 = tpu.memref_squeeze %dma_wait3A_129 : memref<1x!tpu.dma_semaphore, #tpu.memory_space<semaphore_mem>> -> memref<!tpu.dma_semaphore, #tpu.memory_space<semaphore_mem>>
    tpu.wait_indirect_dma semaphore(%dma_wait3A_130 : memref<!tpu.dma_semaphore, #tpu.memory_space<semaphore_mem>>) src(%dma_wait3A_123 : memref<80x128xf32, #tpu.memory_space<vmem>>) dst(%dma_wait3A_128 : memref<10000x128xf32, #tpu.memory_space<vmem_shared>>)
    %barrier3A_131 = arith.constant 0 : index
    tpu.barrier barrier_id(%barrier3A_131)
    %lt3A_132 = arith.constant 10 : i32
    %lt3A_133 = arith.cmpi slt, %arg1, %lt3A_132 : i32
    %convert_element_type3A_134 = arith.extui %lt3A_133 : i1 to i32
    %cond3A_135 = arith.constant 0 : i32
    %cond3A_136 = arith.cmpi ne, %convert_element_type3A_134, %cond3A_135 : i32
    scf.if %cond3A_136 {
      %mul3A_137 = arith.constant 1000 : i32
      %mul3A_138 = arith.muli %arg1, %mul3A_137 : i32
      %mul3A_139 = arith.constant 1000 : i32
      %mul3A_140 = arith.muli %arg1, %mul3A_139 : i32
      "tpu.region"() ({
        %run_scoped3A = tpu.sem_alloc : memref<!tpu.dma_semaphore, #tpu.memory_space<semaphore_mem>>
        %dma_start3A_141 = arith.constant 0 : i32
        %dma_start3A_142 = tpu.memref_slice %arg5[%arg0, %mul3A_140, %dma_start3A_141] : memref<2x10000x128xf32, #tpu.memory_space<hbm>> -> memref<1x1000x128xf32, #tpu.memory_space<hbm>>
        %dma_start3A_143 = tpu.memref_squeeze %dma_start3A_142 : memref<1x1000x128xf32, #tpu.memory_space<hbm>> -> memref<1000x128xf32, #tpu.memory_space<hbm>>
        %dma_start3A_144 = arith.constant 0 : i32
        %dma_start3A_145 = tpu.memref_slice %arg9[%mul3A_138, %dma_start3A_144] : memref<10000x128xf32, #tpu.memory_space<vmem_shared>> -> memref<1000x128xf32, #tpu.memory_space<vmem_shared>>
        tpu.enqueue_dma source(%dma_start3A_145 : memref<1000x128xf32, #tpu.memory_space<vmem_shared>>) target(%dma_start3A_143 : memref<1000x128xf32, #tpu.memory_space<hbm>>) target_semaphore(%run_scoped3A : memref<!tpu.dma_semaphore, #tpu.memory_space<semaphore_mem>>)
        %dma_wait3A_146 = arith.constant 0 : i32
        %dma_wait3A_147 = tpu.memref_slice %arg5[%arg0, %mul3A_140, %dma_wait3A_146] : memref<2x10000x128xf32, #tpu.memory_space<hbm>> -> memref<1x1000x128xf32, #tpu.memory_space<hbm>>
        %dma_wait3A_148 = tpu.memref_squeeze %dma_wait3A_147 : memref<1x1000x128xf32, #tpu.memory_space<hbm>> -> memref<1000x128xf32, #tpu.memory_space<hbm>>
        %dma_wait3A_149 = arith.constant 0 : i32
        %dma_wait3A_150 = tpu.memref_slice %arg9[%mul3A_138, %dma_wait3A_149] : memref<10000x128xf32, #tpu.memory_space<vmem_shared>> -> memref<1000x128xf32, #tpu.memory_space<vmem_shared>>
        tpu.wait_dma2 semaphore(%run_scoped3A : memref<!tpu.dma_semaphore, #tpu.memory_space<semaphore_mem>>) src(%dma_wait3A_150 : memref<1000x128xf32, #tpu.memory_space<vmem_shared>>) dst(%dma_wait3A_148 : memref<1000x128xf32, #tpu.memory_space<hbm>>)
        tpu.yield
      }) : () -> ()
    } else {
    }
    return
  }
}

module attributes {stable_mosaic.version = 14 : i64} {
  func.func @_prep_body(%arg0: i32, %arg1: memref<2000x128xf32, #tpu.memory_space<vmem>>, %arg2: memref<2000x1xf32, #tpu.memory_space<vmem>>, %arg3: memref<2000x128xf32, #tpu.memory_space<vmem>>) attributes {dimension_semantics = [#tpu.dimension_semantics<arbitrary>], iteration_bounds = array<i64: 5>, scalar_prefetch = 0 : i64, scratch_operands = 0 : i64, tpu.core_type = #tpu.core_type<tc>, window_params = [{transform_indices = @transform_0, window_bounds = array<i64: 2000, 128>}, {transform_indices = @transform_1, window_bounds = array<i64: 2000, 1>}, {transform_indices = @transform_2, window_bounds = array<i64: 2000, 128>}]} {
    %get3A = arith.constant 0 : index
    %get3A_0 = arith.constant 0 : index
    %get3A_1 = vector.load %arg2[%get3A, %get3A_0] : memref<2000x1xf32, #tpu.memory_space<vmem>>, vector<2000x1xf32>
    %max3A = arith.constant 1.000000e+00 : f32
    %max3A_2 = vector.broadcast %max3A : f32 to vector<2000x1xf32>
    %max3A_3 = arith.maximumf %get3A_1, %max3A_2 : vector<2000x1xf32>
    %rsqrt3A = math.rsqrt %max3A_3 : vector<2000x1xf32>
    %get3A_4 = arith.constant 0 : index
    %get3A_5 = arith.constant 0 : index
    %get3A_6 = vector.load %arg1[%get3A_4, %get3A_5] : memref<2000x128xf32, #tpu.memory_space<vmem>>, vector<2000x128xf32>
    %mul3A = vector.broadcast %rsqrt3A : vector<2000x1xf32> to vector<2000x128xf32>
    %mul3A_7 = arith.mulf %get3A_6, %mul3A : vector<2000x128xf32>
    %swap3A = arith.constant 0 : index
    %swap3A_8 = arith.constant 0 : index
    %swap3A_9 = vector.load %arg3[%swap3A, %swap3A_8] : memref<2000x128xf32, #tpu.memory_space<vmem>>, vector<2000x128xf32>
    tpu.vector_store %arg3[%swap3A, %swap3A_8], %mul3A_7 {strides = array<i32>} : memref<2000x128xf32, #tpu.memory_space<vmem>>, vector<2000x128xf32>,
    return
  }
  func.func @transform_0(%arg0: i32) -> (i32, i32) {
    %c0_i32 = arith.constant 0 : i32
    %c0_i32_0 = arith.constant 0 : i32
    return %arg0, %c0_i32 : i32, i32
  }
  func.func @transform_1(%arg0: i32) -> (i32, i32) {
    %c0_i32 = arith.constant 0 : i32
    %c0_i32_0 = arith.constant 0 : i32
    return %arg0, %c0_i32 : i32, i32
  }
  func.func @transform_2(%arg0: i32) -> (i32, i32) {
    %c0_i32 = arith.constant 0 : i32
    %c0_i32_0 = arith.constant 0 : i32
    return %arg0, %c0_i32 : i32, i32
  }
}

module attributes {stable_mosaic.version = 14 : i64} {
  func.func @_mid_body(%arg0: i32, %arg1: memref<2000x128xf32, #tpu.memory_space<vmem>>, %arg2: memref<2000x128xf32, #tpu.memory_space<vmem>>, %arg3: memref<2000x1xf32, #tpu.memory_space<vmem>>, %arg4: memref<2000x1xf32, #tpu.memory_space<vmem>>, %arg5: memref<128x256xf32, #tpu.memory_space<vmem>>, %arg6: memref<1x256xf32, #tpu.memory_space<vmem>>, %arg7: memref<256x128xf32, #tpu.memory_space<vmem>>, %arg8: memref<2000x128xf32, #tpu.memory_space<vmem>>) attributes {dimension_semantics = [#tpu.dimension_semantics<arbitrary>], iteration_bounds = array<i64: 5>, scalar_prefetch = 0 : i64, scratch_operands = 0 : i64, tpu.core_type = #tpu.core_type<tc>, window_params = [{transform_indices = @transform_0, window_bounds = array<i64: 2000, 128>}, {transform_indices = @transform_1, window_bounds = array<i64: 2000, 128>}, {transform_indices = @transform_2, window_bounds = array<i64: 2000, 1>}, {transform_indices = @transform_3, window_bounds = array<i64: 2000, 1>}, {pipeline_mode = #tpu.pipeline_mode<synchronous>, transform_indices = @transform_4, window_bounds = array<i64: 128, 256>}, {pipeline_mode = #tpu.pipeline_mode<synchronous>, transform_indices = @transform_5, window_bounds = array<i64: 1, 256>}, {pipeline_mode = #tpu.pipeline_mode<synchronous>, transform_indices = @transform_6, window_bounds = array<i64: 256, 128>}, {transform_indices = @transform_7, window_bounds = array<i64: 2000, 128>}]} {
    %get3A = arith.constant 0 : index
    %get3A_0 = arith.constant 0 : index
    %get3A_1 = vector.load %arg3[%get3A, %get3A_0] : memref<2000x1xf32, #tpu.memory_space<vmem>>, vector<2000x1xf32>
    %max3A = arith.constant 1.000000e+00 : f32
    %max3A_2 = vector.broadcast %max3A : f32 to vector<2000x1xf32>
    %max3A_3 = arith.maximumf %get3A_1, %max3A_2 : vector<2000x1xf32>
    %rsqrt3A = math.rsqrt %max3A_3 : vector<2000x1xf32>
    %get3A_4 = arith.constant 0 : index
    %get3A_5 = arith.constant 0 : index
    %get3A_6 = vector.load %arg4[%get3A_4, %get3A_5] : memref<2000x1xf32, #tpu.memory_space<vmem>>, vector<2000x1xf32>
    %max3A_7 = arith.constant 1.000000e+00 : f32
    %max3A_8 = vector.broadcast %max3A_7 : f32 to vector<2000x1xf32>
    %max3A_9 = arith.maximumf %get3A_6, %max3A_8 : vector<2000x1xf32>
    %rsqrt3A_10 = math.rsqrt %max3A_9 : vector<2000x1xf32>
    %get3A_11 = arith.constant 0 : index
    %get3A_12 = arith.constant 0 : index
    %get3A_13 = vector.load %arg1[%get3A_11, %get3A_12] : memref<2000x128xf32, #tpu.memory_space<vmem>>, vector<2000x128xf32>
    %get3A_14 = arith.constant 0 : index
    %get3A_15 = arith.constant 0 : index
    %get3A_16 = vector.load %arg2[%get3A_14, %get3A_15] : memref<2000x128xf32, #tpu.memory_space<vmem>>, vector<2000x128xf32>
    %add3A = arith.addf %get3A_13, %get3A_16 : vector<2000x128xf32>
    %mul3A = vector.broadcast %rsqrt3A : vector<2000x1xf32> to vector<2000x128xf32>
    %mul3A_17 = arith.mulf %add3A, %mul3A : vector<2000x128xf32>
    %get3A_18 = arith.constant 0 : index
    %get3A_19 = arith.constant 0 : index
    %get3A_20 = vector.load %arg5[%get3A_18, %get3A_19] : memref<128x256xf32, #tpu.memory_space<vmem>>, vector<128x256xf32>
    %dot_general3A = arith.constant dense<0.000000e+00> : vector<2000x256xf32>
    %dot_general3A_21 = tpu.matmul %mul3A_17, %get3A_20, %dot_general3A {dimension_numbers = #tpu.dot_dimension_numbers<[1], [0], [0], [1], [0, 0, 1, 1], [], []>, transpose_lhs_hint = false} : vector<2000x128xf32>, vector<128x256xf32>, vector<2000x256xf32> -> vector<2000x256xf32>
    %get3A_22 = arith.constant 0 : index
    %get3A_23 = arith.constant 0 : index
    %get3A_24 = vector.load %arg6[%get3A_22, %get3A_23] : memref<1x256xf32, #tpu.memory_space<vmem>>, vector<1x256xf32>
    %add3A_25 = vector.broadcast %get3A_24 : vector<1x256xf32> to vector<2000x256xf32>
    %add3A_26 = arith.addf %dot_general3A_21, %add3A_25 : vector<2000x256xf32>
    %max3A_27 = arith.constant 0.000000e+00 : f32
    %max3A_28 = vector.broadcast %max3A_27 : f32 to vector<2000x256xf32>
    %max3A_29 = arith.maximumf %add3A_26, %max3A_28 : vector<2000x256xf32>
    %get3A_30 = arith.constant 0 : index
    %get3A_31 = arith.constant 0 : index
    %get3A_32 = vector.load %arg7[%get3A_30, %get3A_31] : memref<256x128xf32, #tpu.memory_space<vmem>>, vector<256x128xf32>
    %dot_general3A_33 = arith.constant dense<0.000000e+00> : vector<2000x128xf32>
    %dot_general3A_34 = tpu.matmul %max3A_29, %get3A_32, %dot_general3A_33 {dimension_numbers = #tpu.dot_dimension_numbers<[1], [0], [0], [1], [0, 0, 1, 1], [], []>, transpose_lhs_hint = false} : vector<2000x256xf32>, vector<256x128xf32>, vector<2000x128xf32> -> vector<2000x128xf32>
    %mul3A_35 = vector.broadcast %rsqrt3A_10 : vector<2000x1xf32> to vector<2000x128xf32>
    %mul3A_36 = arith.mulf %dot_general3A_34, %mul3A_35 : vector<2000x128xf32>
    %swap3A = arith.constant 0 : index
    %swap3A_37 = arith.constant 0 : index
    %swap3A_38 = vector.load %arg8[%swap3A, %swap3A_37] : memref<2000x128xf32, #tpu.memory_space<vmem>>, vector<2000x128xf32>
    tpu.vector_store %arg8[%swap3A, %swap3A_37], %mul3A_36 {strides = array<i32>} : memref<2000x128xf32, #tpu.memory_space<vmem>>, vector<2000x128xf32>,
    return
  }
  func.func @transform_0(%arg0: i32) -> (i32, i32) {
    %c0_i32 = arith.constant 0 : i32
    %c0_i32_0 = arith.constant 0 : i32
    return %arg0, %c0_i32 : i32, i32
  }
  func.func @transform_1(%arg0: i32) -> (i32, i32) {
    %c0_i32 = arith.constant 0 : i32
    %c0_i32_0 = arith.constant 0 : i32
    return %arg0, %c0_i32 : i32, i32
  }
  func.func @transform_2(%arg0: i32) -> (i32, i32) {
    %c0_i32 = arith.constant 0 : i32
    %c0_i32_0 = arith.constant 0 : i32
    return %arg0, %c0_i32 : i32, i32
  }
  func.func @transform_3(%arg0: i32) -> (i32, i32) {
    %c0_i32 = arith.constant 0 : i32
    %c0_i32_0 = arith.constant 0 : i32
    return %arg0, %c0_i32 : i32, i32
  }
  func.func @transform_4(%arg0: i32) -> (i32, i32) {
    %c0_i32 = arith.constant 0 : i32
    %c0_i32_0 = arith.constant 0 : i32
    %c0_i32_1 = arith.constant 0 : i32
    return %c0_i32, %c0_i32_0 : i32, i32
  }
  func.func @transform_5(%arg0: i32) -> (i32, i32) {
    %c0_i32 = arith.constant 0 : i32
    %c0_i32_0 = arith.constant 0 : i32
    %c0_i32_1 = arith.constant 0 : i32
    return %c0_i32, %c0_i32_0 : i32, i32
  }
  func.func @transform_6(%arg0: i32) -> (i32, i32) {
    %c0_i32 = arith.constant 0 : i32
    %c0_i32_0 = arith.constant 0 : i32
    %c0_i32_1 = arith.constant 0 : i32
    return %c0_i32, %c0_i32_0 : i32, i32
  }
  func.func @transform_7(%arg0: i32) -> (i32, i32) {
    %c0_i32 = arith.constant 0 : i32
    %c0_i32_0 = arith.constant 0 : i32
    return %arg0, %c0_i32 : i32, i32
  }
}

module attributes {stable_mosaic.version = 14 : i64} {
  func.func @_post_body(%arg0: i32, %arg1: memref<2000x128xf32, #tpu.memory_space<vmem>>, %arg2: memref<2000x128xf32, #tpu.memory_space<vmem>>, %arg3: memref<2000x1xf32, #tpu.memory_space<vmem>>, %arg4: memref<1x128xf32, #tpu.memory_space<vmem>>, %arg5: memref<2000x128xf32, #tpu.memory_space<vmem>>) attributes {dimension_semantics = [#tpu.dimension_semantics<arbitrary>], iteration_bounds = array<i64: 5>, scalar_prefetch = 0 : i64, scratch_operands = 0 : i64, tpu.core_type = #tpu.core_type<tc>, window_params = [{transform_indices = @transform_0, window_bounds = array<i64: 2000, 128>}, {transform_indices = @transform_1, window_bounds = array<i64: 2000, 128>}, {transform_indices = @transform_2, window_bounds = array<i64: 2000, 1>}, {pipeline_mode = #tpu.pipeline_mode<synchronous>, transform_indices = @transform_3, window_bounds = array<i64: 1, 128>}, {transform_indices = @transform_4, window_bounds = array<i64: 2000, 128>}]} {
    %get3A = arith.constant 0 : index
    %get3A_0 = arith.constant 0 : index
    %get3A_1 = vector.load %arg3[%get3A, %get3A_0] : memref<2000x1xf32, #tpu.memory_space<vmem>>, vector<2000x1xf32>
    %max3A = arith.constant 1.000000e+00 : f32
    %max3A_2 = vector.broadcast %max3A : f32 to vector<2000x1xf32>
    %max3A_3 = arith.maximumf %get3A_1, %max3A_2 : vector<2000x1xf32>
    %rsqrt3A = math.rsqrt %max3A_3 : vector<2000x1xf32>
    %get3A_4 = arith.constant 0 : index
    %get3A_5 = arith.constant 0 : index
    %get3A_6 = vector.load %arg1[%get3A_4, %get3A_5] : memref<2000x128xf32, #tpu.memory_space<vmem>>, vector<2000x128xf32>
    %get3A_7 = arith.constant 0 : index
    %get3A_8 = arith.constant 0 : index
    %get3A_9 = vector.load %arg2[%get3A_7, %get3A_8] : memref<2000x128xf32, #tpu.memory_space<vmem>>, vector<2000x128xf32>
    %add3A = arith.addf %get3A_6, %get3A_9 : vector<2000x128xf32>
    %mul3A = vector.broadcast %rsqrt3A : vector<2000x1xf32> to vector<2000x128xf32>
    %mul3A_10 = arith.mulf %add3A, %mul3A : vector<2000x128xf32>
    %get3A_11 = arith.constant 0 : index
    %get3A_12 = arith.constant 0 : index
    %get3A_13 = vector.load %arg4[%get3A_11, %get3A_12] : memref<1x128xf32, #tpu.memory_space<vmem>>, vector<1x128xf32>
    %add3A_14 = vector.broadcast %get3A_13 : vector<1x128xf32> to vector<2000x128xf32>
    %add3A_15 = arith.addf %mul3A_10, %add3A_14 : vector<2000x128xf32>
    %max3A_16 = arith.constant 0.000000e+00 : f32
    %max3A_17 = vector.broadcast %max3A_16 : f32 to vector<2000x128xf32>
    %max3A_18 = arith.maximumf %add3A_15, %max3A_17 : vector<2000x128xf32>
    %swap3A = arith.constant 0 : index
    %swap3A_19 = arith.constant 0 : index
    %swap3A_20 = vector.load %arg5[%swap3A, %swap3A_19] : memref<2000x128xf32, #tpu.memory_space<vmem>>, vector<2000x128xf32>
    tpu.vector_store %arg5[%swap3A, %swap3A_19], %max3A_18 {strides = array<i32>} : memref<2000x128xf32, #tpu.memory_space<vmem>>, vector<2000x128xf32>,
    return
  }
  func.func @transform_0(%arg0: i32) -> (i32, i32) {
    %c0_i32 = arith.constant 0 : i32
    %c0_i32_0 = arith.constant 0 : i32
    return %arg0, %c0_i32 : i32, i32
  }
  func.func @transform_1(%arg0: i32) -> (i32, i32) {
    %c0_i32 = arith.constant 0 : i32
    %c0_i32_0 = arith.constant 0 : i32
    return %arg0, %c0_i32 : i32, i32
  }
  func.func @transform_2(%arg0: i32) -> (i32, i32) {
    %c0_i32 = arith.constant 0 : i32
    %c0_i32_0 = arith.constant 0 : i32
    return %arg0, %c0_i32 : i32, i32
  }
  func.func @transform_3(%arg0: i32) -> (i32, i32) {
    %c0_i32 = arith.constant 0 : i32
    %c0_i32_0 = arith.constant 0 : i32
    %c0_i32_1 = arith.constant 0 : i32
    return %c0_i32, %c0_i32_0 : i32, i32
  }
  func.func @transform_4(%arg0: i32) -> (i32, i32) {
    %c0_i32 = arith.constant 0 : i32
    %c0_i32_0 = arith.constant 0 : i32
    return %arg0, %c0_i32 : i32, i32
  }
}

</mosaic_0001>

<sc_bundles>
// kernel: kernel.11.cloned.1.call-start
scs
__scs_entry_jumppad:
0x0: {  	(pc) =	sbr.rel $0x88, $3  }
0x1: {  	(tag) =	ssettag $0x0;
	lr =	simm.s32 $0x1  }
0x2: {  	[smem:$0x3F9B] =	sst lr;
	_ =	strace $0xD0000000  }
0x3: {  	_ = 	snop  }
0x4: {  	_ = 	snop  }
0x5: {  	_ = 	snop  }
0x6: {  	_ = 	snop  }
0x7: {  	_ = 	snop  }
__scs_overlays_trampoline_lowered:
0x8: {  	[smem:$0x3FAA] =	sst s0  }
0x9: {  	[smem:$0x3FAB] =	sst s1  }
0xa: {  	[smem:$0x3FAC] =	sst s2  }
0xb: {  	[smem:$0x3FAD] =	sst s3  }
0xc: {  	[smem:$0x3FAE] =	sst s4  }
0xd: {  	[smem:$0x3FAF] =	sst s5  }
0xe: {  	[smem:$0x3FB0] =	sst s6  }
0xf: {  	[smem:$0x3FB1] =	sst s7  }
0x10: {  	[smem:$0x3FB2] =	sst s8  }
0x11: {  	[smem:$0x3FB3] =	sst s9;
	s0 =	simm.s32 @!p0 $0x0  }
0x12: {  	s1 =	sld [smem:$0x3F99];
	s0 =	simm.s32 @p0 $0x1  }
0x13: {  	[smem:$0x3FB4] =	sst s0;
	s0 =	simm.s32 @!p1 $0x0  }
0x14: {  	s2 =	sld [smem:$0x3F98];
	s0 =	simm.s32 @p1 $0x1  }
0x15: {  	[smem:$0x3FB5] =	sst s0;
	s0 =	simm.s32 @!p2 $0x0  }
0x16: {  	s3 =	sld [smem:$0x3FDB];
	s0 =	simm.s32 @p2 $0x1  }
0x17: {  	s4 =	simm.s32 $0x1BF5;
	[smem:$0x3FB7] =	sst s0  }
0x18: {  	s0 =	sld [smem:$0x3F9A];
	_ =	swait.ge [sflag:s4], $0x0  }
0x19: {  	s7 =	sld [smem:$0x3F9B]  }
0x1a: {  	s8 =	sadd.s32 $0xFFFFE003, lr  }
0x1b: {  	s9 =	sadd.s32 $0xFFFFFEF7, lr;
	s5 =	simm.s32 $0xFFFFFFFF;
	p2 =	slt.u32 s8, $0xFFFFF086  }
0x1c: {  	p1 =	slt.u32 s9, $0xF7A;
	s5 =	simm.s32 @!p2 $0x0  }
0x1d: {  	s5 =	simm.s32 @p1 $0x1;
	p0 =	seq.s32 s7, s2  }
0x1e: {  	s7 =	smul.u32 @!p0 $0xF7A, s2;
	p2 =	seq.s32 @!p0 s5, $0x0  }
0x1f: {  	s9 =	smul.u32 $0xF7A, s1;
	s8 =	simm.s32 @!p0 $0x1BF5;
	p2 =	por !p2, p0  }
0x20: {  	[sflag:s8] =	ssyncset.s32 @!p0 $0xFFFFF086;
	s6 =	sadd.s32 @!p0 s3, s7;
	s7 =	simm.s32 @!p0 $0x108  }
0x21: {  	s3 =	sadd.s32 s3, s9;
	s6 =	sadd.s32 @!p0 $0x88, s6;
	s7 =	simm.s32 @p2 $0x1082  }
0x22: {  	[simem:s7], [sflag:s8] =	dma.local @!p0 [hbm:s6], $0xF7A  }
0x23: {  	s9 =	sor.u32 $0xD0000000, s2;
	s6 =	simm.s32 $0x108;
	_ =	swait.ge @!p0 [sflag:s8], $0x0  }
0x24: {  	s3 =	sadd.s32 $0x88, s3;
	s6 =	simm.s32 @!p1 $0x1082;
	[sflag:s4] =	ssyncset.s32 $0xFFFFF086  }
0x25: {  	[simem:s6], [sflag:s4] =	dma.local [hbm:s3], $0xF7A  }
0x26: {  	[smem:$0x3F9B] =	sst s1;
	(tag) =	ssettag s2;
	_ =	strace s9  }
0x27: {  	s1 =	sld [smem:$0x3FAB]  }
0x28: {  	s2 =	sld [smem:$0x3FAC]  }
0x29: {  	s4 =	sld [smem:$0x3FAE]  }
0x2a: {  	p0 =	seq.s32 s5, $0x0;
	s5 =	sld [smem:$0x3FAF]  }
0x2b: {  	s6 =	sld [smem:$0x3FB0]  }
0x2c: {  	s7 =	sld [smem:$0x3FB1]  }
0x2d: {  	s3 =	simm.s32 $0x108;
	s8 =	sld [smem:$0x3FB2]  }
0x2e: {  	s3 =	simm.s32 @!p0 $0x1082;
	s9 =	sld [smem:$0x3FB3]  }
0x2f: {  	lr =	sadd.s32 s0, s3;
	s0 =	sld [smem:$0x3FAA]  }
0x30: {  	s3 =	sld [smem:$0x3FAD]  }
0x31: {  	[smem:$0x3FB6] =	sst s10  }
0x32: {  	s10 =	sld [smem:$0x3FB4];
	_ =	sdelay $0x3  }
0x33: {  	p0 =	seq.s32 s10, $0x1;
	s10 =	sld [smem:$0x3FB6];
	_ =	sdelay $0x3  }
0x34: {  	[smem:$0x3FB6] =	sst s10  }
0x35: {  	s10 =	sld [smem:$0x3FB5];
	_ =	sdelay $0x3  }
0x36: {  	p1 =	seq.s32 s10, $0x1;
	s10 =	sld [smem:$0x3FB6];
	_ =	sdelay $0x3  }
0x37: {  	[smem:$0x3FB6] =	sst s10  }
0x38: {  	s10 =	sld [smem:$0x3FB7]  }
0x39: {  	_ = 	snop;
	(pc) =	sbr.ind lr, $3  }
0x3a: {  	_ = 	snop  }
0x3b: {  	_ = 	snop  }
0x3c: {  	p2 =	seq.s32 s10, $0x1;
	s10 =	sld [smem:$0x3FB6]  }
0x3d: {  	_ =	shalt  }
0x3e: {  	_ =	shalt  }
0x3f: {  	_ =	shalt  }
0x40: {  	_ =	shalt  }
0x41: {  	_ =	shalt  }
0x42: {  	_ =	shalt  }
0x43: {  	_ =	shalt  }
0x44: {  	_ =	shalt  }
0x45: {  	_ =	shalt  }
0x46: {  	_ =	shalt  }
0x47: {  	_ =	shalt  }
0x48: {  	_ =	shalt  }
0x49: {  	_ =	shalt  }
0x4a: {  	_ =	shalt  }
0x4b: {  	_ =	shalt  }
0x4c: {  	_ =	shalt  }
0x4d: {  	_ =	shalt  }
0x4e: {  	_ =	shalt  }
0x4f: {  	_ =	shalt  }
0x50: {  	_ =	shalt  }
0x51: {  	_ =	shalt  }
0x52: {  	_ =	shalt  }
0x53: {  	_ =	shalt  }
0x54: {  	_ =	shalt  }
0x55: {  	_ =	shalt  }
0x56: {  	_ =	shalt  }
0x57: {  	_ =	shalt  }
0x58: {  	_ =	shalt  }
0x59: {  	_ =	shalt  }
0x5a: {  	_ =	shalt  }
0x5b: {  	_ =	shalt  }
0x5c: {  	_ =	shalt  }
0x5d: {  	_ =	shalt  }
0x5e: {  	_ =	shalt  }
0x5f: {  	_ =	shalt  }
0x60: {  	_ =	shalt  }
0x61: {  	_ =	shalt  }
0x62: {  	_ =	shalt  }
0x63: {  	_ =	shalt  }
0x64: {  	_ =	shalt  }
0x65: {  	_ =	shalt  }
0x66: {  	_ =	shalt  }
0x67: {  	_ =	shalt  }
0x68: {  	_ =	shalt  }
0x69: {  	_ =	shalt  }
0x6a: {  	_ =	shalt  }
0x6b: {  	_ =	shalt  }
0x6c: {  	_ =	shalt  }
0x6d: {  	_ =	shalt  }
0x6e: {  	_ =	shalt  }
0x6f: {  	_ =	shalt  }
0x70: {  	_ =	shalt  }
0x71: {  	_ =	shalt  }
0x72: {  	_ =	shalt  }
0x73: {  	_ =	shalt  }
0x74: {  	_ =	shalt  }
0x75: {  	_ =	shalt  }
0x76: {  	_ =	shalt  }
0x77: {  	_ =	shalt  }
0x78: {  	_ =	shalt  }
0x79: {  	_ =	shalt  }
0x7a: {  	_ =	shalt  }
0x7b: {  	_ =	shalt  }
0x7c: {  	_ =	shalt  }
0x7d: {  	_ =	shalt  }
0x7e: {  	_ =	shalt  }
0x7f: {  	_ =	shalt  }
0x80: {  	_ =	shalt  }
0x81: {  	_ =	shalt  }
0x82: {  	_ =	shalt  }
0x83: {  	_ =	shalt  }
0x84: {  	_ =	shalt  }
0x85: {  	_ =	shalt  }
0x86: {  	_ =	shalt  }
0x87: {  	_ =	shalt  }
.Lfunc_end0:
.L_simem_size_0:
called_computation.1_lowered:
.L_overlay_start_0:
0x88: {  	s2 =	sld [smem:$0x3FD9]  }
0x89: {  	s3 =	sld [smem:$0x3FFE];
	_ =	sdelay $0x1  }
0x8a: {  	s1 =	srdreg.scid  }
0x8b: {  	s0 =	sand.u32 $0x1, s1  }
0x8c: {  	s17 =	sshll.u32 s0, $0xA;
	s2 =	sadd.s32 s3, s2  }
0x8d: {  	s2 =	sadd.s32 s2, s17  }
0x8e: {  	[smem:$0x3FC2] =	sst s2  }
0x8f: {  	_ = 	snop  }
0x90: {  	s2 =	sld [smem:$0x3FD0];
	(tm) =	ssettm $0x1  }
0x91: {  	s18 =	sld [smem:$0x3FFB];
	_ =	sdelay $0x3  }
0x92: {  	_ =	strace s18  }
0x93: {  	s3 =	sld [smem:$0x3FFC];
	_ =	sdelay $0x3  }
0x94: {  	_ =	strace s3  }
0x95: {  	s3 =	sld [smem:$0x3FFD];
	_ =	sdelay $0x3  }
0x96: {  	_ =	strace s3  }
0x97: {  	_ =	strace $0x8FFFFFFF  }
0x98: {  	s19 =	sld [smem:$0x3FDB];
	_ =	sdelay $0x1  }
0x99: {  	s4 =	simm.s32 $_scs_section_size  }
0x9a: {  	s5 =	simm.s32 $_size__tile_overlayer_lowered;
	s6 =	simm.s32 $_tile_overlayer_lowered  }
0x9b: {  	s22 =	simm.s32 $0x1BFF;
	s21 =	sshll.u32 s6, $0x1;
	s3 =	sadd.s32 s4, s19  }
0x9c: {  	s7 =	simm.s32 $0x0;
	s20 =	sshll.u32 s5, $0x1;
	s5 =	sadd.s32 s21, s3  }
0x9d: {  	[timem:s7], [sflag:s22] =	dma.local [hbm:s5], s20  }
0x9e: {  	_ =	swait.ge [sflag:s22], s20  }
0x9f: {  	s4 =	ssub.s32 $0x0, s20;
	[sflag:s22] =	ssyncset.done $0x0  }
0xa0: {  	[sflag:s22] =	ssyncadd.s32 s4;
	_ =	sdelay $0x1  }
0xa1: {  	s23 =	simm.s32 $0x1B8B  }
0xa2: {  	_ =	swait.ge [sflag:s23], $0x1  }
0xa3: {  	[sflag:s23] =	ssyncset.done $0x0  }
0xa4: {  	s25 =	simm.s32 $0x1B8E;
	s24 =	sld [smem:$0x3FFE];
	[sflag:s23] =	ssyncadd.s32 $0xFFFFFFFF  }
0xa5: {  	s26 =	simm.s32 $execute0_lowered;
	[smem:$0x3FD2] =	sst s25  }
0xa6: {  	s5 =	sshll.u32 s26, $0x1;
	_ =	strace $0x80000049;
	[dreg:$0x1] =	wrdreg $0xFFFFFFFF  }
0xa7: {  	s28 =	simm.s32 $_size_execute0_lowered;
	s3 =	sadd.s32 s3, s5;
	[dreg:$0x0] =	wrdreg $0x0  }
0xa8: {  	s5 =	sshll.u32 s28, $0x1;
	[dreg:$0x2] =	wrdreg s3  }
0xa9: {  	[dreg:$0x3] =	wrdreg s5  }
0xaa: {  	[dreg:$0x4] =	wrdreg $0xC0  }
0xab: {  	_ =	task [dreg:s7], $0x5FFFF  }
0xac: {  	[dreg:$0x1] =	wrdreg $0xFFFFFFFF  }
0xad: {  	[dreg:$0x0] =	wrdreg $0x60  }
0xae: {  	[dreg:$0x2] =	wrdreg s2  }
0xaf: {  	[dreg:$0x3] =	wrdreg s24  }
0xb0: {  	[dreg:$0x4] =	wrdreg $0xC7000  }
0xb1: {  	[dreg:$0x5] =	wrdreg $0x9  }
0xb2: {  	_ =	task.clear_ibuf [dreg:s7], $0x6FFFF;
	_ =	strace $0x90000049  }
0xb3: {  	s29 =	simm.s32 $0x9;
	_ =	strace $0x8000004B  }
0xb4: {  	_ =	swait.ge [sflag:s29], $0x1  }
0xb5: {  	[sflag:s29] =	ssyncadd.s32 $0xFFFFFFFF  }
0xb6: {  	_ =	strace $0x9000004B  }
0xb7: {  	_ =	sfence  }
0xb8: {  	s30 =	sld [smem:$0x0];
	_ =	sdelay $0x2  }
0xb9: {  	s31 =	sshll.u32 s1, $0xD;
	s1 =	sshrl.u32 s1, $0x2  }
0xba: {  	s3 =	sand.u32 $0x4000, s31;
	s1 =	sadd.s32 s1, s30  }
0xbb: {  	s0 =	sor.u32 s3, s0;
	s1 =	sshll.u32 s1, $0x11  }
0xbc: {  	s0 =	sor.u32 s1, s0  }
0xbd: {  	s0 =	sadd.s32 $0x8F2B, s0  }
0xbe: {  	[sflag:s0] =	ssyncadd.remote.s32 $0x1  }
0xbf: {  	_ =	sfence.sel $0xFFFF  }
0xc0: {  	[dreg:$0x0] =	wrdreg $0xFFFFFFFF;
	(pc) =	sbr.abs _section_cstart, $3  }
0xc1: {  	[dreg:$0x1] =	wrdreg $0xFFFFFFFF  }
0xc2: {  	_ =	task.clear_ibuf [dreg:s7], $0x2FFFF;
	_ =	strace $0x9FFFFFFF  }
0xc3: {  	(tm) =	ssettm $0x7FFFFFFF  }
tec
execute0_lowered:
.L_overlay_start_1:
0x0: {  	(tag) =	ssettag $0x1  }
0x1: {  	s0 =	srdreg.scid  }
0x2: {  	s1 =	rddreg [dreg:$0x0];
	s23 =	stileid.u32  }
0x3: {  	s5 =	rddreg [dreg:$0x1];
	s10 =	simm.s32 $0x4F00;
	s11 =	simm.s32 $0x7  }
0x4: {  	s12 =	simm.s32 $0x80;
	s13 =	simm.s32 $0x400;
	s14 =	simm.s32 $0x2780  }
0x5: {  	s15 =	simm.s32 $0x50;
	s16 =	simm.s32 $0x7700;
	s17 =	simm.s32 $0x1  }
0x6: {  	s19 =	simm.s32 $0x9F00;
	s20 =	simm.s32 $0x2;
	s21 =	simm.s32 $0x27D0  }
0x7: {  	s22 =	simm.s32 $0x4;
	s28 =	simm.s32 $0x140;
	s29 =	simm.s32 $0x6  }
0x8: {  	s30 =	simm.s32 $0x4DF0;
	s31 =	simm.s32 $0x4E40;
	s24 =	smul.u32 $0x1F400, s23  }
0x9: {  	s2 =	sand.u32 $0x1, s0;
	s7 =	sshll.u32 s23, $0x7;
	s9 =	smul.u32 $0x7D000, s23  }
0xa: {  	p0 =	sgt.u32 s23, $0x9;
	s3 =	sshll.u32 s2, $0x4;
	s7 =	sand.u32 $0x380, s7  }
0xb: {  	s8 =	smul.u32 $0x138800, s2;
	s2 =	ssub.s32 $0x2, s2;
	s4 =	sor.u32 s23, s3  }
0xc: {  	s3 =	rddreg [dreg:$0x2];
	s25 =	sshrl.u32 s2, $0x1;
	s4 =	sshrl.u32 s4, $0x3  }
0xd: {  	s26 =	sshrl.u32 s9, $0x2;
	s23 =	simm.s32 $0xF0;
	s6 =	smul.u32 $0x13C00, s4  }
0xe: {  	s2 =	ssub.s32 s2, s25;
	s25 =	simm.s32 $0x2820;
	s4 =	simm.s32 $0x0  }
0xf: {  	s9 =	smax.u32 s2, $0x1;
	[smem:$0x7FF] =	sst s4;
	s6 =	sor.u32 s7, s6  }
0x10: {  	_ =	strace $0x8000004A;
	s7 =	sadd.s32 s24, s8;
	s8 =	sadd.s32 s26, s3  }
0x11: {  	s24 =	simm.s32 $0x3;
	s6 =	sshrl.u32 s6, $0x3;
	s7 =	sshrl.u32 s7, $0x3  }
0x12: {  	s26 =	simm.s32 $0x5;
	s6 =	sadd.s32 s6, s5;
	s7 =	sadd.s32 s7, s5  }
0x13: {  	v0 =	vimm.f32 $0.0e+00;
	s5 =	sadd.s32 $0x2C00, s6;
	s6 =	sadd.s32 $0xCA00, s6;
	s7 =	sadd.s32 $0x3DA00, s7  }
.LBB2_1:
0x14: {  	s2 =	simm.s32 $0x0;
	s18 =	simm.s32 $0x200  }
.LBB2_2:
0x15: {  	p1 =	sne.s32 s18, $0x4E00;
	[tilespmem:s2+$0x4F70] =	vst v0  }
0x16: {  	[tilespmem:s2+$0x4F00] =	vst v0  }
0x17: {  	[tilespmem:s2+$0x4F10] =	vst v0  }
.Ltmp0:
0x18: {  	[tilespmem:s2+$0x4F20] =	vst v0;
	(pc) =	sbr.rel @p1 .LBB2_2-.Ltmp0, $4  }
0x19: {  	[tilespmem:s2+$0x4F30] =	vst v0  }
0x1a: {  	[tilespmem:s2+$0x4F40] =	vst v0  }
0x1b: {  	[tilespmem:s2+$0x4F50] =	vst v0  }
0x1c: {  	[tilespmem:s2+$0x4F60] =	vst v0;
	s2 =	sshra.s32 s18, $0x2;
	s18 =	sadd.s32 $0x200, s18  }
0x1d: {  	[tilespmem:s2+$0x4F70] =	vst v0  }
0x1e: {  	[tilespmem:s2+$0x4F00] =	vst v0  }
0x1f: {  	[tilespmem:s2+$0x4F10] =	vst v0  }
.Ltmp1:
0x20: {  	[tilespmem:s2+$0x4F20] =	vst v0;
	(pc) =	sbr.rel @p0 .LBB2_7-.Ltmp1, $4  }
0x21: {  	[tilespmem:s2+$0x4F30] =	vst v0  }
0x22: {  	[tilespmem:s2+$0x4F40] =	vst v0  }
0x23: {  	[tilespmem:s2+$0x4F50] =	vst v0  }
0x24: {  	[tilespmem:s2+$0x4F60] =	vst v0  }
0x25: {  	s2 =	sadd.s32 $0x0, s8  }
0x26: {  	[spmem:s2] =	stream.linear.scatter [tilespmem:s10], [sflag:$0x7], $0x1400, $0x38;
	[tilespmem:$0x1FF80] =	vst v63  }
0x27: {  	s2 =	simm.s32 $0x5000;
	_ =	swait.ge [sflag:s11], $0x1400  }
.LBB2_5:
0x28: {  	s18 =	sshra.s32 s2, $0x2;
	[sflag:s11] =	ssyncset.done $0x0;
	p1 =	sne.s32 s2, $0x78000  }
.Ltmp2:
0x29: {  	s18 =	sadd.s32 s18, s8;
	[sflag:s11] =	ssyncadd.s32 $0xFFFFEC00;
	(pc) =	sbr.rel @p1 .LBB2_5-.Ltmp2, $3  }
0x2a: {  	[spmem:s18] =	stream.linear.scatter [tilespmem:s10], [sflag:$0x7], $0x1400, $0x38;
	[tilespmem:$0x1FF80] =	vst v63  }
0x2b: {  	s2 =	sadd.s32 $0x5000, s2;
	_ =	sdelay $0x1  }
0x2c: {  	_ =	swait.ge [sflag:s11], $0x1400  }
0x2d: {  	[sflag:s11] =	ssyncset.done $0x0  }
0x2e: {  	[sflag:s11] =	ssyncadd.s32 $0xFFFFEC00  }
.LBB2_7:
0x2f: {  	s2 =	simm.s32 $0x0  }
0x30: {  	[tilespmem:s2], [sflag:$0x7] =	stream.strided.gather [hbm4b:s5+s12], $0x2780, s13, s12, $0x38;
	[tilespmem:$0x1FF80] =	vst v63  }
0x31: {  	_ =	swait.ge [sflag:s11], $0x2780  }
0x32: {  	[sflag:s11] =	ssyncset.done $0x0  }
0x33: {  	[sflag:s11] =	ssyncadd.s32 $0xFFFFD880  }
0x34: {  	[tilespmem:s14], [sflag:$0x7] =	stream.strided.gather [hbm4b:s6+s12], $0x2780, s13, s12, $0x38;
	[tilespmem:$0x1FF80] =	vst v63  }
0x35: {  	_ =	swait.ge [sflag:s11], $0x2780  }
0x36: {  	[sflag:s11] =	ssyncset.done $0x0  }
0x37: {  	[sflag:s11] =	ssyncadd.s32 $0xFFFFD880  }
0x38: {  	[bflag:$0x0] =	sbarrier.arrive $0xFFFF  }
0x39: {  	[tilespmem:s10], [sflag:$0x1] =	stream.indirect.gather [hbm4b:s1+s15], $0x80, s2, s15, $0xb8;
	[tilespmem:$0x1FF80] =	vst v63  }
0x3a: {  	_ = 	snop  }
0x3b: {  	[tilespmem:s16], [sflag:$0x2] =	stream.indirect.gather [hbm4b:s1+s15], $0x80, s15, s15, $0xb8;
	[tilespmem:$0x1FF80] =	vst v63  }
0x3c: {  	_ =	swait.ge [sflag:s17], $0x2800  }
0x3d: {  	[sflag:s17] =	ssyncset.done $0x0  }
0x3e: {  	[sflag:s17] =	ssyncadd.s32 $0xFFFFD800  }
0x3f: {  	[spmem:s3] =	stream.indirect.scatter.add.f32 [tilespmem:s10], [sflag:$0x4], $0x80, s14, s15, $0xb8;
	[tilespmem:$0x1FF80] =	vst v63  }
0x40: {  	s0 =	simm.s32 $0xA0  }
0x41: {  	[tilespmem:s19], [sflag:$0x3] =	stream.indirect.gather [hbm4b:s1+s15], $0x80, s0, s15, $0xb8;
	[tilespmem:$0x1FF80] =	vst v63  }
0x42: {  	_ =	swait.ge [sflag:s20], $0x2800  }
0x43: {  	[sflag:s20] =	ssyncset.done $0x0  }
0x44: {  	[sflag:s20] =	ssyncadd.s32 $0xFFFFD800  }
0x45: {  	[spmem:s3] =	stream.indirect.scatter.add.f32 [tilespmem:s16], [sflag:$0x5], $0x80, s21, s15, $0xb8;
	[tilespmem:$0x1FF80] =	vst v63  }
0x46: {  	_ =	swait.ge [sflag:s22], $0x2800  }
0x47: {  	[sflag:s22] =	ssyncset.done $0x0  }
0x48: {  	[sflag:s22] =	ssyncadd.s32 $0xFFFFD800  }
0x49: {  	[tilespmem:s10], [sflag:$0x1] =	stream.indirect.gather [hbm4b:s1+s15], $0x80, s23, s15, $0xb8;
	[tilespmem:$0x1FF80] =	vst v63  }
0x4a: {  	_ =	swait.ge [sflag:s24], $0x2800  }
0x4b: {  	[sflag:s24] =	ssyncset.done $0x0  }
0x4c: {  	[sflag:s24] =	ssyncadd.s32 $0xFFFFD800  }
0x4d: {  	[spmem:s3] =	stream.indirect.scatter.add.f32 [tilespmem:s19], [sflag:$0x6], $0x80, s25, s15, $0xb8;
	[tilespmem:$0x1FF80] =	vst v63  }
0x4e: {  	_ =	swait.ge [sflag:s26], $0x2800  }
0x4f: {  	[sflag:s26] =	ssyncset.done $0x0  }
0x50: {  	[sflag:s26] =	ssyncadd.s32 $0xFFFFD800  }
0x51: {  	[tilespmem:s16], [sflag:$0x2] =	stream.indirect.gather [hbm4b:s1+s15], $0x80, s28, s15, $0xb8;
	[tilespmem:$0x1FF80] =	vst v63  }
0x52: {  	_ =	swait.ge [sflag:s17], $0x2800  }
0x53: {  	[sflag:s17] =	ssyncset.done $0x0  }
0x54: {  	s18 =	simm.s32 $0x2870;
	[sflag:s17] =	ssyncadd.s32 $0xFFFFD800  }
0x55: {  	[spmem:s3] =	stream.indirect.scatter.add.f32 [tilespmem:s10], [sflag:$0x4], $0x80, s18, s15, $0xb8;
	[tilespmem:$0x1FF80] =	vst v63  }
0x56: {  	_ =	swait.ge [sflag:s29], $0x2800  }
0x57: {  	[sflag:s29] =	ssyncset.done $0x0  }
0x58: {  	s0 =	simm.s32 $0x190;
	[sflag:s29] =	ssyncadd.s32 $0xFFFFD800  }
0x59: {  	[tilespmem:s19], [sflag:$0x3] =	stream.indirect.gather [hbm4b:s1+s15], $0x80, s0, s15, $0xb8;
	[tilespmem:$0x1FF80] =	vst v63  }
0x5a: {  	_ =	swait.ge [sflag:s20], $0x2800  }
0x5b: {  	[sflag:s20] =	ssyncset.done $0x0  }
0x5c: {  	s18 =	simm.s32 $0x28C0;
	[sflag:s20] =	ssyncadd.s32 $0xFFFFD800  }
0x5d: {  	[spmem:s3] =	stream.indirect.scatter.add.f32 [tilespmem:s16], [sflag:$0x5], $0x80, s18, s15, $0xb8;
	[tilespmem:$0x1FF80] =	vst v63  }
0x5e: {  	_ =	swait.ge [sflag:s22], $0x2800  }
0x5f: {  	[sflag:s22] =	ssyncset.done $0x0  }
0x60: {  	s0 =	simm.s32 $0x1E0;
	[sflag:s22] =	ssyncadd.s32 $0xFFFFD800  }
0x61: {  	[tilespmem:s10], [sflag:$0x1] =	stream.indirect.gather [hbm4b:s1+s15], $0x80, s0, s15, $0xb8;
	[tilespmem:$0x1FF80] =	vst v63  }
0x62: {  	_ =	swait.ge [sflag:s24], $0x2800  }
0x63: {  	[sflag:s24] =	ssyncset.done $0x0  }
0x64: {  	s18 =	simm.s32 $0x2910;
	[sflag:s24] =	ssyncadd.s32 $0xFFFFD800  }
0x65: {  	[spmem:s3] =	stream.indirect.scatter.add.f32 [tilespmem:s19], [sflag:$0x6], $0x80, s18, s15, $0xb8;
	[tilespmem:$0x1FF80] =	vst v63  }
0x66: {  	_ =	swait.ge [sflag:s26], $0x2800  }
0x67: {  	[sflag:s26] =	ssyncset.done $0x0  }
0x68: {  	s2 =	simm.s32 $0x3C0;
	s18 =	simm.s32 $0x230;
	[sflag:s26] =	ssyncadd.s32 $0xFFFFD800  }
.LBB2_8:
0x69: {  	[tilespmem:s16], [sflag:$0x2] =	stream.indirect.gather [hbm4b:s1+s15], $0x80, s18, s15, $0xb8;
	[tilespmem:$0x1FF80] =	vst v63  }
0x6a: {  	s18 =	smov.u32 s2  }
0x6b: {  	p1 =	sne.s32 s2, $0x9240;
	s2 =	sadd.s32 $0x3C0, s2;
	_ =	swait.ge [sflag:s17], $0x2800  }
0x6c: {  	s18 =	sshra.s32 s18, $0x2;
	[sflag:s17] =	ssyncset.done $0x0  }
0x6d: {  	s0 =	sadd.s32 $0x2870, s18;
	[sflag:s17] =	ssyncadd.s32 $0xFFFFD800  }
0x6e: {  	[spmem:s3] =	stream.indirect.scatter.add.f32 [tilespmem:s10], [sflag:$0x4], $0x80, s0, s15, $0xb8;
	[tilespmem:$0x1FF80] =	vst v63  }
0x6f: {  	_ =	swait.ge [sflag:s29], $0x2800  }
0x70: {  	[sflag:s29] =	ssyncset.done $0x0  }
0x71: {  	s0 =	sadd.s32 $0x190, s18;
	[sflag:s29] =	ssyncadd.s32 $0xFFFFD800  }
0x72: {  	[tilespmem:s19], [sflag:$0x3] =	stream.indirect.gather [hbm4b:s1+s15], $0x80, s0, s15, $0xb8;
	[tilespmem:$0x1FF80] =	vst v63  }
0x73: {  	_ =	swait.ge [sflag:s20], $0x2800  }
0x74: {  	[sflag:s20] =	ssyncset.done $0x0  }
0x75: {  	s0 =	sadd.s32 $0x28C0, s18;
	[sflag:s20] =	ssyncadd.s32 $0xFFFFD800  }
0x76: {  	[spmem:s3] =	stream.indirect.scatter.add.f32 [tilespmem:s16], [sflag:$0x5], $0x80, s0, s15, $0xb8;
	[tilespmem:$0x1FF80] =	vst v63  }
0x77: {  	_ =	swait.ge [sflag:s22], $0x2800  }
0x78: {  	[sflag:s22] =	ssyncset.done $0x0  }
0x79: {  	s0 =	sadd.s32 $0x1E0, s18;
	[sflag:s22] =	ssyncadd.s32 $0xFFFFD800  }
0x7a: {  	[tilespmem:s10], [sflag:$0x1] =	stream.indirect.gather [hbm4b:s1+s15], $0x80, s0, s15, $0xb8;
	[tilespmem:$0x1FF80] =	vst v63  }
0x7b: {  	_ =	swait.ge [sflag:s24], $0x2800  }
0x7c: {  	[sflag:s24] =	ssyncset.done $0x0  }
.Ltmp3:
0x7d: {  	s0 =	sadd.s32 $0x2910, s18;
	[sflag:s24] =	ssyncadd.s32 $0xFFFFD800;
	(pc) =	sbr.rel @p1 .LBB2_8-.Ltmp3, $4  }
0x7e: {  	[spmem:s3] =	stream.indirect.scatter.add.f32 [tilespmem:s19], [sflag:$0x6], $0x80, s0, s15, $0xb8;
	[tilespmem:$0x1FF80] =	vst v63  }
0x7f: {  	_ =	swait.ge [sflag:s26], $0x2800  }
0x80: {  	[sflag:s26] =	ssyncset.done $0x0  }
0x81: {  	s18 =	sadd.s32 $0x230, s18;
	[sflag:s26] =	ssyncadd.s32 $0xFFFFD800  }
0x82: {  	[tilespmem:s16], [sflag:$0x2] =	stream.indirect.gather [hbm4b:s1+s15], $0x80, s18, s15, $0xb8;
	[tilespmem:$0x1FF80] =	vst v63  }
0x83: {  	_ =	swait.ge [sflag:s17], $0x2800  }
0x84: {  	[sflag:s17] =	ssyncset.done $0x0  }
0x85: {  	[sflag:s17] =	ssyncadd.s32 $0xFFFFD800  }
0x86: {  	[spmem:s3] =	stream.indirect.scatter.add.f32 [tilespmem:s10], [sflag:$0x4], $0x80, s30, s15, $0xb8;
	[tilespmem:$0x1FF80] =	vst v63  }
0x87: {  	_ =	swait.ge [sflag:s29], $0x2800  }
0x88: {  	[sflag:s29] =	ssyncset.done $0x0  }
0x89: {  	[sflag:s29] =	ssyncadd.s32 $0xFFFFD800  }
0x8a: {  	_ =	swait.ge [sflag:s20], $0x2800  }
0x8b: {  	[sflag:s20] =	ssyncset.done $0x0  }
0x8c: {  	[sflag:s20] =	ssyncadd.s32 $0xFFFFD800  }
0x8d: {  	[spmem:s3] =	stream.indirect.scatter.add.f32 [tilespmem:s16], [sflag:$0x5], $0x80, s31, s15, $0xb8;
	[tilespmem:$0x1FF80] =	vst v63  }
0x8e: {  	_ =	swait.ge [sflag:s22], $0x2800  }
0x8f: {  	[sflag:s22] =	ssyncset.done $0x0  }
0x90: {  	[sflag:s22] =	ssyncadd.s32 $0xFFFFD800  }
0x91: {  	_ =	swait.ge [sflag:s26], $0x2800  }
0x92: {  	s0 =	stileid.u32;
	s2 =	sshrl.u32 @!p0 s8, $0x3;
	[sflag:s26] =	ssyncset.done $0x0  }
0x93: {  	s4 =	sadd.s32 $0x1, s4;
	s0 =	sshll.u32 @!p0 s0, $0x6;
	[sflag:s26] =	ssyncadd.s32 $0xFFFFD800  }
0x94: {  	p1 =	sne.s32 s4, s9;
	s0 =	sor.u32 @!p0 $0x1C07, s0;
	[bflag:$0x0] =	sbarrier.arrive $0xFFFF  }
0x95: {  	[hbm:s7], [sflag:s0] =	dma.local @!p0 [spmem:s2], $0x3E80  }
.Ltmp4:
0x96: {  	_ = 	snop;
	(pc) =	sbr.rel @p1 .LBB2_1-.Ltmp4, $4  }
0x97: {  	s0 =	simm.s32 @!p0 $0x7  }
0x98: {  	_ =	swait.ge @!p0 [sflag:s0], $0x3E80  }
0x99: {  	[sflag:s0] =	ssyncset.done @!p0 $0x0  }
0x9a: {  	[sflag:s0] =	ssyncadd.s32 @!p0 $0xFFFFC180  }
0x9b: {  	_ =	sfence.sel $0x180000  }
0x9c: {  	[bflag:$0x0] =	sbarrier.arrive $0xFFFF  }
0x9d: {  	_ =	strace $0x9000004A  }
0x9e: {  	s0 =	stileid.u32;
	[bflag:$0x2] =	sbarrier.arrive $0xFFFF  }
0x9f: {  	p0 =	sne.s32 s0, $0x0;
	s0 =	rddreg [dreg:$0x3]  }
0xa0: {  	s0 =	sadd.s32 @!p0 $0x100000, s0  }
0xa1: {  	[sflag:s0] =	ssyncadd.tile.s32 @!p0 $0x1;
	_ =	shalt  }
.Lfunc_end2:
_tile_overlayer_lowered:
.L_overlay_start_2:
0xa2: {  	(tag) =	ssettag $0x2  }
0xa3: {  	s0 =	rddreg [dreg:$0x0];
	s2 =	stileid.u32  }
0xa4: {  	s1 =	rddreg [dreg:$0x1];
	p0 =	sne.s32 s2, $0x0  }
0xa5: {  	s3 =	rddreg [dreg:$0x2];
	[bflag:$0x3] =	sbarrier.arrive $0xFFFF;
	s2 =	simm.s32 @!p0 $0x1C07  }
0xa6: {  	[timem:s3], [sflag:s2] =	dma.local @!p0 [hbm:s0], s1  }
0xa7: {  	s0 =	simm.s32 @!p0 $0x7  }
0xa8: {  	_ =	swait.ge @!p0 [sflag:s0], s1  }
0xa9: {  	s1 =	ssub.s32 @!p0 $0x0, s1;
	[sflag:s0] =	ssyncset.done @!p0 $0x0  }
0xaa: {  	[sflag:s0] =	ssyncadd.s32 @!p0 s1  }
0xab: {  	[bflag:$0x3] =	sbarrier.arrive $0xFFFF  }
0xac: {  	_ =	shalt  }

// kernel: kernel.14.cloned.1.call-start
scs
__scs_entry_jumppad:
0x0: {  	(pc) =	sbr.rel $0x88, $3  }
0x1: {  	(tag) =	ssettag $0x0;
	lr =	simm.s32 $0x1  }
0x2: {  	[smem:$0x3F9B] =	sst lr;
	_ =	strace $0xD0000000  }
0x3: {  	_ = 	snop  }
0x4: {  	_ = 	snop  }
0x5: {  	_ = 	snop  }
0x6: {  	_ = 	snop  }
0x7: {  	_ = 	snop  }
__scs_overlays_trampoline_lowered:
0x8: {  	[smem:$0x3FAA] =	sst s0  }
0x9: {  	[smem:$0x3FAB] =	sst s1  }
0xa: {  	[smem:$0x3FAC] =	sst s2  }
0xb: {  	[smem:$0x3FAD] =	sst s3  }
0xc: {  	[smem:$0x3FAE] =	sst s4  }
0xd: {  	[smem:$0x3FAF] =	sst s5  }
0xe: {  	[smem:$0x3FB0] =	sst s6  }
0xf: {  	[smem:$0x3FB1] =	sst s7  }
0x10: {  	[smem:$0x3FB2] =	sst s8  }
0x11: {  	[smem:$0x3FB3] =	sst s9;
	s0 =	simm.s32 @!p0 $0x0  }
0x12: {  	s1 =	sld [smem:$0x3F99];
	s0 =	simm.s32 @p0 $0x1  }
0x13: {  	[smem:$0x3FB4] =	sst s0;
	s0 =	simm.s32 @!p1 $0x0  }
0x14: {  	s2 =	sld [smem:$0x3F98];
	s0 =	simm.s32 @p1 $0x1  }
0x15: {  	[smem:$0x3FB5] =	sst s0;
	s0 =	simm.s32 @!p2 $0x0  }
0x16: {  	s3 =	sld [smem:$0x3FDB];
	s0 =	simm.s32 @p2 $0x1  }
0x17: {  	s4 =	simm.s32 $0x1BF5;
	[smem:$0x3FB7] =	sst s0  }
0x18: {  	s0 =	sld [smem:$0x3F9A];
	_ =	swait.ge [sflag:s4], $0x0  }
0x19: {  	s7 =	sld [smem:$0x3F9B]  }
0x1a: {  	s8 =	sadd.s32 $0xFFFFE003, lr  }
0x1b: {  	s9 =	sadd.s32 $0xFFFFFEF7, lr;
	s5 =	simm.s32 $0xFFFFFFFF;
	p2 =	slt.u32 s8, $0xFFFFF086  }
0x1c: {  	p1 =	slt.u32 s9, $0xF7A;
	s5 =	simm.s32 @!p2 $0x0  }
0x1d: {  	s5 =	simm.s32 @p1 $0x1;
	p0 =	seq.s32 s7, s2  }
0x1e: {  	s7 =	smul.u32 @!p0 $0xF7A, s2;
	p2 =	seq.s32 @!p0 s5, $0x0  }
0x1f: {  	s9 =	smul.u32 $0xF7A, s1;
	s8 =	simm.s32 @!p0 $0x1BF5;
	p2 =	por !p2, p0  }
0x20: {  	[sflag:s8] =	ssyncset.s32 @!p0 $0xFFFFF086;
	s6 =	sadd.s32 @!p0 s3, s7;
	s7 =	simm.s32 @!p0 $0x108  }
0x21: {  	s3 =	sadd.s32 s3, s9;
	s6 =	sadd.s32 @!p0 $0x88, s6;
	s7 =	simm.s32 @p2 $0x1082  }
0x22: {  	[simem:s7], [sflag:s8] =	dma.local @!p0 [hbm:s6], $0xF7A  }
0x23: {  	s9 =	sor.u32 $0xD0000000, s2;
	s6 =	simm.s32 $0x108;
	_ =	swait.ge @!p0 [sflag:s8], $0x0  }
0x24: {  	s3 =	sadd.s32 $0x88, s3;
	s6 =	simm.s32 @!p1 $0x1082;
	[sflag:s4] =	ssyncset.s32 $0xFFFFF086  }
0x25: {  	[simem:s6], [sflag:s4] =	dma.local [hbm:s3], $0xF7A  }
0x26: {  	[smem:$0x3F9B] =	sst s1;
	(tag) =	ssettag s2;
	_ =	strace s9  }
0x27: {  	s1 =	sld [smem:$0x3FAB]  }
0x28: {  	s2 =	sld [smem:$0x3FAC]  }
0x29: {  	s4 =	sld [smem:$0x3FAE]  }
0x2a: {  	p0 =	seq.s32 s5, $0x0;
	s5 =	sld [smem:$0x3FAF]  }
0x2b: {  	s6 =	sld [smem:$0x3FB0]  }
0x2c: {  	s7 =	sld [smem:$0x3FB1]  }
0x2d: {  	s3 =	simm.s32 $0x108;
	s8 =	sld [smem:$0x3FB2]  }
0x2e: {  	s3 =	simm.s32 @!p0 $0x1082;
	s9 =	sld [smem:$0x3FB3]  }
0x2f: {  	lr =	sadd.s32 s0, s3;
	s0 =	sld [smem:$0x3FAA]  }
0x30: {  	s3 =	sld [smem:$0x3FAD]  }
0x31: {  	[smem:$0x3FB6] =	sst s10  }
0x32: {  	s10 =	sld [smem:$0x3FB4];
	_ =	sdelay $0x3  }
0x33: {  	p0 =	seq.s32 s10, $0x1;
	s10 =	sld [smem:$0x3FB6];
	_ =	sdelay $0x3  }
0x34: {  	[smem:$0x3FB6] =	sst s10  }
0x35: {  	s10 =	sld [smem:$0x3FB5];
	_ =	sdelay $0x3  }
0x36: {  	p1 =	seq.s32 s10, $0x1;
	s10 =	sld [smem:$0x3FB6];
	_ =	sdelay $0x3  }
0x37: {  	[smem:$0x3FB6] =	sst s10  }
0x38: {  	s10 =	sld [smem:$0x3FB7]  }
0x39: {  	_ = 	snop;
	(pc) =	sbr.ind lr, $3  }
0x3a: {  	_ = 	snop  }
0x3b: {  	_ = 	snop  }
0x3c: {  	p2 =	seq.s32 s10, $0x1;
	s10 =	sld [smem:$0x3FB6]  }
0x3d: {  	_ =	shalt  }
0x3e: {  	_ =	shalt  }
0x3f: {  	_ =	shalt  }
0x40: {  	_ =	shalt  }
0x41: {  	_ =	shalt  }
0x42: {  	_ =	shalt  }
0x43: {  	_ =	shalt  }
0x44: {  	_ =	shalt  }
0x45: {  	_ =	shalt  }
0x46: {  	_ =	shalt  }
0x47: {  	_ =	shalt  }
0x48: {  	_ =	shalt  }
0x49: {  	_ =	shalt  }
0x4a: {  	_ =	shalt  }
0x4b: {  	_ =	shalt  }
0x4c: {  	_ =	shalt  }
0x4d: {  	_ =	shalt  }
0x4e: {  	_ =	shalt  }
0x4f: {  	_ =	shalt  }
0x50: {  	_ =	shalt  }
0x51: {  	_ =	shalt  }
0x52: {  	_ =	shalt  }
0x53: {  	_ =	shalt  }
0x54: {  	_ =	shalt  }
0x55: {  	_ =	shalt  }
0x56: {  	_ =	shalt  }
0x57: {  	_ =	shalt  }
0x58: {  	_ =	shalt  }
0x59: {  	_ =	shalt  }
0x5a: {  	_ =	shalt  }
0x5b: {  	_ =	shalt  }
0x5c: {  	_ =	shalt  }
0x5d: {  	_ =	shalt  }
0x5e: {  	_ =	shalt  }
0x5f: {  	_ =	shalt  }
0x60: {  	_ =	shalt  }
0x61: {  	_ =	shalt  }
0x62: {  	_ =	shalt  }
0x63: {  	_ =	shalt  }
0x64: {  	_ =	shalt  }
0x65: {  	_ =	shalt  }
0x66: {  	_ =	shalt  }
0x67: {  	_ =	shalt  }
0x68: {  	_ =	shalt  }
0x69: {  	_ =	shalt  }
0x6a: {  	_ =	shalt  }
0x6b: {  	_ =	shalt  }
0x6c: {  	_ =	shalt  }
0x6d: {  	_ =	shalt  }
0x6e: {  	_ =	shalt  }
0x6f: {  	_ =	shalt  }
0x70: {  	_ =	shalt  }
0x71: {  	_ =	shalt  }
0x72: {  	_ =	shalt  }
0x73: {  	_ =	shalt  }
0x74: {  	_ =	shalt  }
0x75: {  	_ =	shalt  }
0x76: {  	_ =	shalt  }
0x77: {  	_ =	shalt  }
0x78: {  	_ =	shalt  }
0x79: {  	_ =	shalt  }
0x7a: {  	_ =	shalt  }
0x7b: {  	_ =	shalt  }
0x7c: {  	_ =	shalt  }
0x7d: {  	_ =	shalt  }
0x7e: {  	_ =	shalt  }
0x7f: {  	_ =	shalt  }
0x80: {  	_ =	shalt  }
0x81: {  	_ =	shalt  }
0x82: {  	_ =	shalt  }
0x83: {  	_ =	shalt  }
0x84: {  	_ =	shalt  }
0x85: {  	_ =	shalt  }
0x86: {  	_ =	shalt  }
0x87: {  	_ =	shalt  }
.Lfunc_end0:
.L_simem_size_0:
called_computation.2_lowered:
.L_overlay_start_0:
0x88: {  	s2 =	sld [smem:$0x3FD9]  }
0x89: {  	s3 =	sld [smem:$0x3FFE];
	_ =	sdelay $0x1  }
0x8a: {  	s1 =	srdreg.scid  }
0x8b: {  	s0 =	sand.u32 $0x1, s1  }
0x8c: {  	s17 =	sshll.u32 s0, $0xA;
	s2 =	sadd.s32 s3, s2  }
0x8d: {  	s2 =	sadd.s32 s2, s17  }
0x8e: {  	[smem:$0x3FC2] =	sst s2  }
0x8f: {  	_ = 	snop  }
0x90: {  	s2 =	sld [smem:$0x3FD0];
	(tm) =	ssettm $0x1  }
0x91: {  	s18 =	sld [smem:$0x3FFB];
	_ =	sdelay $0x3  }
0x92: {  	_ =	strace s18  }
0x93: {  	s3 =	sld [smem:$0x3FFC];
	_ =	sdelay $0x3  }
0x94: {  	_ =	strace s3  }
0x95: {  	s3 =	sld [smem:$0x3FFD];
	_ =	sdelay $0x3  }
0x96: {  	_ =	strace s3  }
0x97: {  	_ =	strace $0x8FFFFFFF  }
0x98: {  	s19 =	sld [smem:$0x3FDB];
	_ =	sdelay $0x1  }
0x99: {  	s4 =	simm.s32 $_scs_section_size  }
0x9a: {  	s5 =	simm.s32 $_size__tile_overlayer_lowered;
	s6 =	simm.s32 $_tile_overlayer_lowered  }
0x9b: {  	s22 =	simm.s32 $0x1BFF;
	s21 =	sshll.u32 s6, $0x1;
	s3 =	sadd.s32 s4, s19  }
0x9c: {  	s7 =	simm.s32 $0x0;
	s20 =	sshll.u32 s5, $0x1;
	s5 =	sadd.s32 s21, s3  }
0x9d: {  	[timem:s7], [sflag:s22] =	dma.local [hbm:s5], s20  }
0x9e: {  	_ =	swait.ge [sflag:s22], s20  }
0x9f: {  	s4 =	ssub.s32 $0x0, s20;
	[sflag:s22] =	ssyncset.done $0x0  }
0xa0: {  	[sflag:s22] =	ssyncadd.s32 s4;
	_ =	sdelay $0x1  }
0xa1: {  	s23 =	simm.s32 $0x1B8B  }
0xa2: {  	_ =	swait.ge [sflag:s23], $0x1  }
0xa3: {  	[sflag:s23] =	ssyncset.done $0x0  }
0xa4: {  	s25 =	simm.s32 $0x1B8E;
	s24 =	sld [smem:$0x3FFE];
	[sflag:s23] =	ssyncadd.s32 $0xFFFFFFFF  }
0xa5: {  	s26 =	simm.s32 $execute0_lowered;
	[smem:$0x3FD2] =	sst s25  }
0xa6: {  	s5 =	sshll.u32 s26, $0x1;
	_ =	strace $0x8000004C;
	[dreg:$0x1] =	wrdreg $0xFFFFFFFF  }
0xa7: {  	s28 =	simm.s32 $_size_execute0_lowered;
	s3 =	sadd.s32 s3, s5;
	[dreg:$0x0] =	wrdreg $0x0  }
0xa8: {  	s5 =	sshll.u32 s28, $0x1;
	[dreg:$0x2] =	wrdreg s3  }
0xa9: {  	[dreg:$0x3] =	wrdreg s5  }
0xaa: {  	[dreg:$0x4] =	wrdreg $0xC0  }
0xab: {  	_ =	task [dreg:s7], $0x5FFFF  }
0xac: {  	[dreg:$0x1] =	wrdreg $0xFFFFFFFF  }
0xad: {  	[dreg:$0x0] =	wrdreg $0x60  }
0xae: {  	[dreg:$0x2] =	wrdreg s2  }
0xaf: {  	[dreg:$0x3] =	wrdreg s24  }
0xb0: {  	[dreg:$0x4] =	wrdreg $0xC7000  }
0xb1: {  	[dreg:$0x5] =	wrdreg $0x9  }
0xb2: {  	_ =	task.clear_ibuf [dreg:s7], $0x6FFFF;
	_ =	strace $0x9000004C  }
0xb3: {  	s29 =	simm.s32 $0x9;
	_ =	strace $0x8000004E  }
0xb4: {  	_ =	swait.ge [sflag:s29], $0x1  }
0xb5: {  	[sflag:s29] =	ssyncadd.s32 $0xFFFFFFFF  }
0xb6: {  	_ =	strace $0x9000004E  }
0xb7: {  	_ =	sfence  }
0xb8: {  	s30 =	sld [smem:$0x0];
	_ =	sdelay $0x2  }
0xb9: {  	s31 =	sshll.u32 s1, $0xD;
	s1 =	sshrl.u32 s1, $0x2  }
0xba: {  	s3 =	sand.u32 $0x4000, s31;
	s1 =	sadd.s32 s1, s30  }
0xbb: {  	s0 =	sor.u32 s3, s0;
	s1 =	sshll.u32 s1, $0x11  }
0xbc: {  	s0 =	sor.u32 s1, s0  }
0xbd: {  	s0 =	sadd.s32 $0x8F2B, s0  }
0xbe: {  	[sflag:s0] =	ssyncadd.remote.s32 $0x1  }
0xbf: {  	_ =	sfence.sel $0xFFFF  }
0xc0: {  	[dreg:$0x0] =	wrdreg $0xFFFFFFFF;
	(pc) =	sbr.abs _section_cstart, $3  }
0xc1: {  	[dreg:$0x1] =	wrdreg $0xFFFFFFFF  }
0xc2: {  	_ =	task.clear_ibuf [dreg:s7], $0x2FFFF;
	_ =	strace $0x9FFFFFFF  }
0xc3: {  	(tm) =	ssettm $0x7FFFFFFF  }
tec
execute0_lowered:
.L_overlay_start_1:
0x0: {  	(tag) =	ssettag $0x1  }
0x1: {  	s0 =	srdreg.scid  }
0x2: {  	s1 =	rddreg [dreg:$0x0];
	s23 =	stileid.u32  }
0x3: {  	s5 =	rddreg [dreg:$0x1];
	s10 =	simm.s32 $0x4F00;
	s11 =	simm.s32 $0x7  }
0x4: {  	s12 =	simm.s32 $0x80;
	s13 =	simm.s32 $0x400;
	s14 =	simm.s32 $0x2780  }
0x5: {  	s15 =	simm.s32 $0x50;
	s16 =	simm.s32 $0x7700;
	s17 =	simm.s32 $0x1  }
0x6: {  	s19 =	simm.s32 $0x9F00;
	s20 =	simm.s32 $0x2;
	s21 =	simm.s32 $0x27D0  }
0x7: {  	s22 =	simm.s32 $0x4;
	s28 =	simm.s32 $0x140;
	s29 =	simm.s32 $0x6  }
0x8: {  	s30 =	simm.s32 $0x4DF0;
	s31 =	simm.s32 $0x4E40;
	s24 =	smul.u32 $0x1F400, s23  }
0x9: {  	s2 =	sand.u32 $0x1, s0;
	s7 =	sshll.u32 s23, $0x7;
	s9 =	smul.u32 $0x7D000, s23  }
0xa: {  	p0 =	sgt.u32 s23, $0x9;
	s3 =	sshll.u32 s2, $0x4;
	s7 =	sand.u32 $0x380, s7  }
0xb: {  	s8 =	smul.u32 $0x138800, s2;
	s2 =	ssub.s32 $0x2, s2;
	s4 =	sor.u32 s23, s3  }
0xc: {  	s3 =	rddreg [dreg:$0x2];
	s25 =	sshrl.u32 s2, $0x1;
	s4 =	sshrl.u32 s4, $0x3  }
0xd: {  	s26 =	sshrl.u32 s9, $0x2;
	s23 =	simm.s32 $0xF0;
	s6 =	smul.u32 $0x13C00, s4  }
0xe: {  	s2 =	ssub.s32 s2, s25;
	s25 =	simm.s32 $0x2820;
	s4 =	simm.s32 $0x0  }
0xf: {  	s9 =	smax.u32 s2, $0x1;
	[smem:$0x7FF] =	sst s4;
	s6 =	sor.u32 s7, s6  }
0x10: {  	_ =	strace $0x8000004D;
	s7 =	sadd.s32 s24, s8;
	s8 =	sadd.s32 s26, s3  }
0x11: {  	s24 =	simm.s32 $0x3;
	s6 =	sshrl.u32 s6, $0x3;
	s7 =	sshrl.u32 s7, $0x3  }
0x12: {  	s26 =	simm.s32 $0x5;
	s6 =	sadd.s32 s6, s5;
	s7 =	sadd.s32 s7, s5  }
0x13: {  	v0 =	vimm.f32 $0.0e+00;
	s5 =	sadd.s32 $0x2C00, s6;
	s6 =	sadd.s32 $0xCA00, s6;
	s7 =	sadd.s32 $0x16800, s7  }
.LBB2_1:
0x14: {  	s2 =	simm.s32 $0x0;
	s18 =	simm.s32 $0x200  }
.LBB2_2:
0x15: {  	p1 =	sne.s32 s18, $0x4E00;
	[tilespmem:s2+$0x4F70] =	vst v0  }
0x16: {  	[tilespmem:s2+$0x4F00] =	vst v0  }
0x17: {  	[tilespmem:s2+$0x4F10] =	vst v0  }
.Ltmp0:
0x18: {  	[tilespmem:s2+$0x4F20] =	vst v0;
	(pc) =	sbr.rel @p1 .LBB2_2-.Ltmp0, $4  }
0x19: {  	[tilespmem:s2+$0x4F30] =	vst v0  }
0x1a: {  	[tilespmem:s2+$0x4F40] =	vst v0  }
0x1b: {  	[tilespmem:s2+$0x4F50] =	vst v0  }
0x1c: {  	[tilespmem:s2+$0x4F60] =	vst v0;
	s2 =	sshra.s32 s18, $0x2;
	s18 =	sadd.s32 $0x200, s18  }
0x1d: {  	[tilespmem:s2+$0x4F70] =	vst v0  }
0x1e: {  	[tilespmem:s2+$0x4F00] =	vst v0  }
0x1f: {  	[tilespmem:s2+$0x4F10] =	vst v0  }
.Ltmp1:
0x20: {  	[tilespmem:s2+$0x4F20] =	vst v0;
	(pc) =	sbr.rel @p0 .LBB2_7-.Ltmp1, $4  }
0x21: {  	[tilespmem:s2+$0x4F30] =	vst v0  }
0x22: {  	[tilespmem:s2+$0x4F40] =	vst v0  }
0x23: {  	[tilespmem:s2+$0x4F50] =	vst v0  }
0x24: {  	[tilespmem:s2+$0x4F60] =	vst v0  }
0x25: {  	s2 =	sadd.s32 $0x0, s8  }
0x26: {  	[spmem:s2] =	stream.linear.scatter [tilespmem:s10], [sflag:$0x7], $0x1400, $0x38;
	[tilespmem:$0x1FF80] =	vst v63  }
0x27: {  	s2 =	simm.s32 $0x5000;
	_ =	swait.ge [sflag:s11], $0x1400  }
.LBB2_5:
0x28: {  	s18 =	sshra.s32 s2, $0x2;
	[sflag:s11] =	ssyncset.done $0x0;
	p1 =	sne.s32 s2, $0x78000  }
.Ltmp2:
0x29: {  	s18 =	sadd.s32 s18, s8;
	[sflag:s11] =	ssyncadd.s32 $0xFFFFEC00;
	(pc) =	sbr.rel @p1 .LBB2_5-.Ltmp2, $3  }
0x2a: {  	[spmem:s18] =	stream.linear.scatter [tilespmem:s10], [sflag:$0x7], $0x1400, $0x38;
	[tilespmem:$0x1FF80] =	vst v63  }
0x2b: {  	s2 =	sadd.s32 $0x5000, s2;
	_ =	sdelay $0x1  }
0x2c: {  	_ =	swait.ge [sflag:s11], $0x1400  }
0x2d: {  	[sflag:s11] =	ssyncset.done $0x0  }
0x2e: {  	[sflag:s11] =	ssyncadd.s32 $0xFFFFEC00  }
.LBB2_7:
0x2f: {  	s2 =	simm.s32 $0x0  }
0x30: {  	[tilespmem:s2], [sflag:$0x7] =	stream.strided.gather [hbm4b:s5+s12], $0x2780, s13, s12, $0x38;
	[tilespmem:$0x1FF80] =	vst v63  }
0x31: {  	_ =	swait.ge [sflag:s11], $0x2780  }
0x32: {  	[sflag:s11] =	ssyncset.done $0x0  }
0x33: {  	[sflag:s11] =	ssyncadd.s32 $0xFFFFD880  }
0x34: {  	[tilespmem:s14], [sflag:$0x7] =	stream.strided.gather [hbm4b:s6+s12], $0x2780, s13, s12, $0x38;
	[tilespmem:$0x1FF80] =	vst v63  }
0x35: {  	_ =	swait.ge [sflag:s11], $0x2780  }
0x36: {  	[sflag:s11] =	ssyncset.done $0x0  }
0x37: {  	[sflag:s11] =	ssyncadd.s32 $0xFFFFD880  }
0x38: {  	[bflag:$0x0] =	sbarrier.arrive $0xFFFF  }
0x39: {  	[tilespmem:s10], [sflag:$0x1] =	stream.indirect.gather [hbm4b:s1+s15], $0x80, s2, s15, $0xb8;
	[tilespmem:$0x1FF80] =	vst v63  }
0x3a: {  	_ = 	snop  }
0x3b: {  	[tilespmem:s16], [sflag:$0x2] =	stream.indirect.gather [hbm4b:s1+s15], $0x80, s15, s15, $0xb8;
	[tilespmem:$0x1FF80] =	vst v63  }
0x3c: {  	_ =	swait.ge [sflag:s17], $0x2800  }
0x3d: {  	[sflag:s17] =	ssyncset.done $0x0  }
0x3e: {  	[sflag:s17] =	ssyncadd.s32 $0xFFFFD800  }
0x3f: {  	[spmem:s3] =	stream.indirect.scatter.add.f32 [tilespmem:s10], [sflag:$0x4], $0x80, s14, s15, $0xb8;
	[tilespmem:$0x1FF80] =	vst v63  }
0x40: {  	s0 =	simm.s32 $0xA0  }
0x41: {  	[tilespmem:s19], [sflag:$0x3] =	stream.indirect.gather [hbm4b:s1+s15], $0x80, s0, s15, $0xb8;
	[tilespmem:$0x1FF80] =	vst v63  }
0x42: {  	_ =	swait.ge [sflag:s20], $0x2800  }
0x43: {  	[sflag:s20] =	ssyncset.done $0x0  }
0x44: {  	[sflag:s20] =	ssyncadd.s32 $0xFFFFD800  }
0x45: {  	[spmem:s3] =	stream.indirect.scatter.add.f32 [tilespmem:s16], [sflag:$0x5], $0x80, s21, s15, $0xb8;
	[tilespmem:$0x1FF80] =	vst v63  }
0x46: {  	_ =	swait.ge [sflag:s22], $0x2800  }
0x47: {  	[sflag:s22] =	ssyncset.done $0x0  }
0x48: {  	[sflag:s22] =	ssyncadd.s32 $0xFFFFD800  }
0x49: {  	[tilespmem:s10], [sflag:$0x1] =	stream.indirect.gather [hbm4b:s1+s15], $0x80, s23, s15, $0xb8;
	[tilespmem:$0x1FF80] =	vst v63  }
0x4a: {  	_ =	swait.ge [sflag:s24], $0x2800  }
0x4b: {  	[sflag:s24] =	ssyncset.done $0x0  }
0x4c: {  	[sflag:s24] =	ssyncadd.s32 $0xFFFFD800  }
0x4d: {  	[spmem:s3] =	stream.indirect.scatter.add.f32 [tilespmem:s19], [sflag:$0x6], $0x80, s25, s15, $0xb8;
	[tilespmem:$0x1FF80] =	vst v63  }
0x4e: {  	_ =	swait.ge [sflag:s26], $0x2800  }
0x4f: {  	[sflag:s26] =	ssyncset.done $0x0  }
0x50: {  	[sflag:s26] =	ssyncadd.s32 $0xFFFFD800  }
0x51: {  	[tilespmem:s16], [sflag:$0x2] =	stream.indirect.gather [hbm4b:s1+s15], $0x80, s28, s15, $0xb8;
	[tilespmem:$0x1FF80] =	vst v63  }
0x52: {  	_ =	swait.ge [sflag:s17], $0x2800  }
0x53: {  	[sflag:s17] =	ssyncset.done $0x0  }
0x54: {  	s18 =	simm.s32 $0x2870;
	[sflag:s17] =	ssyncadd.s32 $0xFFFFD800  }
0x55: {  	[spmem:s3] =	stream.indirect.scatter.add.f32 [tilespmem:s10], [sflag:$0x4], $0x80, s18, s15, $0xb8;
	[tilespmem:$0x1FF80] =	vst v63  }
0x56: {  	_ =	swait.ge [sflag:s29], $0x2800  }
0x57: {  	[sflag:s29] =	ssyncset.done $0x0  }
0x58: {  	s0 =	simm.s32 $0x190;
	[sflag:s29] =	ssyncadd.s32 $0xFFFFD800  }
0x59: {  	[tilespmem:s19], [sflag:$0x3] =	stream.indirect.gather [hbm4b:s1+s15], $0x80, s0, s15, $0xb8;
	[tilespmem:$0x1FF80] =	vst v63  }
0x5a: {  	_ =	swait.ge [sflag:s20], $0x2800  }
0x5b: {  	[sflag:s20] =	ssyncset.done $0x0  }
0x5c: {  	s18 =	simm.s32 $0x28C0;
	[sflag:s20] =	ssyncadd.s32 $0xFFFFD800  }
0x5d: {  	[spmem:s3] =	stream.indirect.scatter.add.f32 [tilespmem:s16], [sflag:$0x5], $0x80, s18, s15, $0xb8;
	[tilespmem:$0x1FF80] =	vst v63  }
0x5e: {  	_ =	swait.ge [sflag:s22], $0x2800  }
0x5f: {  	[sflag:s22] =	ssyncset.done $0x0  }
0x60: {  	s0 =	simm.s32 $0x1E0;
	[sflag:s22] =	ssyncadd.s32 $0xFFFFD800  }
0x61: {  	[tilespmem:s10], [sflag:$0x1] =	stream.indirect.gather [hbm4b:s1+s15], $0x80, s0, s15, $0xb8;
	[tilespmem:$0x1FF80] =	vst v63  }
0x62: {  	_ =	swait.ge [sflag:s24], $0x2800  }
0x63: {  	[sflag:s24] =	ssyncset.done $0x0  }
0x64: {  	s18 =	simm.s32 $0x2910;
	[sflag:s24] =	ssyncadd.s32 $0xFFFFD800  }
0x65: {  	[spmem:s3] =	stream.indirect.scatter.add.f32 [tilespmem:s19], [sflag:$0x6], $0x80, s18, s15, $0xb8;
	[tilespmem:$0x1FF80] =	vst v63  }
0x66: {  	_ =	swait.ge [sflag:s26], $0x2800  }
0x67: {  	[sflag:s26] =	ssyncset.done $0x0  }
0x68: {  	s2 =	simm.s32 $0x3C0;
	s18 =	simm.s32 $0x230;
	[sflag:s26] =	ssyncadd.s32 $0xFFFFD800  }
.LBB2_8:
0x69: {  	[tilespmem:s16], [sflag:$0x2] =	stream.indirect.gather [hbm4b:s1+s15], $0x80, s18, s15, $0xb8;
	[tilespmem:$0x1FF80] =	vst v63  }
0x6a: {  	s18 =	smov.u32 s2  }
0x6b: {  	p1 =	sne.s32 s2, $0x9240;
	s2 =	sadd.s32 $0x3C0, s2;
	_ =	swait.ge [sflag:s17], $0x2800  }
0x6c: {  	s18 =	sshra.s32 s18, $0x2;
	[sflag:s17] =	ssyncset.done $0x0  }
0x6d: {  	s0 =	sadd.s32 $0x2870, s18;
	[sflag:s17] =	ssyncadd.s32 $0xFFFFD800  }
0x6e: {  	[spmem:s3] =	stream.indirect.scatter.add.f32 [tilespmem:s10], [sflag:$0x4], $0x80, s0, s15, $0xb8;
	[tilespmem:$0x1FF80] =	vst v63  }
0x6f: {  	_ =	swait.ge [sflag:s29], $0x2800  }
0x70: {  	[sflag:s29] =	ssyncset.done $0x0  }
0x71: {  	s0 =	sadd.s32 $0x190, s18;
	[sflag:s29] =	ssyncadd.s32 $0xFFFFD800  }
0x72: {  	[tilespmem:s19], [sflag:$0x3] =	stream.indirect.gather [hbm4b:s1+s15], $0x80, s0, s15, $0xb8;
	[tilespmem:$0x1FF80] =	vst v63  }
0x73: {  	_ =	swait.ge [sflag:s20], $0x2800  }
0x74: {  	[sflag:s20] =	ssyncset.done $0x0  }
0x75: {  	s0 =	sadd.s32 $0x28C0, s18;
	[sflag:s20] =	ssyncadd.s32 $0xFFFFD800  }
0x76: {  	[spmem:s3] =	stream.indirect.scatter.add.f32 [tilespmem:s16], [sflag:$0x5], $0x80, s0, s15, $0xb8;
	[tilespmem:$0x1FF80] =	vst v63  }
0x77: {  	_ =	swait.ge [sflag:s22], $0x2800  }
0x78: {  	[sflag:s22] =	ssyncset.done $0x0  }
0x79: {  	s0 =	sadd.s32 $0x1E0, s18;
	[sflag:s22] =	ssyncadd.s32 $0xFFFFD800  }
0x7a: {  	[tilespmem:s10], [sflag:$0x1] =	stream.indirect.gather [hbm4b:s1+s15], $0x80, s0, s15, $0xb8;
	[tilespmem:$0x1FF80] =	vst v63  }
0x7b: {  	_ =	swait.ge [sflag:s24], $0x2800  }
0x7c: {  	[sflag:s24] =	ssyncset.done $0x0  }
.Ltmp3:
0x7d: {  	s0 =	sadd.s32 $0x2910, s18;
	[sflag:s24] =	ssyncadd.s32 $0xFFFFD800;
	(pc) =	sbr.rel @p1 .LBB2_8-.Ltmp3, $4  }
0x7e: {  	[spmem:s3] =	stream.indirect.scatter.add.f32 [tilespmem:s19], [sflag:$0x6], $0x80, s0, s15, $0xb8;
	[tilespmem:$0x1FF80] =	vst v63  }
0x7f: {  	_ =	swait.ge [sflag:s26], $0x2800  }
0x80: {  	[sflag:s26] =	ssyncset.done $0x0  }
0x81: {  	s18 =	sadd.s32 $0x230, s18;
	[sflag:s26] =	ssyncadd.s32 $0xFFFFD800  }
0x82: {  	[tilespmem:s16], [sflag:$0x2] =	stream.indirect.gather [hbm4b:s1+s15], $0x80, s18, s15, $0xb8;
	[tilespmem:$0x1FF80] =	vst v63  }
0x83: {  	_ =	swait.ge [sflag:s17], $0x2800  }
0x84: {  	[sflag:s17] =	ssyncset.done $0x0  }
0x85: {  	[sflag:s17] =	ssyncadd.s32 $0xFFFFD800  }
0x86: {  	[spmem:s3] =	stream.indirect.scatter.add.f32 [tilespmem:s10], [sflag:$0x4], $0x80, s30, s15, $0xb8;
	[tilespmem:$0x1FF80] =	vst v63  }
0x87: {  	_ =	swait.ge [sflag:s29], $0x2800  }
0x88: {  	[sflag:s29] =	ssyncset.done $0x0  }
0x89: {  	[sflag:s29] =	ssyncadd.s32 $0xFFFFD800  }
0x8a: {  	_ =	swait.ge [sflag:s20], $0x2800  }
0x8b: {  	[sflag:s20] =	ssyncset.done $0x0  }
0x8c: {  	[sflag:s20] =	ssyncadd.s32 $0xFFFFD800  }
0x8d: {  	[spmem:s3] =	stream.indirect.scatter.add.f32 [tilespmem:s16], [sflag:$0x5], $0x80, s31, s15, $0xb8;
	[tilespmem:$0x1FF80] =	vst v63  }
0x8e: {  	_ =	swait.ge [sflag:s22], $0x2800  }
0x8f: {  	[sflag:s22] =	ssyncset.done $0x0  }
0x90: {  	[sflag:s22] =	ssyncadd.s32 $0xFFFFD800  }
0x91: {  	_ =	swait.ge [sflag:s26], $0x2800  }
0x92: {  	s0 =	stileid.u32;
	s2 =	sshrl.u32 @!p0 s8, $0x3;
	[sflag:s26] =	ssyncset.done $0x0  }
0x93: {  	s4 =	sadd.s32 $0x1, s4;
	s0 =	sshll.u32 @!p0 s0, $0x6;
	[sflag:s26] =	ssyncadd.s32 $0xFFFFD800  }
0x94: {  	p1 =	sne.s32 s4, s9;
	s0 =	sor.u32 @!p0 $0x1C07, s0;
	[bflag:$0x0] =	sbarrier.arrive $0xFFFF  }
0x95: {  	[hbm:s7], [sflag:s0] =	dma.local @!p0 [spmem:s2], $0x3E80  }
.Ltmp4:
0x96: {  	_ = 	snop;
	(pc) =	sbr.rel @p1 .LBB2_1-.Ltmp4, $4  }
0x97: {  	s0 =	simm.s32 @!p0 $0x7  }
0x98: {  	_ =	swait.ge @!p0 [sflag:s0], $0x3E80  }
0x99: {  	[sflag:s0] =	ssyncset.done @!p0 $0x0  }
0x9a: {  	[sflag:s0] =	ssyncadd.s32 @!p0 $0xFFFFC180  }
0x9b: {  	_ =	sfence.sel $0x180000  }
0x9c: {  	[bflag:$0x0] =	sbarrier.arrive $0xFFFF  }
0x9d: {  	_ =	strace $0x9000004D  }
0x9e: {  	s0 =	stileid.u32;
	[bflag:$0x2] =	sbarrier.arrive $0xFFFF  }
0x9f: {  	p0 =	sne.s32 s0, $0x0;
	s0 =	rddreg [dreg:$0x3]  }
0xa0: {  	s0 =	sadd.s32 @!p0 $0x100000, s0  }
0xa1: {  	[sflag:s0] =	ssyncadd.tile.s32 @!p0 $0x1;
	_ =	shalt  }
.Lfunc_end2:
_tile_overlayer_lowered:
.L_overlay_start_2:
0xa2: {  	(tag) =	ssettag $0x2  }
0xa3: {  	s0 =	rddreg [dreg:$0x0];
	s2 =	stileid.u32  }
0xa4: {  	s1 =	rddreg [dreg:$0x1];
	p0 =	sne.s32 s2, $0x0  }
0xa5: {  	s3 =	rddreg [dreg:$0x2];
	[bflag:$0x3] =	sbarrier.arrive $0xFFFF;
	s2 =	simm.s32 @!p0 $0x1C07  }
0xa6: {  	[timem:s3], [sflag:s2] =	dma.local @!p0 [hbm:s0], s1  }
0xa7: {  	s0 =	simm.s32 @!p0 $0x7  }
0xa8: {  	_ =	swait.ge @!p0 [sflag:s0], s1  }
0xa9: {  	s1 =	ssub.s32 @!p0 $0x0, s1;
	[sflag:s0] =	ssyncset.done @!p0 $0x0  }
0xaa: {  	[sflag:s0] =	ssyncadd.s32 @!p0 s1  }
0xab: {  	[bflag:$0x3] =	sbarrier.arrive $0xFFFF  }
0xac: {  	_ =	shalt  }

// kernel: kernel.8.cloned.1.call-start
scs
__scs_entry_jumppad:
0x0: {  	(pc) =	sbr.rel $0x88, $3  }
0x1: {  	(tag) =	ssettag $0x0;
	lr =	simm.s32 $0x1  }
0x2: {  	[smem:$0x3F9B] =	sst lr;
	_ =	strace $0xD0000000  }
0x3: {  	_ = 	snop  }
0x4: {  	_ = 	snop  }
0x5: {  	_ = 	snop  }
0x6: {  	_ = 	snop  }
0x7: {  	_ = 	snop  }
__scs_overlays_trampoline_lowered:
0x8: {  	[smem:$0x3FAA] =	sst s0  }
0x9: {  	[smem:$0x3FAB] =	sst s1  }
0xa: {  	[smem:$0x3FAC] =	sst s2  }
0xb: {  	[smem:$0x3FAD] =	sst s3  }
0xc: {  	[smem:$0x3FAE] =	sst s4  }
0xd: {  	[smem:$0x3FAF] =	sst s5  }
0xe: {  	[smem:$0x3FB0] =	sst s6  }
0xf: {  	[smem:$0x3FB1] =	sst s7  }
0x10: {  	[smem:$0x3FB2] =	sst s8  }
0x11: {  	[smem:$0x3FB3] =	sst s9;
	s0 =	simm.s32 @!p0 $0x0  }
0x12: {  	s1 =	sld [smem:$0x3F99];
	s0 =	simm.s32 @p0 $0x1  }
0x13: {  	[smem:$0x3FB4] =	sst s0;
	s0 =	simm.s32 @!p1 $0x0  }
0x14: {  	s2 =	sld [smem:$0x3F98];
	s0 =	simm.s32 @p1 $0x1  }
0x15: {  	[smem:$0x3FB5] =	sst s0;
	s0 =	simm.s32 @!p2 $0x0  }
0x16: {  	s3 =	sld [smem:$0x3FDB];
	s0 =	simm.s32 @p2 $0x1  }
0x17: {  	s4 =	simm.s32 $0x1BF5;
	[smem:$0x3FB7] =	sst s0  }
0x18: {  	s0 =	sld [smem:$0x3F9A];
	_ =	swait.ge [sflag:s4], $0x0  }
0x19: {  	s7 =	sld [smem:$0x3F9B]  }
0x1a: {  	s8 =	sadd.s32 $0xFFFFE003, lr  }
0x1b: {  	s9 =	sadd.s32 $0xFFFFFEF7, lr;
	s5 =	simm.s32 $0xFFFFFFFF;
	p2 =	slt.u32 s8, $0xFFFFF086  }
0x1c: {  	p1 =	slt.u32 s9, $0xF7A;
	s5 =	simm.s32 @!p2 $0x0  }
0x1d: {  	s5 =	simm.s32 @p1 $0x1;
	p0 =	seq.s32 s7, s2  }
0x1e: {  	s7 =	smul.u32 @!p0 $0xF7A, s2;
	p2 =	seq.s32 @!p0 s5, $0x0  }
0x1f: {  	s9 =	smul.u32 $0xF7A, s1;
	s8 =	simm.s32 @!p0 $0x1BF5;
	p2 =	por !p2, p0  }
0x20: {  	[sflag:s8] =	ssyncset.s32 @!p0 $0xFFFFF086;
	s6 =	sadd.s32 @!p0 s3, s7;
	s7 =	simm.s32 @!p0 $0x108  }
0x21: {  	s3 =	sadd.s32 s3, s9;
	s6 =	sadd.s32 @!p0 $0x88, s6;
	s7 =	simm.s32 @p2 $0x1082  }
0x22: {  	[simem:s7], [sflag:s8] =	dma.local @!p0 [hbm:s6], $0xF7A  }
0x23: {  	s9 =	sor.u32 $0xD0000000, s2;
	s6 =	simm.s32 $0x108;
	_ =	swait.ge @!p0 [sflag:s8], $0x0  }
0x24: {  	s3 =	sadd.s32 $0x88, s3;
	s6 =	simm.s32 @!p1 $0x1082;
	[sflag:s4] =	ssyncset.s32 $0xFFFFF086  }
0x25: {  	[simem:s6], [sflag:s4] =	dma.local [hbm:s3], $0xF7A  }
0x26: {  	[smem:$0x3F9B] =	sst s1;
	(tag) =	ssettag s2;
	_ =	strace s9  }
0x27: {  	s1 =	sld [smem:$0x3FAB]  }
0x28: {  	s2 =	sld [smem:$0x3FAC]  }
0x29: {  	s4 =	sld [smem:$0x3FAE]  }
0x2a: {  	p0 =	seq.s32 s5, $0x0;
	s5 =	sld [smem:$0x3FAF]  }
0x2b: {  	s6 =	sld [smem:$0x3FB0]  }
0x2c: {  	s7 =	sld [smem:$0x3FB1]  }
0x2d: {  	s3 =	simm.s32 $0x108;
	s8 =	sld [smem:$0x3FB2]  }
0x2e: {  	s3 =	simm.s32 @!p0 $0x1082;
	s9 =	sld [smem:$0x3FB3]  }
0x2f: {  	lr =	sadd.s32 s0, s3;
	s0 =	sld [smem:$0x3FAA]  }
0x30: {  	s3 =	sld [smem:$0x3FAD]  }
0x31: {  	[smem:$0x3FB6] =	sst s10  }
0x32: {  	s10 =	sld [smem:$0x3FB4];
	_ =	sdelay $0x3  }
0x33: {  	p0 =	seq.s32 s10, $0x1;
	s10 =	sld [smem:$0x3FB6];
	_ =	sdelay $0x3  }
0x34: {  	[smem:$0x3FB6] =	sst s10  }
0x35: {  	s10 =	sld [smem:$0x3FB5];
	_ =	sdelay $0x3  }
0x36: {  	p1 =	seq.s32 s10, $0x1;
	s10 =	sld [smem:$0x3FB6];
	_ =	sdelay $0x3  }
0x37: {  	[smem:$0x3FB6] =	sst s10  }
0x38: {  	s10 =	sld [smem:$0x3FB7]  }
0x39: {  	_ = 	snop;
	(pc) =	sbr.ind lr, $3  }
0x3a: {  	_ = 	snop  }
0x3b: {  	_ = 	snop  }
0x3c: {  	p2 =	seq.s32 s10, $0x1;
	s10 =	sld [smem:$0x3FB6]  }
0x3d: {  	_ =	shalt  }
0x3e: {  	_ =	shalt  }
0x3f: {  	_ =	shalt  }
0x40: {  	_ =	shalt  }
0x41: {  	_ =	shalt  }
0x42: {  	_ =	shalt  }
0x43: {  	_ =	shalt  }
0x44: {  	_ =	shalt  }
0x45: {  	_ =	shalt  }
0x46: {  	_ =	shalt  }
0x47: {  	_ =	shalt  }
0x48: {  	_ =	shalt  }
0x49: {  	_ =	shalt  }
0x4a: {  	_ =	shalt  }
0x4b: {  	_ =	shalt  }
0x4c: {  	_ =	shalt  }
0x4d: {  	_ =	shalt  }
0x4e: {  	_ =	shalt  }
0x4f: {  	_ =	shalt  }
0x50: {  	_ =	shalt  }
0x51: {  	_ =	shalt  }
0x52: {  	_ =	shalt  }
0x53: {  	_ =	shalt  }
0x54: {  	_ =	shalt  }
0x55: {  	_ =	shalt  }
0x56: {  	_ =	shalt  }
0x57: {  	_ =	shalt  }
0x58: {  	_ =	shalt  }
0x59: {  	_ =	shalt  }
0x5a: {  	_ =	shalt  }
0x5b: {  	_ =	shalt  }
0x5c: {  	_ =	shalt  }
0x5d: {  	_ =	shalt  }
0x5e: {  	_ =	shalt  }
0x5f: {  	_ =	shalt  }
0x60: {  	_ =	shalt  }
0x61: {  	_ =	shalt  }
0x62: {  	_ =	shalt  }
0x63: {  	_ =	shalt  }
0x64: {  	_ =	shalt  }
0x65: {  	_ =	shalt  }
0x66: {  	_ =	shalt  }
0x67: {  	_ =	shalt  }
0x68: {  	_ =	shalt  }
0x69: {  	_ =	shalt  }
0x6a: {  	_ =	shalt  }
0x6b: {  	_ =	shalt  }
0x6c: {  	_ =	shalt  }
0x6d: {  	_ =	shalt  }
0x6e: {  	_ =	shalt  }
0x6f: {  	_ =	shalt  }
0x70: {  	_ =	shalt  }
0x71: {  	_ =	shalt  }
0x72: {  	_ =	shalt  }
0x73: {  	_ =	shalt  }
0x74: {  	_ =	shalt  }
0x75: {  	_ =	shalt  }
0x76: {  	_ =	shalt  }
0x77: {  	_ =	shalt  }
0x78: {  	_ =	shalt  }
0x79: {  	_ =	shalt  }
0x7a: {  	_ =	shalt  }
0x7b: {  	_ =	shalt  }
0x7c: {  	_ =	shalt  }
0x7d: {  	_ =	shalt  }
0x7e: {  	_ =	shalt  }
0x7f: {  	_ =	shalt  }
0x80: {  	_ =	shalt  }
0x81: {  	_ =	shalt  }
0x82: {  	_ =	shalt  }
0x83: {  	_ =	shalt  }
0x84: {  	_ =	shalt  }
0x85: {  	_ =	shalt  }
0x86: {  	_ =	shalt  }
0x87: {  	_ =	shalt  }
.Lfunc_end0:
.L_simem_size_0:
called_computation_lowered:
.L_overlay_start_0:
0x88: {  	s2 =	sld [smem:$0x3FD9]  }
0x89: {  	s3 =	sld [smem:$0x3FFE];
	_ =	sdelay $0x1  }
0x8a: {  	s1 =	srdreg.scid  }
0x8b: {  	s0 =	sand.u32 $0x1, s1  }
0x8c: {  	s17 =	sshll.u32 s0, $0xA;
	s2 =	sadd.s32 s3, s2  }
0x8d: {  	s2 =	sadd.s32 s2, s17  }
0x8e: {  	[smem:$0x3FC2] =	sst s2  }
0x8f: {  	_ = 	snop  }
0x90: {  	s2 =	sld [smem:$0x3FD0];
	(tm) =	ssettm $0x1  }
0x91: {  	s18 =	sld [smem:$0x3FFB];
	_ =	sdelay $0x3  }
0x92: {  	_ =	strace s18  }
0x93: {  	s3 =	sld [smem:$0x3FFC];
	_ =	sdelay $0x3  }
0x94: {  	_ =	strace s3  }
0x95: {  	s3 =	sld [smem:$0x3FFD];
	_ =	sdelay $0x3  }
0x96: {  	_ =	strace s3  }
0x97: {  	_ =	strace $0x8FFFFFFF  }
0x98: {  	s19 =	sld [smem:$0x3FDB];
	_ =	sdelay $0x1  }
0x99: {  	s4 =	simm.s32 $_scs_section_size  }
0x9a: {  	s5 =	simm.s32 $_size__tile_overlayer_lowered;
	s6 =	simm.s32 $_tile_overlayer_lowered  }
0x9b: {  	s22 =	simm.s32 $0x1BFF;
	s21 =	sshll.u32 s6, $0x1;
	s3 =	sadd.s32 s4, s19  }
0x9c: {  	s7 =	simm.s32 $0x0;
	s20 =	sshll.u32 s5, $0x1;
	s5 =	sadd.s32 s21, s3  }
0x9d: {  	[timem:s7], [sflag:s22] =	dma.local [hbm:s5], s20  }
0x9e: {  	_ =	swait.ge [sflag:s22], s20  }
0x9f: {  	s4 =	ssub.s32 $0x0, s20;
	[sflag:s22] =	ssyncset.done $0x0  }
0xa0: {  	[sflag:s22] =	ssyncadd.s32 s4;
	_ =	sdelay $0x1  }
0xa1: {  	s23 =	simm.s32 $0x1B8B  }
0xa2: {  	_ =	swait.ge [sflag:s23], $0x1  }
0xa3: {  	[sflag:s23] =	ssyncset.done $0x0  }
0xa4: {  	s25 =	simm.s32 $0x1B8E;
	s24 =	sld [smem:$0x3FFE];
	[sflag:s23] =	ssyncadd.s32 $0xFFFFFFFF  }
0xa5: {  	s26 =	simm.s32 $execute0_lowered;
	[smem:$0x3FD2] =	sst s25  }
0xa6: {  	s5 =	sshll.u32 s26, $0x1;
	_ =	strace $0x80000046;
	[dreg:$0x1] =	wrdreg $0xFFFFFFFF  }
0xa7: {  	s28 =	simm.s32 $_size_execute0_lowered;
	s3 =	sadd.s32 s3, s5;
	[dreg:$0x0] =	wrdreg $0x0  }
0xa8: {  	s5 =	sshll.u32 s28, $0x1;
	[dreg:$0x2] =	wrdreg s3  }
0xa9: {  	[dreg:$0x3] =	wrdreg s5  }
0xaa: {  	[dreg:$0x4] =	wrdreg $0xC0  }
0xab: {  	_ =	task [dreg:s7], $0x5FFFF  }
0xac: {  	[dreg:$0x1] =	wrdreg $0xFFFFFFFF  }
0xad: {  	[dreg:$0x0] =	wrdreg $0x60  }
0xae: {  	[dreg:$0x2] =	wrdreg s2  }
0xaf: {  	[dreg:$0x3] =	wrdreg s24  }
0xb0: {  	[dreg:$0x4] =	wrdreg $0x88800  }
0xb1: {  	[dreg:$0x5] =	wrdreg $0x9  }
0xb2: {  	_ =	task.clear_ibuf [dreg:s7], $0x6FFFF;
	_ =	strace $0x90000046  }
0xb3: {  	s29 =	simm.s32 $0x9;
	_ =	strace $0x80000048  }
0xb4: {  	_ =	swait.ge [sflag:s29], $0x1  }
0xb5: {  	[sflag:s29] =	ssyncadd.s32 $0xFFFFFFFF  }
0xb6: {  	_ =	strace $0x90000048  }
0xb7: {  	_ =	sfence  }
0xb8: {  	s30 =	sld [smem:$0x0];
	_ =	sdelay $0x2  }
0xb9: {  	s31 =	sshll.u32 s1, $0xD;
	s1 =	sshrl.u32 s1, $0x2  }
0xba: {  	s3 =	sand.u32 $0x4000, s31;
	s1 =	sadd.s32 s1, s30  }
0xbb: {  	s0 =	sor.u32 s3, s0;
	s1 =	sshll.u32 s1, $0x11  }
0xbc: {  	s0 =	sor.u32 s1, s0  }
0xbd: {  	s0 =	sadd.s32 $0x8F2B, s0  }
0xbe: {  	[sflag:s0] =	ssyncadd.remote.s32 $0x1  }
0xbf: {  	_ =	sfence.sel $0xFFFF  }
0xc0: {  	[dreg:$0x0] =	wrdreg $0xFFFFFFFF;
	(pc) =	sbr.abs _section_cstart, $3  }
0xc1: {  	[dreg:$0x1] =	wrdreg $0xFFFFFFFF  }
0xc2: {  	_ =	task.clear_ibuf [dreg:s7], $0x2FFFF;
	_ =	strace $0x9FFFFFFF  }
0xc3: {  	(tm) =	ssettm $0x7FFFFFFF  }
tec
execute0_lowered:
.L_overlay_start_1:
0x0: {  	(tag) =	ssettag $0x1  }
0x1: {  	s5 =	rddreg [dreg:$0x0]  }
0x2: {  	s3 =	rddreg [dreg:$0x1]  }
0x3: {  	s1 =	rddreg [dreg:$0x2]  }
0x4: {  	s4 =	srdreg.scid;
	s0 =	rddreg [dreg:$0x3]  }
0x5: {  	s2 =	simm.s32 $0x0;
	s10 =	stileid.u32;
	s12 =	simm.s32 $0x50  }
0x6: {  	s13 =	simm.s32 $0x8000;
	s14 =	simm.s32 $0x1;
	s6 =	sand.u32 $0x1, s4  }
0x7: {  	[smem:$0x7FF] =	sst s2;
	s31 =	sshll.u32 s10, $0xC;
	p0 =	sne.s32 s10, $0x0  }
0x8: {  	s10 =	simm.s32 $0x8080;
	s4 =	smul.u32 $0x4F0, s6;
	_ =	strace $0x80000047  }
0x9: {  	s7 =	ssub.s32 $0x2, s6;
	s11 =	sshll.u32 s6, $0x10;
	s6 =	sadd.s32 $0x1F40, s1  }
0xa: {  	s15 =	sshrl.u32 @!p0 s1, $0x3;
	s30 =	sshrl.u32 s7, $0x1;
	s8 =	sadd.s32 s4, s3  }
0xb: {  	s9 =	ssub.s32 s7, s30;
	s3 =	sadd.s32 $0x7D0, s1;
	s7 =	sadd.s32 s5, s31  }
0xc: {  	s4 =	sadd.s32 $0xFA0, s1;
	s5 =	sadd.s32 $0x1770, s1;
	s7 =	sadd.s32 s11, s7  }
0xd: {  	v0 =	vimm.f32 $1.000000000e+00;
	v1 =	vimm.f32 $0.0e+00;
	s8 =	sadd.s32 $0x2200, s8;
	s9 =	smax.u32 s9, $0x1;
	s11 =	simm.s32 $0x2  }
.LBB2_1:
.Ltmp0:
0xe: {  	[tilespmem:$0x8000] =	vst v0;
	(pc) =	sbr.rel @p0 .LBB2_5-.Ltmp0, $4  }
0xf: {  	[tilespmem:$0x8010] =	vst v0  }
0x10: {  	[tilespmem:$0x8020] =	vst v0  }
0x11: {  	[tilespmem:$0x8030] =	vst v0  }
0x12: {  	[tilespmem:$0x8040] =	vst v0  }
0x13: {  	s16 =	simm.s32 $0x40;
	s17 =	simm.s32 $0x0  }
.LBB2_3:
0x14: {  	p1 =	sne.s32 s16, $0x1F00;
	[tilespmem:s17+$0x8080] =	vst v1;
	s17 =	smov.u32 s16;
	s16 =	sadd.s32 $0x40, s16  }
.Ltmp1:
0x15: {  	(pc) =	sbr.rel @p1 .LBB2_3-.Ltmp1, $2  }
0x16: {  	_ =	sdelay $0x2  }
0x17: {  	s17 =	sshra.s32 s17, $0x2  }
0x18: {  	[tilespmem:s17+$0x8080] =	vst v1  }
0x19: {  	[spmem:s1] =	stream.linear.scatter [tilespmem:s10], [sflag:$0x2], $0x7D0, $0x38;
	[tilespmem:$0x8AF8] =	vst v63  }
0x1a: {  	_ =	swait.ge [sflag:s11], $0x7D0  }
0x1b: {  	[sflag:s11] =	ssyncset.done $0x0  }
0x1c: {  	[sflag:s11] =	ssyncadd.s32 $0xFFFFF830  }
0x1d: {  	[spmem:s3] =	stream.linear.scatter [tilespmem:s10], [sflag:$0x2], $0x7D0, $0x38;
	[tilespmem:$0x8AF8] =	vst v63  }
0x1e: {  	_ =	swait.ge [sflag:s11], $0x7D0  }
0x1f: {  	[sflag:s11] =	ssyncset.done $0x0  }
0x20: {  	[sflag:s11] =	ssyncadd.s32 $0xFFFFF830  }
0x21: {  	[spmem:s4] =	stream.linear.scatter [tilespmem:s10], [sflag:$0x2], $0x7D0, $0x38;
	[tilespmem:$0x8AF8] =	vst v63  }
0x22: {  	_ =	swait.ge [sflag:s11], $0x7D0  }
0x23: {  	[sflag:s11] =	ssyncset.done $0x0  }
0x24: {  	[sflag:s11] =	ssyncadd.s32 $0xFFFFF830  }
0x25: {  	[spmem:s5] =	stream.linear.scatter [tilespmem:s10], [sflag:$0x2], $0x7D0, $0x38;
	[tilespmem:$0x8AF8] =	vst v63  }
0x26: {  	_ =	swait.ge [sflag:s11], $0x7D0  }
0x27: {  	[sflag:s11] =	ssyncset.done $0x0  }
0x28: {  	[sflag:s11] =	ssyncadd.s32 $0xFFFFF830  }
0x29: {  	[spmem:s6] =	stream.linear.scatter [tilespmem:s10], [sflag:$0x2], $0x7D0, $0x38;
	[tilespmem:$0x8AF8] =	vst v63  }
0x2a: {  	_ =	swait.ge [sflag:s11], $0x7D0  }
0x2b: {  	[sflag:s11] =	ssyncset.done $0x0  }
0x2c: {  	[sflag:s11] =	ssyncadd.s32 $0xFFFFF830  }
.LBB2_5:
0x2d: {  	s16 =	simm.s32 $0x0  }
0x2e: {  	[tilespmem:s16], [sflag:$0x2] =	stream.linear.gather [hbm4b:s7+s16], $0x7D00, $0x38;
	[tilespmem:$0x8AF8] =	vst v63  }
0x2f: {  	_ =	swait.ge [sflag:s11], $0x7D00  }
0x30: {  	[sflag:s11] =	ssyncset.done $0x0  }
0x31: {  	[sflag:s11] =	ssyncadd.s32 $0xFFFF8300  }
0x32: {  	s21 =	simm.s32 $0x0;
	[bflag:$0x0] =	sbarrier.arrive $0xFFFF  }
0x33: {  	[spmem:s1] =	stream.indirect.scatter.add.f32 [tilespmem:s13], [sflag:$0x1], $0x1, s21, s12, $0xb8;
	[tilespmem:$0x8AF8] =	vst v63  }
0x34: {  	s22 =	simm.s32 $0x80  }
0x35: {  	[spmem:s1] =	stream.indirect.scatter.add.f32 [tilespmem:s13], [sflag:$0x1], $0x1, s22, s12, $0xb8;
	[tilespmem:$0x8AF8] =	vst v63  }
0x36: {  	s23 =	simm.s32 $0x100  }
0x37: {  	[spmem:s1] =	stream.indirect.scatter.add.f32 [tilespmem:s13], [sflag:$0x1], $0x1, s23, s12, $0xb8;
	[tilespmem:$0x8AF8] =	vst v63  }
0x38: {  	s24 =	simm.s32 $0x180  }
0x39: {  	[spmem:s1] =	stream.indirect.scatter.add.f32 [tilespmem:s13], [sflag:$0x1], $0x1, s24, s12, $0xb8;
	[tilespmem:$0x8AF8] =	vst v63  }
0x3a: {  	s25 =	simm.s32 $0x200  }
0x3b: {  	[spmem:s1] =	stream.indirect.scatter.add.f32 [tilespmem:s13], [sflag:$0x1], $0x1, s25, s12, $0xb8;
	[tilespmem:$0x8AF8] =	vst v63  }
0x3c: {  	s26 =	simm.s32 $0x280  }
0x3d: {  	[spmem:s1] =	stream.indirect.scatter.add.f32 [tilespmem:s13], [sflag:$0x1], $0x1, s26, s12, $0xb8;
	[tilespmem:$0x8AF8] =	vst v63  }
0x3e: {  	s28 =	simm.s32 $0x300  }
0x3f: {  	[spmem:s1] =	stream.indirect.scatter.add.f32 [tilespmem:s13], [sflag:$0x1], $0x1, s28, s12, $0xb8;
	[tilespmem:$0x8AF8] =	vst v63  }
0x40: {  	s29 =	simm.s32 $0x380  }
0x41: {  	[spmem:s1] =	stream.indirect.scatter.add.f32 [tilespmem:s13], [sflag:$0x1], $0x1, s29, s12, $0xb8;
	[tilespmem:$0x8AF8] =	vst v63  }
0x42: {  	s30 =	simm.s32 $0x400  }
0x43: {  	[spmem:s1] =	stream.indirect.scatter.add.f32 [tilespmem:s13], [sflag:$0x1], $0x1, s30, s12, $0xb8;
	[tilespmem:$0x8AF8] =	vst v63  }
0x44: {  	s31 =	simm.s32 $0x480  }
0x45: {  	[spmem:s1] =	stream.indirect.scatter.add.f32 [tilespmem:s13], [sflag:$0x1], $0x1, s31, s12, $0xb8;
	[tilespmem:$0x8AF8] =	vst v63  }
0x46: {  	_ =	swait.ge [sflag:s14], $0x50  }
0x47: {  	[sflag:s14] =	ssyncset.done $0x0  }
0x48: {  	[sflag:s14] =	ssyncadd.s32 $0xFFFFFFB0  }
0x49: {  	_ =	swait.ge [sflag:s14], $0x50  }
0x4a: {  	[sflag:s14] =	ssyncset.done $0x0  }
0x4b: {  	[sflag:s14] =	ssyncadd.s32 $0xFFFFFFB0  }
0x4c: {  	_ =	swait.ge [sflag:s14], $0x50  }
0x4d: {  	[sflag:s14] =	ssyncset.done $0x0  }
0x4e: {  	[sflag:s14] =	ssyncadd.s32 $0xFFFFFFB0  }
0x4f: {  	_ =	swait.ge [sflag:s14], $0x50  }
0x50: {  	[sflag:s14] =	ssyncset.done $0x0  }
0x51: {  	[sflag:s14] =	ssyncadd.s32 $0xFFFFFFB0  }
0x52: {  	_ =	swait.ge [sflag:s14], $0x50  }
0x53: {  	[sflag:s14] =	ssyncset.done $0x0  }
0x54: {  	[sflag:s14] =	ssyncadd.s32 $0xFFFFFFB0  }
0x55: {  	_ =	swait.ge [sflag:s14], $0x50  }
0x56: {  	[sflag:s14] =	ssyncset.done $0x0  }
0x57: {  	[sflag:s14] =	ssyncadd.s32 $0xFFFFFFB0  }
0x58: {  	_ =	swait.ge [sflag:s14], $0x50  }
0x59: {  	[sflag:s14] =	ssyncset.done $0x0  }
0x5a: {  	[sflag:s14] =	ssyncadd.s32 $0xFFFFFFB0  }
0x5b: {  	_ =	swait.ge [sflag:s14], $0x50  }
0x5c: {  	[sflag:s14] =	ssyncset.done $0x0  }
0x5d: {  	[sflag:s14] =	ssyncadd.s32 $0xFFFFFFB0  }
0x5e: {  	_ =	swait.ge [sflag:s14], $0x50  }
0x5f: {  	[sflag:s14] =	ssyncset.done $0x0  }
0x60: {  	[sflag:s14] =	ssyncadd.s32 $0xFFFFFFB0  }
0x61: {  	_ =	swait.ge [sflag:s14], $0x50  }
0x62: {  	s18 =	simm.s32 $0x2800;
	s16 =	simm.s32 $0x1400;
	[sflag:s14] =	ssyncset.done $0x0  }
.LBB2_6:
0x63: {  	s19 =	sshra.s32 s16, $0x2  }
0x64: {  	[sflag:s14] =	ssyncadd.s32 $0xFFFFFFB0;
	s16 =	smov.u32 s18;
	s17 =	sadd.s32 $0x1400, s18  }
0x65: {  	[spmem:s1] =	stream.indirect.scatter.add.f32 [tilespmem:s13], [sflag:$0x1], $0x1, s19, s12, $0xb8;
	[tilespmem:$0x8AF8] =	vst v63  }
0x66: {  	p1 =	sne.s32 s18, $0x1E000;
	s18 =	sadd.s32 $0x80, s19  }
0x67: {  	[spmem:s1] =	stream.indirect.scatter.add.f32 [tilespmem:s13], [sflag:$0x1], $0x1, s18, s12, $0xb8;
	[tilespmem:$0x8AF8] =	vst v63  }
0x68: {  	s18 =	sadd.s32 $0x100, s19  }
0x69: {  	[spmem:s1] =	stream.indirect.scatter.add.f32 [tilespmem:s13], [sflag:$0x1], $0x1, s18, s12, $0xb8;
	[tilespmem:$0x8AF8] =	vst v63  }
0x6a: {  	s18 =	sadd.s32 $0x180, s19  }
0x6b: {  	[spmem:s1] =	stream.indirect.scatter.add.f32 [tilespmem:s13], [sflag:$0x1], $0x1, s18, s12, $0xb8;
	[tilespmem:$0x8AF8] =	vst v63  }
0x6c: {  	s18 =	sadd.s32 $0x200, s19  }
0x6d: {  	[spmem:s1] =	stream.indirect.scatter.add.f32 [tilespmem:s13], [sflag:$0x1], $0x1, s18, s12, $0xb8;
	[tilespmem:$0x8AF8] =	vst v63  }
0x6e: {  	s18 =	sadd.s32 $0x280, s19  }
0x6f: {  	[spmem:s1] =	stream.indirect.scatter.add.f32 [tilespmem:s13], [sflag:$0x1], $0x1, s18, s12, $0xb8;
	[tilespmem:$0x8AF8] =	vst v63  }
0x70: {  	s18 =	sadd.s32 $0x300, s19  }
0x71: {  	[spmem:s1] =	stream.indirect.scatter.add.f32 [tilespmem:s13], [sflag:$0x1], $0x1, s18, s12, $0xb8;
	[tilespmem:$0x8AF8] =	vst v63  }
0x72: {  	s18 =	sadd.s32 $0x380, s19  }
0x73: {  	[spmem:s1] =	stream.indirect.scatter.add.f32 [tilespmem:s13], [sflag:$0x1], $0x1, s18, s12, $0xb8;
	[tilespmem:$0x8AF8] =	vst v63  }
0x74: {  	s18 =	sadd.s32 $0x400, s19  }
0x75: {  	[spmem:s1] =	stream.indirect.scatter.add.f32 [tilespmem:s13], [sflag:$0x1], $0x1, s18, s12, $0xb8;
	[tilespmem:$0x8AF8] =	vst v63  }
0x76: {  	s18 =	sadd.s32 $0x480, s19  }
0x77: {  	[spmem:s1] =	stream.indirect.scatter.add.f32 [tilespmem:s13], [sflag:$0x1], $0x1, s18, s12, $0xb8;
	[tilespmem:$0x8AF8] =	vst v63  }
0x78: {  	_ =	swait.ge [sflag:s14], $0x50  }
0x79: {  	[sflag:s14] =	ssyncset.done $0x0  }
0x7a: {  	[sflag:s14] =	ssyncadd.s32 $0xFFFFFFB0  }
0x7b: {  	_ =	swait.ge [sflag:s14], $0x50  }
0x7c: {  	[sflag:s14] =	ssyncset.done $0x0  }
0x7d: {  	[sflag:s14] =	ssyncadd.s32 $0xFFFFFFB0  }
0x7e: {  	_ =	swait.ge [sflag:s14], $0x50  }
0x7f: {  	[sflag:s14] =	ssyncset.done $0x0  }
0x80: {  	[sflag:s14] =	ssyncadd.s32 $0xFFFFFFB0  }
0x81: {  	_ =	swait.ge [sflag:s14], $0x50  }
0x82: {  	[sflag:s14] =	ssyncset.done $0x0  }
0x83: {  	[sflag:s14] =	ssyncadd.s32 $0xFFFFFFB0  }
0x84: {  	_ =	swait.ge [sflag:s14], $0x50  }
0x85: {  	[sflag:s14] =	ssyncset.done $0x0  }
0x86: {  	[sflag:s14] =	ssyncadd.s32 $0xFFFFFFB0  }
0x87: {  	_ =	swait.ge [sflag:s14], $0x50  }
0x88: {  	[sflag:s14] =	ssyncset.done $0x0  }
0x89: {  	[sflag:s14] =	ssyncadd.s32 $0xFFFFFFB0  }
0x8a: {  	_ =	swait.ge [sflag:s14], $0x50  }
0x8b: {  	[sflag:s14] =	ssyncset.done $0x0  }
0x8c: {  	[sflag:s14] =	ssyncadd.s32 $0xFFFFFFB0  }
0x8d: {  	_ =	swait.ge [sflag:s14], $0x50  }
0x8e: {  	[sflag:s14] =	ssyncset.done $0x0  }
0x8f: {  	[sflag:s14] =	ssyncadd.s32 $0xFFFFFFB0  }
.Ltmp2:
0x90: {  	_ =	swait.ge [sflag:s14], $0x50;
	(pc) =	sbr.rel @p1 .LBB2_6-.Ltmp2, $4  }
0x91: {  	[sflag:s14] =	ssyncset.done $0x0  }
0x92: {  	[sflag:s14] =	ssyncadd.s32 $0xFFFFFFB0  }
0x93: {  	_ =	swait.ge [sflag:s14], $0x50  }
0x94: {  	s18 =	smov.u32 s17;
	[sflag:s14] =	ssyncset.done $0x0  }
0x95: {  	s16 =	sshra.s32 s16, $0x2;
	[sflag:s14] =	ssyncadd.s32 $0xFFFFFFB0  }
0x96: {  	[spmem:s1] =	stream.indirect.scatter.add.f32 [tilespmem:s13], [sflag:$0x1], $0x1, s16, s12, $0xb8;
	[tilespmem:$0x8AF8] =	vst v63  }
0x97: {  	s17 =	sadd.s32 $0x80, s16  }
0x98: {  	[spmem:s1] =	stream.indirect.scatter.add.f32 [tilespmem:s13], [sflag:$0x1], $0x1, s17, s12, $0xb8;
	[tilespmem:$0x8AF8] =	vst v63  }
0x99: {  	s24 =	sadd.s32 $0x100, s16  }
0x9a: {  	[spmem:s1] =	stream.indirect.scatter.add.f32 [tilespmem:s13], [sflag:$0x1], $0x1, s24, s12, $0xb8;
	[tilespmem:$0x8AF8] =	vst v63  }
0x9b: {  	s25 =	sadd.s32 $0x180, s16  }
0x9c: {  	[spmem:s1] =	stream.indirect.scatter.add.f32 [tilespmem:s13], [sflag:$0x1], $0x1, s25, s12, $0xb8;
	[tilespmem:$0x8AF8] =	vst v63  }
0x9d: {  	s26 =	sadd.s32 $0x200, s16  }
0x9e: {  	[spmem:s1] =	stream.indirect.scatter.add.f32 [tilespmem:s13], [sflag:$0x1], $0x1, s26, s12, $0xb8;
	[tilespmem:$0x8AF8] =	vst v63  }
0x9f: {  	s28 =	sadd.s32 $0x280, s16  }
0xa0: {  	[spmem:s1] =	stream.indirect.scatter.add.f32 [tilespmem:s13], [sflag:$0x1], $0x1, s28, s12, $0xb8;
	[tilespmem:$0x8AF8] =	vst v63  }
0xa1: {  	s29 =	sadd.s32 $0x300, s16  }
0xa2: {  	[spmem:s1] =	stream.indirect.scatter.add.f32 [tilespmem:s13], [sflag:$0x1], $0x1, s29, s12, $0xb8;
	[tilespmem:$0x8AF8] =	vst v63  }
0xa3: {  	s30 =	sadd.s32 $0x380, s16  }
0xa4: {  	[spmem:s1] =	stream.indirect.scatter.add.f32 [tilespmem:s13], [sflag:$0x1], $0x1, s30, s12, $0xb8;
	[tilespmem:$0x8AF8] =	vst v63  }
0xa5: {  	s31 =	sadd.s32 $0x400, s16  }
0xa6: {  	[spmem:s1] =	stream.indirect.scatter.add.f32 [tilespmem:s13], [sflag:$0x1], $0x1, s31, s12, $0xb8;
	[tilespmem:$0x8AF8] =	vst v63  }
0xa7: {  	s16 =	sadd.s32 $0x480, s16  }
0xa8: {  	[spmem:s1] =	stream.indirect.scatter.add.f32 [tilespmem:s13], [sflag:$0x1], $0x1, s16, s12, $0xb8;
	[tilespmem:$0x8AF8] =	vst v63  }
0xa9: {  	_ =	swait.ge [sflag:s14], $0x50  }
0xaa: {  	[sflag:s14] =	ssyncset.done $0x0  }
0xab: {  	[sflag:s14] =	ssyncadd.s32 $0xFFFFFFB0  }
0xac: {  	_ =	swait.ge [sflag:s14], $0x50  }
0xad: {  	[sflag:s14] =	ssyncset.done $0x0  }
0xae: {  	[sflag:s14] =	ssyncadd.s32 $0xFFFFFFB0  }
0xaf: {  	_ =	swait.ge [sflag:s14], $0x50  }
0xb0: {  	[sflag:s14] =	ssyncset.done $0x0  }
0xb1: {  	[sflag:s14] =	ssyncadd.s32 $0xFFFFFFB0  }
0xb2: {  	_ =	swait.ge [sflag:s14], $0x50  }
0xb3: {  	[sflag:s14] =	ssyncset.done $0x0  }
0xb4: {  	[sflag:s14] =	ssyncadd.s32 $0xFFFFFFB0  }
0xb5: {  	_ =	swait.ge [sflag:s14], $0x50  }
0xb6: {  	[sflag:s14] =	ssyncset.done $0x0  }
0xb7: {  	[sflag:s14] =	ssyncadd.s32 $0xFFFFFFB0  }
0xb8: {  	_ =	swait.ge [sflag:s14], $0x50  }
0xb9: {  	[sflag:s14] =	ssyncset.done $0x0  }
0xba: {  	[sflag:s14] =	ssyncadd.s32 $0xFFFFFFB0  }
0xbb: {  	_ =	swait.ge [sflag:s14], $0x50  }
0xbc: {  	[sflag:s14] =	ssyncset.done $0x0  }
0xbd: {  	[sflag:s14] =	ssyncadd.s32 $0xFFFFFFB0  }
0xbe: {  	_ =	swait.ge [sflag:s14], $0x50  }
0xbf: {  	[sflag:s14] =	ssyncset.done $0x0  }
0xc0: {  	[sflag:s14] =	ssyncadd.s32 $0xFFFFFFB0  }
0xc1: {  	_ =	swait.ge [sflag:s14], $0x50  }
0xc2: {  	[sflag:s14] =	ssyncset.done $0x0  }
0xc3: {  	[sflag:s14] =	ssyncadd.s32 $0xFFFFFFB0  }
0xc4: {  	_ =	swait.ge [sflag:s14], $0x50  }
0xc5: {  	[sflag:s14] =	ssyncset.done $0x0  }
0xc6: {  	s2 =	sadd.s32 $0x1, s2;
	[sflag:s14] =	ssyncadd.s32 $0xFFFFFFB0  }
0xc7: {  	p1 =	sne.s32 s2, s9;
	s16 =	simm.s32 @!p0 $0x1C02;
	[bflag:$0x0] =	sbarrier.arrive $0xFFFF  }
0xc8: {  	[hbm:s8], [sflag:s16] =	dma.local @!p0 [spmem:s15], $0x4F0  }
.Ltmp3:
0xc9: {  	_ = 	snop;
	(pc) =	sbr.rel @p1 .LBB2_1-.Ltmp3, $4  }
0xca: {  	s16 =	simm.s32 @!p0 $0x2  }
0xcb: {  	_ =	swait.ge @!p0 [sflag:s16], $0x4F0  }
0xcc: {  	[sflag:s16] =	ssyncset.done @!p0 $0x0  }
0xcd: {  	[sflag:s16] =	ssyncadd.s32 @!p0 $0xFFFFFB10  }
0xce: {  	_ =	sfence.sel $0x180000  }
0xcf: {  	[bflag:$0x0] =	sbarrier.arrive $0xFFFF  }
0xd0: {  	_ =	strace $0x90000047  }
0xd1: {  	s0 =	sadd.s32 @!p0 $0x100000, s0;
	[bflag:$0x2] =	sbarrier.arrive $0xFFFF  }
0xd2: {  	[sflag:s0] =	ssyncadd.tile.s32 @!p0 $0x1;
	_ =	shalt  }
.Lfunc_end2:
_tile_overlayer_lowered:
.L_overlay_start_2:
0xd3: {  	(tag) =	ssettag $0x2  }
0xd4: {  	s0 =	rddreg [dreg:$0x0];
	s2 =	stileid.u32  }
0xd5: {  	s1 =	rddreg [dreg:$0x1];
	p0 =	sne.s32 s2, $0x0  }
0xd6: {  	s3 =	rddreg [dreg:$0x2];
	[bflag:$0x3] =	sbarrier.arrive $0xFFFF;
	s2 =	simm.s32 @!p0 $0x1C02  }
0xd7: {  	[timem:s3], [sflag:s2] =	dma.local @!p0 [hbm:s0], s1  }
0xd8: {  	s0 =	simm.s32 @!p0 $0x2  }
0xd9: {  	_ =	swait.ge @!p0 [sflag:s0], s1  }
0xda: {  	s1 =	ssub.s32 @!p0 $0x0, s1;
	[sflag:s0] =	ssyncset.done @!p0 $0x0  }
0xdb: {  	[sflag:s0] =	ssyncadd.s32 @!p0 s1  }
0xdc: {  	[bflag:$0x3] =	sbarrier.arrive $0xFFFF  }
0xdd: {  	_ =	shalt  }

</sc_bundles>
